<compile_context>
chip_gen: v7x
topology: tpu7x:2x2x1
jax: 0.10.2.dev20260603
libtpu: 0.0.44.dev20260713+nightly
codegen_flags: <defaults>
</compile_context>

<pallas_src>
import functools

import jax
import jax.numpy as jnp
from jax import lax
from jax.experimental import pallas as pl
from jax.experimental.pallas import tpu as pltpu
from jax.experimental.pallas import tpu_sc as plsc

_V = 100000
_D = 64
_B = 1024
_L = 50

_NC = 2
_NS = 16
_NW = _NC * _NS
_BPW = _B // _NW
_RPW = _BPW * _L
_CHUNK = 128

_mesh = plsc.VectorSubcoreMesh(core_axis_name="c", subcore_axis_name="s")


@functools.partial(
    pl.kernel,
    mesh=_mesh,
    out_type=jax.ShapeDtypeStruct((_B, _D), jnp.float32),
    scratch_types=[
        pltpu.VMEM((_RPW,), jnp.int32),
        pltpu.VMEM((_RPW, _D), jnp.float32),
        pltpu.VMEM((_RPW,), jnp.float32),
        pltpu.VMEM((_BPW, _D), jnp.float32),
        pltpu.SemaphoreType.DMA,
    ],
    compiler_params=pltpu.CompilerParams(
        needs_layout_passes=False, use_tc_tiling_on_sc=False),
)
def _sc_pool(idx_hbm, emb_hbm, x_hbm, idx_v, rows_v, scales_v, x_v, sem):
    wid = lax.axis_index("s") * _NC + lax.axis_index("c")
    base = wid * _RPW
    pltpu.sync_copy(idx_hbm.at[pl.ds(base, _RPW)], idx_v)

    copies = []
    off = 0
    while off < _RPW:
        sz = min(_CHUNK, _RPW - off)
        copies.append(pltpu.async_copy(
            emb_hbm.at[idx_v.at[pl.ds(off, sz)]],
            rows_v.at[pl.ds(off, sz)],
            sem,
        ))
        off += sz
    for cp in copies:
        cp.wait()

    def g_body(g, carry):
        r0 = g * 16
        row_ids = r0 + lax.iota(jnp.int32, 16)
        acc = jnp.zeros((16,), jnp.float32)
        for d in range(_D):
            col = jnp.full((16,), d, jnp.int32)
            v = plsc.load_gather(rows_v, [row_ids, col])
            acc = acc + v * v
        i = plsc.bitcast(acc, jnp.int32)
        y = plsc.bitcast(jnp.int32(0x5F3759DF) - (i >> 1), jnp.float32)
        y = y * (1.5 - 0.5 * acc * y * y)
        y = y * (1.5 - 0.5 * acc * y * y)
        scales_v[pl.ds(r0, 16)] = jnp.where(
            acc > 1.0, y, jnp.float32(1.0)) * jnp.float32(1.0 / _L)
        return carry

    lax.fori_loop(0, _RPW // 16, g_body, 0, unroll=2)

    def b_body(bb, carry):
        def l_body(l, accs):
            a0, a1, a2, a3 = accs
            r = bb * _L + l
            s = plsc.load_gather(scales_v, [jnp.full((16,), r, jnp.int32)])
            return (a0 + rows_v[r, pl.ds(0, 16)] * s,
                    a1 + rows_v[r, pl.ds(16, 16)] * s,
                    a2 + rows_v[r, pl.ds(32, 16)] * s,
                    a3 + rows_v[r, pl.ds(48, 16)] * s)

        z = jnp.zeros((16,), jnp.float32)
        a0, a1, a2, a3 = lax.fori_loop(0, _L, l_body, (z, z, z, z),
                                       unroll=2)
        x_v[bb, pl.ds(0, 16)] = a0
        x_v[bb, pl.ds(16, 16)] = a1
        x_v[bb, pl.ds(32, 16)] = a2
        x_v[bb, pl.ds(48, 16)] = a3
        return carry

    lax.fori_loop(0, _BPW, b_body, 0)
    pltpu.sync_copy(x_v, x_hbm.at[pl.ds(wid * _BPW, _BPW)])


_VT = 2048
_NVT = (_V + _VT - 1) // _VT
_ST = 512
_NST = _VT // _ST
_TAILR = _V - (_NVT - 1) * _VT
_TFULL = _TAILR // _ST
_TREM = _TAILR - _TFULL * _ST


def _mm_t_body(wt_ref, x_ref, b_ref, o_hbm, o_vmem, sems):
    j = pl.program_id(0)
    slot = lax.rem(j, 2)

    def dma(slot_, s, dst_row, nrows, src_row):
        return pltpu.make_async_copy(
            o_vmem.at[slot_, pl.ds(src_row, nrows)],
            o_hbm.at[pl.ds(dst_row, nrows)],
            sems.at[slot_, s])

    @pl.when(j >= 2)
    def _():
        for s in range(_NST):
            dma(slot, s, (j - 2) * _VT + s * _ST, _ST, s * _ST).wait()

    for s in range(_NST):
        acc = lax.dot_general(
            wt_ref[:, pl.ds(s * _ST, _ST)], x_ref[...],
            dimension_numbers=(((0,), (1,)), ((), ())),
            preferred_element_type=jnp.float32,
        ) + b_ref[pl.ds(s * _ST, _ST), :]
        o_vmem[slot, pl.ds(s * _ST, _ST), :] = acc

        @pl.when(j < _NVT - 1)
        def _():
            dma(slot, s, j * _VT + s * _ST, _ST, s * _ST).start()

    @pl.when(j == _NVT - 1)
    def _():
        for s in range(_TFULL):
            dma(slot, s, j * _VT + s * _ST, _ST, s * _ST).start()
        dma(slot, _TFULL, j * _VT + _TFULL * _ST, _TREM, _TFULL * _ST).start()
        for s in range(_NST):
            dma(1 - slot, s, (j - 1) * _VT + s * _ST, _ST, s * _ST).wait()
        for s in range(_TFULL):
            dma(slot, s, j * _VT + s * _ST, _ST, s * _ST).wait()
        dma(slot, _TFULL, j * _VT + _TFULL * _ST, _TREM, _TFULL * _ST).wait()


def _project_t(Wt, x, bc):
    return pl.pallas_call(
        _mm_t_body,
        grid=(_NVT,),
        in_specs=[
            pl.BlockSpec((_D, _VT), lambda j: (0, j)),
            pl.BlockSpec((_B, _D), lambda j: (0, 0)),
            pl.BlockSpec((_VT, 1), lambda j: (j, 0)),
        ],
        out_specs=pl.BlockSpec(memory_space=pl.ANY),
        out_shape=jax.ShapeDtypeStruct((_V, _B), jnp.float32),
        scratch_shapes=[
            pltpu.VMEM((2, _VT, _B), jnp.float32),
            pltpu.SemaphoreType.DMA((2, _NST)),
        ],
        compiler_params=pltpu.CompilerParams(
            dimension_semantics=("arbitrary",),
        ),
    )(Wt, x, bc)


def kernel(inputs_, emb, W, b):
    idx = inputs_.reshape(-1).astype(jnp.int32)
    x = _sc_pool(idx, emb)
    out_t = _project_t(W.T, x, b.reshape(_V, 1))
    return out_t.T

# --- scband reference (transcript-rebuilt; emitter-appended) ---
"""Pipeline reference for scband-cbow-10436770529891 (READ-ONLY COPY).

The authoritative reference and input builder live on the scoring server;
editing this copy changes nothing except your own understanding.
"""

import jax, jax.numpy as jnp
import numpy as np

VOCAB = 100000
DIM = 64
B = 1024
L = 50


def setup_inputs(seed: int = 0) -> dict:
    key = jax.random.key(seed)
    k1, k2, k3, k4 = jax.random.split(key, 4)
    inputs_ = jax.random.randint(k1, (B, L), 0, VOCAB, dtype=jnp.int64) if jax.config.jax_enable_x64 else jax.random.randint(k1, (B, L), 0, VOCAB)
    emb = jax.random.normal(k2, (VOCAB, DIM), dtype=jnp.float32)
    # padding_idx = VOCAB - 1 row is zero (torch zero-initializes padding row)
    emb = emb.at[VOCAB - 1].set(0.0)
    W = jax.random.normal(k3, (VOCAB, DIM), dtype=jnp.float32) * 0.02
    b = jax.random.uniform(k4, (VOCAB,), dtype=jnp.float32, minval=-0.01, maxval=0.01)
    return {"inputs_": inputs_, "emb": emb, "W": W, "b": b}


def reference(inputs_, emb, W, b):
    pad = VOCAB - 1
    # enforce zero padding row (torch padding_idx semantics)
    emb_eff = emb.at[pad].set(0.0)
    # embedding gather (SparseCore-friendly): table[idx]
    g = jnp.take(emb_eff, inputs_, axis=0)  # [B, L, DIM]
    # torch Embedding max_norm=1: looked-up rows are renormalized to norm <= 1
    norms = jnp.linalg.norm(g, axis=-1, keepdims=True)
    scale = jnp.where(norms > 1.0, 1.0 / jnp.maximum(norms, 1e-7), 1.0)
    g = g * scale
    # mean over context window
    x = jnp.mean(g, axis=1)  # [B, DIM]
    # linear projection to vocab
    out = x @ W.T + b  # [B, VOCAB]
    return out

if __name__ == "__main__":
    import jax
    _d = setup_inputs()
    print(jax.jit(kernel)(*tuple(_d.values())))

</pallas_src>

<mosaic_0001>
#map = affine_map<(d0, d1) -> (0)>
#map1 = affine_map<(d0, d1) -> (0, 0)>
module attributes {stable_mosaic.version = 14 : i64} {
  func.func @_sc_pool(%arg0: i32, %arg1: i32, %arg2: memref<51200xi32, #tpu.memory_space<hbm>>, %arg3: memref<100000x64xf32, #tpu.memory_space<hbm>>, %arg4: memref<1024x64xf32, #tpu.memory_space<hbm>>, %arg5: memref<1600xi32, #tpu.memory_space<vmem>>, %arg6: memref<1600x64xf32, #tpu.memory_space<vmem>>, %arg7: memref<1600xf32, #tpu.memory_space<vmem>>, %arg8: memref<32x64xf32, #tpu.memory_space<vmem>>, %arg9: memref<!tpu.dma_semaphore, #tpu.memory_space<semaphore_mem>>) attributes {dimension_semantics = [#tpu.dimension_semantics<core_parallel>, #tpu.dimension_semantics<subcore_parallel>], iteration_bounds = array<i64: 2, 16>, scalar_prefetch = 0 : i64, scratch_operands = 5 : i64, tpu.core_type = #tpu.core_type<sc_vector_subcore>, window_params = [{transform_indices = #map}, {transform_indices = #map1}, {transform_indices = #map1}]} {
    %mul3A = arith.constant 2 : i32
    %mul3A_0 = arith.muli %arg1, %mul3A : i32
    %add3A = arith.addi %mul3A_0, %arg0 : i32
    %mul3A_1 = arith.constant 1600 : i32
    %mul3A_2 = arith.muli %add3A, %mul3A_1 : i32
    "tpu.region"() ({
      %run_scoped3A = tpu.sem_alloc : memref<!tpu.dma_semaphore, #tpu.memory_space<semaphore_mem>>
      %dma_start3A_222 = tpu.memref_slice %arg2[%mul3A_2] : memref<51200xi32, #tpu.memory_space<hbm>> -> memref<1600xi32, #tpu.memory_space<hbm>>
      %dma_start3A_223 = tpu.memref_slice %arg2[%mul3A_2] : memref<51200xi32, #tpu.memory_space<hbm>> -> memref<1600xi32, #tpu.memory_space<hbm>>
      tpu.enqueue_dma source(%dma_start3A_223 : memref<1600xi32, #tpu.memory_space<hbm>>) target(%arg5 : memref<1600xi32, #tpu.memory_space<vmem>>) target_semaphore(%run_scoped3A : memref<!tpu.dma_semaphore, #tpu.memory_space<semaphore_mem>>)
      %dma_wait3A_224 = tpu.memref_slice %arg2[%mul3A_2] : memref<51200xi32, #tpu.memory_space<hbm>> -> memref<1600xi32, #tpu.memory_space<hbm>>
      %dma_wait3A_225 = tpu.memref_slice %arg2[%mul3A_2] : memref<51200xi32, #tpu.memory_space<hbm>> -> memref<1600xi32, #tpu.memory_space<hbm>>
      tpu.wait_dma2 semaphore(%run_scoped3A : memref<!tpu.dma_semaphore, #tpu.memory_space<semaphore_mem>>) src(%dma_wait3A_225 : memref<1600xi32, #tpu.memory_space<hbm>>) dst(%arg5 : memref<1600xi32, #tpu.memory_space<vmem>>)
      tpu.yield
    }) : () -> ()
    %dma_start3A = arith.constant 0 : i32
    %dma_start3A_3 = arith.constant 0 : i32
    %dma_start3A_4 = tpu.memref_slice %arg6[%dma_start3A, %dma_start3A_3] : memref<1600x64xf32, #tpu.memory_space<vmem>> -> memref<128x64xf32, #tpu.memory_space<vmem>>
    %dma_start3A_5 = arith.constant 0 : i32
    %dma_start3A_6 = tpu.memref_slice %arg5[%dma_start3A_5] : memref<1600xi32, #tpu.memory_space<vmem>> -> memref<128xi32, #tpu.memory_space<vmem>>
    %dma_start3A_7 = arith.constant 0 : i32
    %dma_start3A_8 = arith.constant 0 : i32
    %dma_start3A_9 = tpu.memref_slice %arg3[%dma_start3A_7, %dma_start3A_8] : memref<100000x64xf32, #tpu.memory_space<hbm>> -> memref<100000x64xf32, #tpu.memory_space<hbm>>
    tpu.enqueue_indirect_dma source(%dma_start3A_9 : memref<100000x64xf32, #tpu.memory_space<hbm>>) target(%dma_start3A_4 : memref<128x64xf32, #tpu.memory_space<vmem>>) offsets(%dma_start3A_6 : memref<128xi32, #tpu.memory_space<vmem>>) semaphore(%arg9 : memref<!tpu.dma_semaphore, #tpu.memory_space<semaphore_mem>>)
    %dma_start3A_10 = arith.constant 128 : i32
    %dma_start3A_11 = arith.constant 0 : i32
    %dma_start3A_12 = tpu.memref_slice %arg6[%dma_start3A_10, %dma_start3A_11] : memref<1600x64xf32, #tpu.memory_space<vmem>> -> memref<128x64xf32, #tpu.memory_space<vmem>>
    %dma_start3A_13 = arith.constant 128 : i32
    %dma_start3A_14 = tpu.memref_slice %arg5[%dma_start3A_13] : memref<1600xi32, #tpu.memory_space<vmem>> -> memref<128xi32, #tpu.memory_space<vmem>>
    %dma_start3A_15 = arith.constant 0 : i32
    %dma_start3A_16 = arith.constant 0 : i32
    %dma_start3A_17 = tpu.memref_slice %arg3[%dma_start3A_15, %dma_start3A_16] : memref<100000x64xf32, #tpu.memory_space<hbm>> -> memref<100000x64xf32, #tpu.memory_space<hbm>>
    tpu.enqueue_indirect_dma source(%dma_start3A_17 : memref<100000x64xf32, #tpu.memory_space<hbm>>) target(%dma_start3A_12 : memref<128x64xf32, #tpu.memory_space<vmem>>) offsets(%dma_start3A_14 : memref<128xi32, #tpu.memory_space<vmem>>) semaphore(%arg9 : memref<!tpu.dma_semaphore, #tpu.memory_space<semaphore_mem>>)
    %dma_start3A_18 = arith.constant 256 : i32
    %dma_start3A_19 = arith.constant 0 : i32
    %dma_start3A_20 = tpu.memref_slice %arg6[%dma_start3A_18, %dma_start3A_19] : memref<1600x64xf32, #tpu.memory_space<vmem>> -> memref<128x64xf32, #tpu.memory_space<vmem>>
    %dma_start3A_21 = arith.constant 256 : i32
    %dma_start3A_22 = tpu.memref_slice %arg5[%dma_start3A_21] : memref<1600xi32, #tpu.memory_space<vmem>> -> memref<128xi32, #tpu.memory_space<vmem>>
    %dma_start3A_23 = arith.constant 0 : i32
    %dma_start3A_24 = arith.constant 0 : i32
    %dma_start3A_25 = tpu.memref_slice %arg3[%dma_start3A_23, %dma_start3A_24] : memref<100000x64xf32, #tpu.memory_space<hbm>> -> memref<100000x64xf32, #tpu.memory_space<hbm>>
    tpu.enqueue_indirect_dma source(%dma_start3A_25 : memref<100000x64xf32, #tpu.memory_space<hbm>>) target(%dma_start3A_20 : memref<128x64xf32, #tpu.memory_space<vmem>>) offsets(%dma_start3A_22 : memref<128xi32, #tpu.memory_space<vmem>>) semaphore(%arg9 : memref<!tpu.dma_semaphore, #tpu.memory_space<semaphore_mem>>)
    %dma_start3A_26 = arith.constant 384 : i32
    %dma_start3A_27 = arith.constant 0 : i32
    %dma_start3A_28 = tpu.memref_slice %arg6[%dma_start3A_26, %dma_start3A_27] : memref<1600x64xf32, #tpu.memory_space<vmem>> -> memref<128x64xf32, #tpu.memory_space<vmem>>
    %dma_start3A_29 = arith.constant 384 : i32
    %dma_start3A_30 = tpu.memref_slice %arg5[%dma_start3A_29] : memref<1600xi32, #tpu.memory_space<vmem>> -> memref<128xi32, #tpu.memory_space<vmem>>
    %dma_start3A_31 = arith.constant 0 : i32
    %dma_start3A_32 = arith.constant 0 : i32
    %dma_start3A_33 = tpu.memref_slice %arg3[%dma_start3A_31, %dma_start3A_32] : memref<100000x64xf32, #tpu.memory_space<hbm>> -> memref<100000x64xf32, #tpu.memory_space<hbm>>
    tpu.enqueue_indirect_dma source(%dma_start3A_33 : memref<100000x64xf32, #tpu.memory_space<hbm>>) target(%dma_start3A_28 : memref<128x64xf32, #tpu.memory_space<vmem>>) offsets(%dma_start3A_30 : memref<128xi32, #tpu.memory_space<vmem>>) semaphore(%arg9 : memref<!tpu.dma_semaphore, #tpu.memory_space<semaphore_mem>>)
    %dma_start3A_34 = arith.constant 512 : i32
    %dma_start3A_35 = arith.constant 0 : i32
    %dma_start3A_36 = tpu.memref_slice %arg6[%dma_start3A_34, %dma_start3A_35] : memref<1600x64xf32, #tpu.memory_space<vmem>> -> memref<128x64xf32, #tpu.memory_space<vmem>>
    %dma_start3A_37 = arith.constant 512 : i32
    %dma_start3A_38 = tpu.memref_slice %arg5[%dma_start3A_37] : memref<1600xi32, #tpu.memory_space<vmem>> -> memref<128xi32, #tpu.memory_space<vmem>>
    %dma_start3A_39 = arith.constant 0 : i32
    %dma_start3A_40 = arith.constant 0 : i32
    %dma_start3A_41 = tpu.memref_slice %arg3[%dma_start3A_39, %dma_start3A_40] : memref<100000x64xf32, #tpu.memory_space<hbm>> -> memref<100000x64xf32, #tpu.memory_space<hbm>>
    tpu.enqueue_indirect_dma source(%dma_start3A_41 : memref<100000x64xf32, #tpu.memory_space<hbm>>) target(%dma_start3A_36 : memref<128x64xf32, #tpu.memory_space<vmem>>) offsets(%dma_start3A_38 : memref<128xi32, #tpu.memory_space<vmem>>) semaphore(%arg9 : memref<!tpu.dma_semaphore, #tpu.memory_space<semaphore_mem>>)
    %dma_start3A_42 = arith.constant 640 : i32
    %dma_start3A_43 = arith.constant 0 : i32
    %dma_start3A_44 = tpu.memref_slice %arg6[%dma_start3A_42, %dma_start3A_43] : memref<1600x64xf32, #tpu.memory_space<vmem>> -> memref<128x64xf32, #tpu.memory_space<vmem>>
    %dma_start3A_45 = arith.constant 640 : i32
    %dma_start3A_46 = tpu.memref_slice %arg5[%dma_start3A_45] : memref<1600xi32, #tpu.memory_space<vmem>> -> memref<128xi32, #tpu.memory_space<vmem>>
    %dma_start3A_47 = arith.constant 0 : i32
    %dma_start3A_48 = arith.constant 0 : i32
    %dma_start3A_49 = tpu.memref_slice %arg3[%dma_start3A_47, %dma_start3A_48] : memref<100000x64xf32, #tpu.memory_space<hbm>> -> memref<100000x64xf32, #tpu.memory_space<hbm>>
    tpu.enqueue_indirect_dma source(%dma_start3A_49 : memref<100000x64xf32, #tpu.memory_space<hbm>>) target(%dma_start3A_44 : memref<128x64xf32, #tpu.memory_space<vmem>>) offsets(%dma_start3A_46 : memref<128xi32, #tpu.memory_space<vmem>>) semaphore(%arg9 : memref<!tpu.dma_semaphore, #tpu.memory_space<semaphore_mem>>)
    %dma_start3A_50 = arith.constant 768 : i32
    %dma_start3A_51 = arith.constant 0 : i32
    %dma_start3A_52 = tpu.memref_slice %arg6[%dma_start3A_50, %dma_start3A_51] : memref<1600x64xf32, #tpu.memory_space<vmem>> -> memref<128x64xf32, #tpu.memory_space<vmem>>
    %dma_start3A_53 = arith.constant 768 : i32
    %dma_start3A_54 = tpu.memref_slice %arg5[%dma_start3A_53] : memref<1600xi32, #tpu.memory_space<vmem>> -> memref<128xi32, #tpu.memory_space<vmem>>
    %dma_start3A_55 = arith.constant 0 : i32
    %dma_start3A_56 = arith.constant 0 : i32
    %dma_start3A_57 = tpu.memref_slice %arg3[%dma_start3A_55, %dma_start3A_56] : memref<100000x64xf32, #tpu.memory_space<hbm>> -> memref<100000x64xf32, #tpu.memory_space<hbm>>
    tpu.enqueue_indirect_dma source(%dma_start3A_57 : memref<100000x64xf32, #tpu.memory_space<hbm>>) target(%dma_start3A_52 : memref<128x64xf32, #tpu.memory_space<vmem>>) offsets(%dma_start3A_54 : memref<128xi32, #tpu.memory_space<vmem>>) semaphore(%arg9 : memref<!tpu.dma_semaphore, #tpu.memory_space<semaphore_mem>>)
    %dma_start3A_58 = arith.constant 896 : i32
    %dma_start3A_59 = arith.constant 0 : i32
    %dma_start3A_60 = tpu.memref_slice %arg6[%dma_start3A_58, %dma_start3A_59] : memref<1600x64xf32, #tpu.memory_space<vmem>> -> memref<128x64xf32, #tpu.memory_space<vmem>>
    %dma_start3A_61 = arith.constant 896 : i32
    %dma_start3A_62 = tpu.memref_slice %arg5[%dma_start3A_61] : memref<1600xi32, #tpu.memory_space<vmem>> -> memref<128xi32, #tpu.memory_space<vmem>>
    %dma_start3A_63 = arith.constant 0 : i32
    %dma_start3A_64 = arith.constant 0 : i32
    %dma_start3A_65 = tpu.memref_slice %arg3[%dma_start3A_63, %dma_start3A_64] : memref<100000x64xf32, #tpu.memory_space<hbm>> -> memref<100000x64xf32, #tpu.memory_space<hbm>>
    tpu.enqueue_indirect_dma source(%dma_start3A_65 : memref<100000x64xf32, #tpu.memory_space<hbm>>) target(%dma_start3A_60 : memref<128x64xf32, #tpu.memory_space<vmem>>) offsets(%dma_start3A_62 : memref<128xi32, #tpu.memory_space<vmem>>) semaphore(%arg9 : memref<!tpu.dma_semaphore, #tpu.memory_space<semaphore_mem>>)
    %dma_start3A_66 = arith.constant 1024 : i32
    %dma_start3A_67 = arith.constant 0 : i32
    %dma_start3A_68 = tpu.memref_slice %arg6[%dma_start3A_66, %dma_start3A_67] : memref<1600x64xf32, #tpu.memory_space<vmem>> -> memref<128x64xf32, #tpu.memory_space<vmem>>
    %dma_start3A_69 = arith.constant 1024 : i32
    %dma_start3A_70 = tpu.memref_slice %arg5[%dma_start3A_69] : memref<1600xi32, #tpu.memory_space<vmem>> -> memref<128xi32, #tpu.memory_space<vmem>>
    %dma_start3A_71 = arith.constant 0 : i32
    %dma_start3A_72 = arith.constant 0 : i32
    %dma_start3A_73 = tpu.memref_slice %arg3[%dma_start3A_71, %dma_start3A_72] : memref<100000x64xf32, #tpu.memory_space<hbm>> -> memref<100000x64xf32, #tpu.memory_space<hbm>>
    tpu.enqueue_indirect_dma source(%dma_start3A_73 : memref<100000x64xf32, #tpu.memory_space<hbm>>) target(%dma_start3A_68 : memref<128x64xf32, #tpu.memory_space<vmem>>) offsets(%dma_start3A_70 : memref<128xi32, #tpu.memory_space<vmem>>) semaphore(%arg9 : memref<!tpu.dma_semaphore, #tpu.memory_space<semaphore_mem>>)
    %dma_start3A_74 = arith.constant 1152 : i32
    %dma_start3A_75 = arith.constant 0 : i32
    %dma_start3A_76 = tpu.memref_slice %arg6[%dma_start3A_74, %dma_start3A_75] : memref<1600x64xf32, #tpu.memory_space<vmem>> -> memref<128x64xf32, #tpu.memory_space<vmem>>
    %dma_start3A_77 = arith.constant 1152 : i32
    %dma_start3A_78 = tpu.memref_slice %arg5[%dma_start3A_77] : memref<1600xi32, #tpu.memory_space<vmem>> -> memref<128xi32, #tpu.memory_space<vmem>>
    %dma_start3A_79 = arith.constant 0 : i32
    %dma_start3A_80 = arith.constant 0 : i32
    %dma_start3A_81 = tpu.memref_slice %arg3[%dma_start3A_79, %dma_start3A_80] : memref<100000x64xf32, #tpu.memory_space<hbm>> -> memref<100000x64xf32, #tpu.memory_space<hbm>>
    tpu.enqueue_indirect_dma source(%dma_start3A_81 : memref<100000x64xf32, #tpu.memory_space<hbm>>) target(%dma_start3A_76 : memref<128x64xf32, #tpu.memory_space<vmem>>) offsets(%dma_start3A_78 : memref<128xi32, #tpu.memory_space<vmem>>) semaphore(%arg9 : memref<!tpu.dma_semaphore, #tpu.memory_space<semaphore_mem>>)
    %dma_start3A_82 = arith.constant 1280 : i32
    %dma_start3A_83 = arith.constant 0 : i32
    %dma_start3A_84 = tpu.memref_slice %arg6[%dma_start3A_82, %dma_start3A_83] : memref<1600x64xf32, #tpu.memory_space<vmem>> -> memref<128x64xf32, #tpu.memory_space<vmem>>
    %dma_start3A_85 = arith.constant 1280 : i32
    %dma_start3A_86 = tpu.memref_slice %arg5[%dma_start3A_85] : memref<1600xi32, #tpu.memory_space<vmem>> -> memref<128xi32, #tpu.memory_space<vmem>>
    %dma_start3A_87 = arith.constant 0 : i32
    %dma_start3A_88 = arith.constant 0 : i32
    %dma_start3A_89 = tpu.memref_slice %arg3[%dma_start3A_87, %dma_start3A_88] : memref<100000x64xf32, #tpu.memory_space<hbm>> -> memref<100000x64xf32, #tpu.memory_space<hbm>>
    tpu.enqueue_indirect_dma source(%dma_start3A_89 : memref<100000x64xf32, #tpu.memory_space<hbm>>) target(%dma_start3A_84 : memref<128x64xf32, #tpu.memory_space<vmem>>) offsets(%dma_start3A_86 : memref<128xi32, #tpu.memory_space<vmem>>) semaphore(%arg9 : memref<!tpu.dma_semaphore, #tpu.memory_space<semaphore_mem>>)
    %dma_start3A_90 = arith.constant 1408 : i32
    %dma_start3A_91 = arith.constant 0 : i32
    %dma_start3A_92 = tpu.memref_slice %arg6[%dma_start3A_90, %dma_start3A_91] : memref<1600x64xf32, #tpu.memory_space<vmem>> -> memref<128x64xf32, #tpu.memory_space<vmem>>
    %dma_start3A_93 = arith.constant 1408 : i32
    %dma_start3A_94 = tpu.memref_slice %arg5[%dma_start3A_93] : memref<1600xi32, #tpu.memory_space<vmem>> -> memref<128xi32, #tpu.memory_space<vmem>>
    %dma_start3A_95 = arith.constant 0 : i32
    %dma_start3A_96 = arith.constant 0 : i32
    %dma_start3A_97 = tpu.memref_slice %arg3[%dma_start3A_95, %dma_start3A_96] : memref<100000x64xf32, #tpu.memory_space<hbm>> -> memref<100000x64xf32, #tpu.memory_space<hbm>>
    tpu.enqueue_indirect_dma source(%dma_start3A_97 : memref<100000x64xf32, #tpu.memory_space<hbm>>) target(%dma_start3A_92 : memref<128x64xf32, #tpu.memory_space<vmem>>) offsets(%dma_start3A_94 : memref<128xi32, #tpu.memory_space<vmem>>) semaphore(%arg9 : memref<!tpu.dma_semaphore, #tpu.memory_space<semaphore_mem>>)
    %dma_start3A_98 = arith.constant 1536 : i32
    %dma_start3A_99 = arith.constant 0 : i32
    %dma_start3A_100 = tpu.memref_slice %arg6[%dma_start3A_98, %dma_start3A_99] : memref<1600x64xf32, #tpu.memory_space<vmem>> -> memref<64x64xf32, #tpu.memory_space<vmem>>
    %dma_start3A_101 = arith.constant 1536 : i32
    %dma_start3A_102 = tpu.memref_slice %arg5[%dma_start3A_101] : memref<1600xi32, #tpu.memory_space<vmem>> -> memref<64xi32, #tpu.memory_space<vmem>>
    %dma_start3A_103 = arith.constant 0 : i32
    %dma_start3A_104 = arith.constant 0 : i32
    %dma_start3A_105 = tpu.memref_slice %arg3[%dma_start3A_103, %dma_start3A_104] : memref<100000x64xf32, #tpu.memory_space<hbm>> -> memref<100000x64xf32, #tpu.memory_space<hbm>>
    tpu.enqueue_indirect_dma source(%dma_start3A_105 : memref<100000x64xf32, #tpu.memory_space<hbm>>) target(%dma_start3A_100 : memref<64x64xf32, #tpu.memory_space<vmem>>) offsets(%dma_start3A_102 : memref<64xi32, #tpu.memory_space<vmem>>) semaphore(%arg9 : memref<!tpu.dma_semaphore, #tpu.memory_space<semaphore_mem>>)
    %dma_wait3A = arith.constant 0 : i32
    %dma_wait3A_106 = arith.constant 0 : i32
    %dma_wait3A_107 = tpu.memref_slice %arg6[%dma_wait3A, %dma_wait3A_106] : memref<1600x64xf32, #tpu.memory_space<vmem>> -> memref<128x64xf32, #tpu.memory_space<vmem>>
    %dma_wait3A_108 = arith.constant 0 : i32
    %dma_wait3A_109 = tpu.memref_slice %arg5[%dma_wait3A_108] : memref<1600xi32, #tpu.memory_space<vmem>> -> memref<128xi32, #tpu.memory_space<vmem>>
    %dma_wait3A_110 = arith.constant 0 : i32
    %dma_wait3A_111 = arith.constant 0 : i32
    %dma_wait3A_112 = tpu.memref_slice %arg3[%dma_wait3A_110, %dma_wait3A_111] : memref<100000x64xf32, #tpu.memory_space<hbm>> -> memref<100000x64xf32, #tpu.memory_space<hbm>>
    tpu.wait_indirect_dma semaphore(%arg9 : memref<!tpu.dma_semaphore, #tpu.memory_space<semaphore_mem>>) src(%dma_wait3A_112 : memref<100000x64xf32, #tpu.memory_space<hbm>>) dst(%dma_wait3A_107 : memref<128x64xf32, #tpu.memory_space<vmem>>)
    %dma_wait3A_113 = arith.constant 128 : i32
    %dma_wait3A_114 = arith.constant 0 : i32
    %dma_wait3A_115 = tpu.memref_slice %arg6[%dma_wait3A_113, %dma_wait3A_114] : memref<1600x64xf32, #tpu.memory_space<vmem>> -> memref<128x64xf32, #tpu.memory_space<vmem>>
    %dma_wait3A_116 = arith.constant 128 : i32
    %dma_wait3A_117 = tpu.memref_slice %arg5[%dma_wait3A_116] : memref<1600xi32, #tpu.memory_space<vmem>> -> memref<128xi32, #tpu.memory_space<vmem>>
    %dma_wait3A_118 = arith.constant 0 : i32
    %dma_wait3A_119 = arith.constant 0 : i32
    %dma_wait3A_120 = tpu.memref_slice %arg3[%dma_wait3A_118, %dma_wait3A_119] : memref<100000x64xf32, #tpu.memory_space<hbm>> -> memref<100000x64xf32, #tpu.memory_space<hbm>>
    tpu.wait_indirect_dma semaphore(%arg9 : memref<!tpu.dma_semaphore, #tpu.memory_space<semaphore_mem>>) src(%dma_wait3A_120 : memref<100000x64xf32, #tpu.memory_space<hbm>>) dst(%dma_wait3A_115 : memref<128x64xf32, #tpu.memory_space<vmem>>)
    %dma_wait3A_121 = arith.constant 256 : i32
    %dma_wait3A_122 = arith.constant 0 : i32
    %dma_wait3A_123 = tpu.memref_slice %arg6[%dma_wait3A_121, %dma_wait3A_122] : memref<1600x64xf32, #tpu.memory_space<vmem>> -> memref<128x64xf32, #tpu.memory_space<vmem>>
    %dma_wait3A_124 = arith.constant 256 : i32
    %dma_wait3A_125 = tpu.memref_slice %arg5[%dma_wait3A_124] : memref<1600xi32, #tpu.memory_space<vmem>> -> memref<128xi32, #tpu.memory_space<vmem>>
    %dma_wait3A_126 = arith.constant 0 : i32
    %dma_wait3A_127 = arith.constant 0 : i32
    %dma_wait3A_128 = tpu.memref_slice %arg3[%dma_wait3A_126, %dma_wait3A_127] : memref<100000x64xf32, #tpu.memory_space<hbm>> -> memref<100000x64xf32, #tpu.memory_space<hbm>>
    tpu.wait_indirect_dma semaphore(%arg9 : memref<!tpu.dma_semaphore, #tpu.memory_space<semaphore_mem>>) src(%dma_wait3A_128 : memref<100000x64xf32, #tpu.memory_space<hbm>>) dst(%dma_wait3A_123 : memref<128x64xf32, #tpu.memory_space<vmem>>)
    %dma_wait3A_129 = arith.constant 384 : i32
    %dma_wait3A_130 = arith.constant 0 : i32
    %dma_wait3A_131 = tpu.memref_slice %arg6[%dma_wait3A_129, %dma_wait3A_130] : memref<1600x64xf32, #tpu.memory_space<vmem>> -> memref<128x64xf32, #tpu.memory_space<vmem>>
    %dma_wait3A_132 = arith.constant 384 : i32
    %dma_wait3A_133 = tpu.memref_slice %arg5[%dma_wait3A_132] : memref<1600xi32, #tpu.memory_space<vmem>> -> memref<128xi32, #tpu.memory_space<vmem>>
    %dma_wait3A_134 = arith.constant 0 : i32
    %dma_wait3A_135 = arith.constant 0 : i32
    %dma_wait3A_136 = tpu.memref_slice %arg3[%dma_wait3A_134, %dma_wait3A_135] : memref<100000x64xf32, #tpu.memory_space<hbm>> -> memref<100000x64xf32, #tpu.memory_space<hbm>>
    tpu.wait_indirect_dma semaphore(%arg9 : memref<!tpu.dma_semaphore, #tpu.memory_space<semaphore_mem>>) src(%dma_wait3A_136 : memref<100000x64xf32, #tpu.memory_space<hbm>>) dst(%dma_wait3A_131 : memref<128x64xf32, #tpu.memory_space<vmem>>)
    %dma_wait3A_137 = arith.constant 512 : i32
    %dma_wait3A_138 = arith.constant 0 : i32
    %dma_wait3A_139 = tpu.memref_slice %arg6[%dma_wait3A_137, %dma_wait3A_138] : memref<1600x64xf32, #tpu.memory_space<vmem>> -> memref<128x64xf32, #tpu.memory_space<vmem>>
    %dma_wait3A_140 = arith.constant 512 : i32
    %dma_wait3A_141 = tpu.memref_slice %arg5[%dma_wait3A_140] : memref<1600xi32, #tpu.memory_space<vmem>> -> memref<128xi32, #tpu.memory_space<vmem>>
    %dma_wait3A_142 = arith.constant 0 : i32
    %dma_wait3A_143 = arith.constant 0 : i32
    %dma_wait3A_144 = tpu.memref_slice %arg3[%dma_wait3A_142, %dma_wait3A_143] : memref<100000x64xf32, #tpu.memory_space<hbm>> -> memref<100000x64xf32, #tpu.memory_space<hbm>>
    tpu.wait_indirect_dma semaphore(%arg9 : memref<!tpu.dma_semaphore, #tpu.memory_space<semaphore_mem>>) src(%dma_wait3A_144 : memref<100000x64xf32, #tpu.memory_space<hbm>>) dst(%dma_wait3A_139 : memref<128x64xf32, #tpu.memory_space<vmem>>)
    %dma_wait3A_145 = arith.constant 640 : i32
    %dma_wait3A_146 = arith.constant 0 : i32
    %dma_wait3A_147 = tpu.memref_slice %arg6[%dma_wait3A_145, %dma_wait3A_146] : memref<1600x64xf32, #tpu.memory_space<vmem>> -> memref<128x64xf32, #tpu.memory_space<vmem>>
    %dma_wait3A_148 = arith.constant 640 : i32
    %dma_wait3A_149 = tpu.memref_slice %arg5[%dma_wait3A_148] : memref<1600xi32, #tpu.memory_space<vmem>> -> memref<128xi32, #tpu.memory_space<vmem>>
    %dma_wait3A_150 = arith.constant 0 : i32
    %dma_wait3A_151 = arith.constant 0 : i32
    %dma_wait3A_152 = tpu.memref_slice %arg3[%dma_wait3A_150, %dma_wait3A_151] : memref<100000x64xf32, #tpu.memory_space<hbm>> -> memref<100000x64xf32, #tpu.memory_space<hbm>>
    tpu.wait_indirect_dma semaphore(%arg9 : memref<!tpu.dma_semaphore, #tpu.memory_space<semaphore_mem>>) src(%dma_wait3A_152 : memref<100000x64xf32, #tpu.memory_space<hbm>>) dst(%dma_wait3A_147 : memref<128x64xf32, #tpu.memory_space<vmem>>)
    %dma_wait3A_153 = arith.constant 768 : i32
    %dma_wait3A_154 = arith.constant 0 : i32
    %dma_wait3A_155 = tpu.memref_slice %arg6[%dma_wait3A_153, %dma_wait3A_154] : memref<1600x64xf32, #tpu.memory_space<vmem>> -> memref<128x64xf32, #tpu.memory_space<vmem>>
    %dma_wait3A_156 = arith.constant 768 : i32
    %dma_wait3A_157 = tpu.memref_slice %arg5[%dma_wait3A_156] : memref<1600xi32, #tpu.memory_space<vmem>> -> memref<128xi32, #tpu.memory_space<vmem>>
    %dma_wait3A_158 = arith.constant 0 : i32
    %dma_wait3A_159 = arith.constant 0 : i32
    %dma_wait3A_160 = tpu.memref_slice %arg3[%dma_wait3A_158, %dma_wait3A_159] : memref<100000x64xf32, #tpu.memory_space<hbm>> -> memref<100000x64xf32, #tpu.memory_space<hbm>>
    tpu.wait_indirect_dma semaphore(%arg9 : memref<!tpu.dma_semaphore, #tpu.memory_space<semaphore_mem>>) src(%dma_wait3A_160 : memref<100000x64xf32, #tpu.memory_space<hbm>>) dst(%dma_wait3A_155 : memref<128x64xf32, #tpu.memory_space<vmem>>)
    %dma_wait3A_161 = arith.constant 896 : i32
    %dma_wait3A_162 = arith.constant 0 : i32
    %dma_wait3A_163 = tpu.memref_slice %arg6[%dma_wait3A_161, %dma_wait3A_162] : memref<1600x64xf32, #tpu.memory_space<vmem>> -> memref<128x64xf32, #tpu.memory_space<vmem>>
    %dma_wait3A_164 = arith.constant 896 : i32
    %dma_wait3A_165 = tpu.memref_slice %arg5[%dma_wait3A_164] : memref<1600xi32, #tpu.memory_space<vmem>> -> memref<128xi32, #tpu.memory_space<vmem>>
    %dma_wait3A_166 = arith.constant 0 : i32
    %dma_wait3A_167 = arith.constant 0 : i32
    %dma_wait3A_168 = tpu.memref_slice %arg3[%dma_wait3A_166, %dma_wait3A_167] : memref<100000x64xf32, #tpu.memory_space<hbm>> -> memref<100000x64xf32, #tpu.memory_space<hbm>>
    tpu.wait_indirect_dma semaphore(%arg9 : memref<!tpu.dma_semaphore, #tpu.memory_space<semaphore_mem>>) src(%dma_wait3A_168 : memref<100000x64xf32, #tpu.memory_space<hbm>>) dst(%dma_wait3A_163 : memref<128x64xf32, #tpu.memory_space<vmem>>)
    %dma_wait3A_169 = arith.constant 1024 : i32
    %dma_wait3A_170 = arith.constant 0 : i32
    %dma_wait3A_171 = tpu.memref_slice %arg6[%dma_wait3A_169, %dma_wait3A_170] : memref<1600x64xf32, #tpu.memory_space<vmem>> -> memref<128x64xf32, #tpu.memory_space<vmem>>
    %dma_wait3A_172 = arith.constant 1024 : i32
    %dma_wait3A_173 = tpu.memref_slice %arg5[%dma_wait3A_172] : memref<1600xi32, #tpu.memory_space<vmem>> -> memref<128xi32, #tpu.memory_space<vmem>>
    %dma_wait3A_174 = arith.constant 0 : i32
    %dma_wait3A_175 = arith.constant 0 : i32
    %dma_wait3A_176 = tpu.memref_slice %arg3[%dma_wait3A_174, %dma_wait3A_175] : memref<100000x64xf32, #tpu.memory_space<hbm>> -> memref<100000x64xf32, #tpu.memory_space<hbm>>
    tpu.wait_indirect_dma semaphore(%arg9 : memref<!tpu.dma_semaphore, #tpu.memory_space<semaphore_mem>>) src(%dma_wait3A_176 : memref<100000x64xf32, #tpu.memory_space<hbm>>) dst(%dma_wait3A_171 : memref<128x64xf32, #tpu.memory_space<vmem>>)
    %dma_wait3A_177 = arith.constant 1152 : i32
    %dma_wait3A_178 = arith.constant 0 : i32
    %dma_wait3A_179 = tpu.memref_slice %arg6[%dma_wait3A_177, %dma_wait3A_178] : memref<1600x64xf32, #tpu.memory_space<vmem>> -> memref<128x64xf32, #tpu.memory_space<vmem>>
    %dma_wait3A_180 = arith.constant 1152 : i32
    %dma_wait3A_181 = tpu.memref_slice %arg5[%dma_wait3A_180] : memref<1600xi32, #tpu.memory_space<vmem>> -> memref<128xi32, #tpu.memory_space<vmem>>
    %dma_wait3A_182 = arith.constant 0 : i32
    %dma_wait3A_183 = arith.constant 0 : i32
    %dma_wait3A_184 = tpu.memref_slice %arg3[%dma_wait3A_182, %dma_wait3A_183] : memref<100000x64xf32, #tpu.memory_space<hbm>> -> memref<100000x64xf32, #tpu.memory_space<hbm>>
    tpu.wait_indirect_dma semaphore(%arg9 : memref<!tpu.dma_semaphore, #tpu.memory_space<semaphore_mem>>) src(%dma_wait3A_184 : memref<100000x64xf32, #tpu.memory_space<hbm>>) dst(%dma_wait3A_179 : memref<128x64xf32, #tpu.memory_space<vmem>>)
    %dma_wait3A_185 = arith.constant 1280 : i32
    %dma_wait3A_186 = arith.constant 0 : i32
    %dma_wait3A_187 = tpu.memref_slice %arg6[%dma_wait3A_185, %dma_wait3A_186] : memref<1600x64xf32, #tpu.memory_space<vmem>> -> memref<128x64xf32, #tpu.memory_space<vmem>>
    %dma_wait3A_188 = arith.constant 1280 : i32
    %dma_wait3A_189 = tpu.memref_slice %arg5[%dma_wait3A_188] : memref<1600xi32, #tpu.memory_space<vmem>> -> memref<128xi32, #tpu.memory_space<vmem>>
    %dma_wait3A_190 = arith.constant 0 : i32
    %dma_wait3A_191 = arith.constant 0 : i32
    %dma_wait3A_192 = tpu.memref_slice %arg3[%dma_wait3A_190, %dma_wait3A_191] : memref<100000x64xf32, #tpu.memory_space<hbm>> -> memref<100000x64xf32, #tpu.memory_space<hbm>>
    tpu.wait_indirect_dma semaphore(%arg9 : memref<!tpu.dma_semaphore, #tpu.memory_space<semaphore_mem>>) src(%dma_wait3A_192 : memref<100000x64xf32, #tpu.memory_space<hbm>>) dst(%dma_wait3A_187 : memref<128x64xf32, #tpu.memory_space<vmem>>)
    %dma_wait3A_193 = arith.constant 1408 : i32
    %dma_wait3A_194 = arith.constant 0 : i32
    %dma_wait3A_195 = tpu.memref_slice %arg6[%dma_wait3A_193, %dma_wait3A_194] : memref<1600x64xf32, #tpu.memory_space<vmem>> -> memref<128x64xf32, #tpu.memory_space<vmem>>
    %dma_wait3A_196 = arith.constant 1408 : i32
    %dma_wait3A_197 = tpu.memref_slice %arg5[%dma_wait3A_196] : memref<1600xi32, #tpu.memory_space<vmem>> -> memref<128xi32, #tpu.memory_space<vmem>>
    %dma_wait3A_198 = arith.constant 0 : i32
    %dma_wait3A_199 = arith.constant 0 : i32
    %dma_wait3A_200 = tpu.memref_slice %arg3[%dma_wait3A_198, %dma_wait3A_199] : memref<100000x64xf32, #tpu.memory_space<hbm>> -> memref<100000x64xf32, #tpu.memory_space<hbm>>
    tpu.wait_indirect_dma semaphore(%arg9 : memref<!tpu.dma_semaphore, #tpu.memory_space<semaphore_mem>>) src(%dma_wait3A_200 : memref<100000x64xf32, #tpu.memory_space<hbm>>) dst(%dma_wait3A_195 : memref<128x64xf32, #tpu.memory_space<vmem>>)
    %dma_wait3A_201 = arith.constant 1536 : i32
    %dma_wait3A_202 = arith.constant 0 : i32
    %dma_wait3A_203 = tpu.memref_slice %arg6[%dma_wait3A_201, %dma_wait3A_202] : memref<1600x64xf32, #tpu.memory_space<vmem>> -> memref<64x64xf32, #tpu.memory_space<vmem>>
    %dma_wait3A_204 = arith.constant 1536 : i32
    %dma_wait3A_205 = tpu.memref_slice %arg5[%dma_wait3A_204] : memref<1600xi32, #tpu.memory_space<vmem>> -> memref<64xi32, #tpu.memory_space<vmem>>
    %dma_wait3A_206 = arith.constant 0 : i32
    %dma_wait3A_207 = arith.constant 0 : i32
    %dma_wait3A_208 = tpu.memref_slice %arg3[%dma_wait3A_206, %dma_wait3A_207] : memref<100000x64xf32, #tpu.memory_space<hbm>> -> memref<100000x64xf32, #tpu.memory_space<hbm>>
    tpu.wait_indirect_dma semaphore(%arg9 : memref<!tpu.dma_semaphore, #tpu.memory_space<semaphore_mem>>) src(%dma_wait3A_208 : memref<100000x64xf32, #tpu.memory_space<hbm>>) dst(%dma_wait3A_203 : memref<64x64xf32, #tpu.memory_space<vmem>>)
    %scan3A = arith.constant 0 : i32
    %scan3A_209 = arith.constant 0 : i32
    %scan3A_210 = arith.constant 100 : i32
    %scan3A_211 = arith.addi %scan3A_209, %scan3A_210 : i32
    %scan3A_212 = arith.constant 2 : i32
    scf.for %scan3A_222 = %scan3A_209 to %scan3A_211 step %scan3A_212  : i32 {
      %mul3A_223 = arith.constant 16 : i32
      %mul3A_224 = arith.muli %scan3A_222, %mul3A_223 : i32
      %iota3A = tpu.iota {dimensions = array<i32: 0>} : vector<16xi32>
      %add3A_225 = vector.broadcast %mul3A_224 : i32 to vector<16xi32>
      %add3A_226 = arith.addi %add3A_225, %iota3A : vector<16xi32>
      %broadcast_in_dim3A = arith.constant 0.000000e+00 : f32
      %broadcast_in_dim3A_227 = vector.broadcast %broadcast_in_dim3A : f32 to vector<16xf32>
      %broadcast_in_dim3A_228 = arith.constant 0 : i32
      %broadcast_in_dim3A_229 = vector.broadcast %broadcast_in_dim3A_228 : i32 to vector<16xi32>
      %gather3A = tpu.vector_load_idx %arg6[%add3A_226, %broadcast_in_dim3A_229] : memref<1600x64xf32, #tpu.memory_space<vmem>>[vector<16xi32>, vector<16xi32>], vector<16xf32>,
      %mul3A_230 = arith.mulf %gather3A, %gather3A : vector<16xf32>
      %add3A_231 = arith.addf %broadcast_in_dim3A_227, %mul3A_230 : vector<16xf32>
      %broadcast_in_dim3A_232 = arith.constant 1 : i32
      %broadcast_in_dim3A_233 = vector.broadcast %broadcast_in_dim3A_232 : i32 to vector<16xi32>
      %gather3A_234 = tpu.vector_load_idx %arg6[%add3A_226, %broadcast_in_dim3A_233] : memref<1600x64xf32, #tpu.memory_space<vmem>>[vector<16xi32>, vector<16xi32>], vector<16xf32>,
      %mul3A_235 = arith.mulf %gather3A_234, %gather3A_234 : vector<16xf32>
      %add3A_236 = arith.addf %add3A_231, %mul3A_235 : vector<16xf32>
      %broadcast_in_dim3A_237 = arith.constant 2 : i32
      %broadcast_in_dim3A_238 = vector.broadcast %broadcast_in_dim3A_237 : i32 to vector<16xi32>
      %gather3A_239 = tpu.vector_load_idx %arg6[%add3A_226, %broadcast_in_dim3A_238] : memref<1600x64xf32, #tpu.memory_space<vmem>>[vector<16xi32>, vector<16xi32>], vector<16xf32>,
      %mul3A_240 = arith.mulf %gather3A_239, %gather3A_239 : vector<16xf32>
      %add3A_241 = arith.addf %add3A_236, %mul3A_240 : vector<16xf32>
      %broadcast_in_dim3A_242 = arith.constant 3 : i32
      %broadcast_in_dim3A_243 = vector.broadcast %broadcast_in_dim3A_242 : i32 to vector<16xi32>
      %gather3A_244 = tpu.vector_load_idx %arg6[%add3A_226, %broadcast_in_dim3A_243] : memref<1600x64xf32, #tpu.memory_space<vmem>>[vector<16xi32>, vector<16xi32>], vector<16xf32>,
      %mul3A_245 = arith.mulf %gather3A_244, %gather3A_244 : vector<16xf32>
      %add3A_246 = arith.addf %add3A_241, %mul3A_245 : vector<16xf32>
      %broadcast_in_dim3A_247 = arith.constant 4 : i32
      %broadcast_in_dim3A_248 = vector.broadcast %broadcast_in_dim3A_247 : i32 to vector<16xi32>
      %gather3A_249 = tpu.vector_load_idx %arg6[%add3A_226, %broadcast_in_dim3A_248] : memref<1600x64xf32, #tpu.memory_space<vmem>>[vector<16xi32>, vector<16xi32>], vector<16xf32>,
      %mul3A_250 = arith.mulf %gather3A_249, %gather3A_249 : vector<16xf32>
      %add3A_251 = arith.addf %add3A_246, %mul3A_250 : vector<16xf32>
      %broadcast_in_dim3A_252 = arith.constant 5 : i32
      %broadcast_in_dim3A_253 = vector.broadcast %broadcast_in_dim3A_252 : i32 to vector<16xi32>
      %gather3A_254 = tpu.vector_load_idx %arg6[%add3A_226, %broadcast_in_dim3A_253] : memref<1600x64xf32, #tpu.memory_space<vmem>>[vector<16xi32>, vector<16xi32>], vector<16xf32>,
      %mul3A_255 = arith.mulf %gather3A_254, %gather3A_254 : vector<16xf32>
      %add3A_256 = arith.addf %add3A_251, %mul3A_255 : vector<16xf32>
      %broadcast_in_dim3A_257 = arith.constant 6 : i32
      %broadcast_in_dim3A_258 = vector.broadcast %broadcast_in_dim3A_257 : i32 to vector<16xi32>
      %gather3A_259 = tpu.vector_load_idx %arg6[%add3A_226, %broadcast_in_dim3A_258] : memref<1600x64xf32, #tpu.memory_space<vmem>>[vector<16xi32>, vector<16xi32>], vector<16xf32>,
      %mul3A_260 = arith.mulf %gather3A_259, %gather3A_259 : vector<16xf32>
      %add3A_261 = arith.addf %add3A_256, %mul3A_260 : vector<16xf32>
      %broadcast_in_dim3A_262 = arith.constant 7 : i32
      %broadcast_in_dim3A_263 = vector.broadcast %broadcast_in_dim3A_262 : i32 to vector<16xi32>
      %gather3A_264 = tpu.vector_load_idx %arg6[%add3A_226, %broadcast_in_dim3A_263] : memref<1600x64xf32, #tpu.memory_space<vmem>>[vector<16xi32>, vector<16xi32>], vector<16xf32>,
      %mul3A_265 = arith.mulf %gather3A_264, %gather3A_264 : vector<16xf32>
      %add3A_266 = arith.addf %add3A_261, %mul3A_265 : vector<16xf32>
      %broadcast_in_dim3A_267 = arith.constant 8 : i32
      %broadcast_in_dim3A_268 = vector.broadcast %broadcast_in_dim3A_267 : i32 to vector<16xi32>
      %gather3A_269 = tpu.vector_load_idx %arg6[%add3A_226, %broadcast_in_dim3A_268] : memref<1600x64xf32, #tpu.memory_space<vmem>>[vector<16xi32>, vector<16xi32>], vector<16xf32>,
      %mul3A_270 = arith.mulf %gather3A_269, %gather3A_269 : vector<16xf32>
      %add3A_271 = arith.addf %add3A_266, %mul3A_270 : vector<16xf32>
      %broadcast_in_dim3A_272 = arith.constant 9 : i32
      %broadcast_in_dim3A_273 = vector.broadcast %broadcast_in_dim3A_272 : i32 to vector<16xi32>
      %gather3A_274 = tpu.vector_load_idx %arg6[%add3A_226, %broadcast_in_dim3A_273] : memref<1600x64xf32, #tpu.memory_space<vmem>>[vector<16xi32>, vector<16xi32>], vector<16xf32>,
      %mul3A_275 = arith.mulf %gather3A_274, %gather3A_274 : vector<16xf32>
      %add3A_276 = arith.addf %add3A_271, %mul3A_275 : vector<16xf32>
      %broadcast_in_dim3A_277 = arith.constant 10 : i32
      %broadcast_in_dim3A_278 = vector.broadcast %broadcast_in_dim3A_277 : i32 to vector<16xi32>
      %gather3A_279 = tpu.vector_load_idx %arg6[%add3A_226, %broadcast_in_dim3A_278] : memref<1600x64xf32, #tpu.memory_space<vmem>>[vector<16xi32>, vector<16xi32>], vector<16xf32>,
      %mul3A_280 = arith.mulf %gather3A_279, %gather3A_279 : vector<16xf32>
      %add3A_281 = arith.addf %add3A_276, %mul3A_280 : vector<16xf32>
      %broadcast_in_dim3A_282 = arith.constant 11 : i32
      %broadcast_in_dim3A_283 = vector.broadcast %broadcast_in_dim3A_282 : i32 to vector<16xi32>
      %gather3A_284 = tpu.vector_load_idx %arg6[%add3A_226, %broadcast_in_dim3A_283] : memref<1600x64xf32, #tpu.memory_space<vmem>>[vector<16xi32>, vector<16xi32>], vector<16xf32>,
      %mul3A_285 = arith.mulf %gather3A_284, %gather3A_284 : vector<16xf32>
      %add3A_286 = arith.addf %add3A_281, %mul3A_285 : vector<16xf32>
      %broadcast_in_dim3A_287 = arith.constant 12 : i32
      %broadcast_in_dim3A_288 = vector.broadcast %broadcast_in_dim3A_287 : i32 to vector<16xi32>
      %gather3A_289 = tpu.vector_load_idx %arg6[%add3A_226, %broadcast_in_dim3A_288] : memref<1600x64xf32, #tpu.memory_space<vmem>>[vector<16xi32>, vector<16xi32>], vector<16xf32>,
      %mul3A_290 = arith.mulf %gather3A_289, %gather3A_289 : vector<16xf32>
      %add3A_291 = arith.addf %add3A_286, %mul3A_290 : vector<16xf32>
      %broadcast_in_dim3A_292 = arith.constant 13 : i32
      %broadcast_in_dim3A_293 = vector.broadcast %broadcast_in_dim3A_292 : i32 to vector<16xi32>
      %gather3A_294 = tpu.vector_load_idx %arg6[%add3A_226, %broadcast_in_dim3A_293] : memref<1600x64xf32, #tpu.memory_space<vmem>>[vector<16xi32>, vector<16xi32>], vector<16xf32>,
      %mul3A_295 = arith.mulf %gather3A_294, %gather3A_294 : vector<16xf32>
      %add3A_296 = arith.addf %add3A_291, %mul3A_295 : vector<16xf32>
      %broadcast_in_dim3A_297 = arith.constant 14 : i32
      %broadcast_in_dim3A_298 = vector.broadcast %broadcast_in_dim3A_297 : i32 to vector<16xi32>
      %gather3A_299 = tpu.vector_load_idx %arg6[%add3A_226, %broadcast_in_dim3A_298] : memref<1600x64xf32, #tpu.memory_space<vmem>>[vector<16xi32>, vector<16xi32>], vector<16xf32>,
      %mul3A_300 = arith.mulf %gather3A_299, %gather3A_299 : vector<16xf32>
      %add3A_301 = arith.addf %add3A_296, %mul3A_300 : vector<16xf32>
      %broadcast_in_dim3A_302 = arith.constant 15 : i32
      %broadcast_in_dim3A_303 = vector.broadcast %broadcast_in_dim3A_302 : i32 to vector<16xi32>
      %gather3A_304 = tpu.vector_load_idx %arg6[%add3A_226, %broadcast_in_dim3A_303] : memref<1600x64xf32, #tpu.memory_space<vmem>>[vector<16xi32>, vector<16xi32>], vector<16xf32>,
      %mul3A_305 = arith.mulf %gather3A_304, %gather3A_304 : vector<16xf32>
      %add3A_306 = arith.addf %add3A_301, %mul3A_305 : vector<16xf32>
      %broadcast_in_dim3A_307 = arith.constant 16 : i32
      %broadcast_in_dim3A_308 = vector.broadcast %broadcast_in_dim3A_307 : i32 to vector<16xi32>
      %gather3A_309 = tpu.vector_load_idx %arg6[%add3A_226, %broadcast_in_dim3A_308] : memref<1600x64xf32, #tpu.memory_space<vmem>>[vector<16xi32>, vector<16xi32>], vector<16xf32>,
      %mul3A_310 = arith.mulf %gather3A_309, %gather3A_309 : vector<16xf32>
      %add3A_311 = arith.addf %add3A_306, %mul3A_310 : vector<16xf32>
      %broadcast_in_dim3A_312 = arith.constant 17 : i32
      %broadcast_in_dim3A_313 = vector.broadcast %broadcast_in_dim3A_312 : i32 to vector<16xi32>
      %gather3A_314 = tpu.vector_load_idx %arg6[%add3A_226, %broadcast_in_dim3A_313] : memref<1600x64xf32, #tpu.memory_space<vmem>>[vector<16xi32>, vector<16xi32>], vector<16xf32>,
      %mul3A_315 = arith.mulf %gather3A_314, %gather3A_314 : vector<16xf32>
      %add3A_316 = arith.addf %add3A_311, %mul3A_315 : vector<16xf32>
      %broadcast_in_dim3A_317 = arith.constant 18 : i32
      %broadcast_in_dim3A_318 = vector.broadcast %broadcast_in_dim3A_317 : i32 to vector<16xi32>
      %gather3A_319 = tpu.vector_load_idx %arg6[%add3A_226, %broadcast_in_dim3A_318] : memref<1600x64xf32, #tpu.memory_space<vmem>>[vector<16xi32>, vector<16xi32>], vector<16xf32>,
      %mul3A_320 = arith.mulf %gather3A_319, %gather3A_319 : vector<16xf32>
      %add3A_321 = arith.addf %add3A_316, %mul3A_320 : vector<16xf32>
      %broadcast_in_dim3A_322 = arith.constant 19 : i32
      %broadcast_in_dim3A_323 = vector.broadcast %broadcast_in_dim3A_322 : i32 to vector<16xi32>
      %gather3A_324 = tpu.vector_load_idx %arg6[%add3A_226, %broadcast_in_dim3A_323] : memref<1600x64xf32, #tpu.memory_space<vmem>>[vector<16xi32>, vector<16xi32>], vector<16xf32>,
      %mul3A_325 = arith.mulf %gather3A_324, %gather3A_324 : vector<16xf32>
      %add3A_326 = arith.addf %add3A_321, %mul3A_325 : vector<16xf32>
      %broadcast_in_dim3A_327 = arith.constant 20 : i32
      %broadcast_in_dim3A_328 = vector.broadcast %broadcast_in_dim3A_327 : i32 to vector<16xi32>
      %gather3A_329 = tpu.vector_load_idx %arg6[%add3A_226, %broadcast_in_dim3A_328] : memref<1600x64xf32, #tpu.memory_space<vmem>>[vector<16xi32>, vector<16xi32>], vector<16xf32>,
      %mul3A_330 = arith.mulf %gather3A_329, %gather3A_329 : vector<16xf32>
      %add3A_331 = arith.addf %add3A_326, %mul3A_330 : vector<16xf32>
      %broadcast_in_dim3A_332 = arith.constant 21 : i32
      %broadcast_in_dim3A_333 = vector.broadcast %broadcast_in_dim3A_332 : i32 to vector<16xi32>
      %gather3A_334 = tpu.vector_load_idx %arg6[%add3A_226, %broadcast_in_dim3A_333] : memref<1600x64xf32, #tpu.memory_space<vmem>>[vector<16xi32>, vector<16xi32>], vector<16xf32>,
      %mul3A_335 = arith.mulf %gather3A_334, %gather3A_334 : vector<16xf32>
      %add3A_336 = arith.addf %add3A_331, %mul3A_335 : vector<16xf32>
      %broadcast_in_dim3A_337 = arith.constant 22 : i32
      %broadcast_in_dim3A_338 = vector.broadcast %broadcast_in_dim3A_337 : i32 to vector<16xi32>
      %gather3A_339 = tpu.vector_load_idx %arg6[%add3A_226, %broadcast_in_dim3A_338] : memref<1600x64xf32, #tpu.memory_space<vmem>>[vector<16xi32>, vector<16xi32>], vector<16xf32>,
      %mul3A_340 = arith.mulf %gather3A_339, %gather3A_339 : vector<16xf32>
      %add3A_341 = arith.addf %add3A_336, %mul3A_340 : vector<16xf32>
      %broadcast_in_dim3A_342 = arith.constant 23 : i32
      %broadcast_in_dim3A_343 = vector.broadcast %broadcast_in_dim3A_342 : i32 to vector<16xi32>
      %gather3A_344 = tpu.vector_load_idx %arg6[%add3A_226, %broadcast_in_dim3A_343] : memref<1600x64xf32, #tpu.memory_space<vmem>>[vector<16xi32>, vector<16xi32>], vector<16xf32>,
      %mul3A_345 = arith.mulf %gather3A_344, %gather3A_344 : vector<16xf32>
      %add3A_346 = arith.addf %add3A_341, %mul3A_345 : vector<16xf32>
      %broadcast_in_dim3A_347 = arith.constant 24 : i32
      %broadcast_in_dim3A_348 = vector.broadcast %broadcast_in_dim3A_347 : i32 to vector<16xi32>
      %gather3A_349 = tpu.vector_load_idx %arg6[%add3A_226, %broadcast_in_dim3A_348] : memref<1600x64xf32, #tpu.memory_space<vmem>>[vector<16xi32>, vector<16xi32>], vector<16xf32>,
      %mul3A_350 = arith.mulf %gather3A_349, %gather3A_349 : vector<16xf32>
      %add3A_351 = arith.addf %add3A_346, %mul3A_350 : vector<16xf32>
      %broadcast_in_dim3A_352 = arith.constant 25 : i32
      %broadcast_in_dim3A_353 = vector.broadcast %broadcast_in_dim3A_352 : i32 to vector<16xi32>
      %gather3A_354 = tpu.vector_load_idx %arg6[%add3A_226, %broadcast_in_dim3A_353] : memref<1600x64xf32, #tpu.memory_space<vmem>>[vector<16xi32>, vector<16xi32>], vector<16xf32>,
      %mul3A_355 = arith.mulf %gather3A_354, %gather3A_354 : vector<16xf32>
      %add3A_356 = arith.addf %add3A_351, %mul3A_355 : vector<16xf32>
      %broadcast_in_dim3A_357 = arith.constant 26 : i32
      %broadcast_in_dim3A_358 = vector.broadcast %broadcast_in_dim3A_357 : i32 to vector<16xi32>
      %gather3A_359 = tpu.vector_load_idx %arg6[%add3A_226, %broadcast_in_dim3A_358] : memref<1600x64xf32, #tpu.memory_space<vmem>>[vector<16xi32>, vector<16xi32>], vector<16xf32>,
      %mul3A_360 = arith.mulf %gather3A_359, %gather3A_359 : vector<16xf32>
      %add3A_361 = arith.addf %add3A_356, %mul3A_360 : vector<16xf32>
      %broadcast_in_dim3A_362 = arith.constant 27 : i32
      %broadcast_in_dim3A_363 = vector.broadcast %broadcast_in_dim3A_362 : i32 to vector<16xi32>
      %gather3A_364 = tpu.vector_load_idx %arg6[%add3A_226, %broadcast_in_dim3A_363] : memref<1600x64xf32, #tpu.memory_space<vmem>>[vector<16xi32>, vector<16xi32>], vector<16xf32>,
      %mul3A_365 = arith.mulf %gather3A_364, %gather3A_364 : vector<16xf32>
      %add3A_366 = arith.addf %add3A_361, %mul3A_365 : vector<16xf32>
      %broadcast_in_dim3A_367 = arith.constant 28 : i32
      %broadcast_in_dim3A_368 = vector.broadcast %broadcast_in_dim3A_367 : i32 to vector<16xi32>
      %gather3A_369 = tpu.vector_load_idx %arg6[%add3A_226, %broadcast_in_dim3A_368] : memref<1600x64xf32, #tpu.memory_space<vmem>>[vector<16xi32>, vector<16xi32>], vector<16xf32>,
      %mul3A_370 = arith.mulf %gather3A_369, %gather3A_369 : vector<16xf32>
      %add3A_371 = arith.addf %add3A_366, %mul3A_370 : vector<16xf32>
      %broadcast_in_dim3A_372 = arith.constant 29 : i32
      %broadcast_in_dim3A_373 = vector.broadcast %broadcast_in_dim3A_372 : i32 to vector<16xi32>
      %gather3A_374 = tpu.vector_load_idx %arg6[%add3A_226, %broadcast_in_dim3A_373] : memref<1600x64xf32, #tpu.memory_space<vmem>>[vector<16xi32>, vector<16xi32>], vector<16xf32>,
      %mul3A_375 = arith.mulf %gather3A_374, %gather3A_374 : vector<16xf32>
      %add3A_376 = arith.addf %add3A_371, %mul3A_375 : vector<16xf32>
      %broadcast_in_dim3A_377 = arith.constant 30 : i32
      %broadcast_in_dim3A_378 = vector.broadcast %broadcast_in_dim3A_377 : i32 to vector<16xi32>
      %gather3A_379 = tpu.vector_load_idx %arg6[%add3A_226, %broadcast_in_dim3A_378] : memref<1600x64xf32, #tpu.memory_space<vmem>>[vector<16xi32>, vector<16xi32>], vector<16xf32>,
      %mul3A_380 = arith.mulf %gather3A_379, %gather3A_379 : vector<16xf32>
      %add3A_381 = arith.addf %add3A_376, %mul3A_380 : vector<16xf32>
      %broadcast_in_dim3A_382 = arith.constant 31 : i32
      %broadcast_in_dim3A_383 = vector.broadcast %broadcast_in_dim3A_382 : i32 to vector<16xi32>
      %gather3A_384 = tpu.vector_load_idx %arg6[%add3A_226, %broadcast_in_dim3A_383] : memref<1600x64xf32, #tpu.memory_space<vmem>>[vector<16xi32>, vector<16xi32>], vector<16xf32>,
      %mul3A_385 = arith.mulf %gather3A_384, %gather3A_384 : vector<16xf32>
      %add3A_386 = arith.addf %add3A_381, %mul3A_385 : vector<16xf32>
      %broadcast_in_dim3A_387 = arith.constant 32 : i32
      %broadcast_in_dim3A_388 = vector.broadcast %broadcast_in_dim3A_387 : i32 to vector<16xi32>
      %gather3A_389 = tpu.vector_load_idx %arg6[%add3A_226, %broadcast_in_dim3A_388] : memref<1600x64xf32, #tpu.memory_space<vmem>>[vector<16xi32>, vector<16xi32>], vector<16xf32>,
      %mul3A_390 = arith.mulf %gather3A_389, %gather3A_389 : vector<16xf32>
      %add3A_391 = arith.addf %add3A_386, %mul3A_390 : vector<16xf32>
      %broadcast_in_dim3A_392 = arith.constant 33 : i32
      %broadcast_in_dim3A_393 = vector.broadcast %broadcast_in_dim3A_392 : i32 to vector<16xi32>
      %gather3A_394 = tpu.vector_load_idx %arg6[%add3A_226, %broadcast_in_dim3A_393] : memref<1600x64xf32, #tpu.memory_space<vmem>>[vector<16xi32>, vector<16xi32>], vector<16xf32>,
      %mul3A_395 = arith.mulf %gather3A_394, %gather3A_394 : vector<16xf32>
      %add3A_396 = arith.addf %add3A_391, %mul3A_395 : vector<16xf32>
      %broadcast_in_dim3A_397 = arith.constant 34 : i32
      %broadcast_in_dim3A_398 = vector.broadcast %broadcast_in_dim3A_397 : i32 to vector<16xi32>
      %gather3A_399 = tpu.vector_load_idx %arg6[%add3A_226, %broadcast_in_dim3A_398] : memref<1600x64xf32, #tpu.memory_space<vmem>>[vector<16xi32>, vector<16xi32>], vector<16xf32>,
      %mul3A_400 = arith.mulf %gather3A_399, %gather3A_399 : vector<16xf32>
      %add3A_401 = arith.addf %add3A_396, %mul3A_400 : vector<16xf32>
      %broadcast_in_dim3A_402 = arith.constant 35 : i32
      %broadcast_in_dim3A_403 = vector.broadcast %broadcast_in_dim3A_402 : i32 to vector<16xi32>
      %gather3A_404 = tpu.vector_load_idx %arg6[%add3A_226, %broadcast_in_dim3A_403] : memref<1600x64xf32, #tpu.memory_space<vmem>>[vector<16xi32>, vector<16xi32>], vector<16xf32>,
      %mul3A_405 = arith.mulf %gather3A_404, %gather3A_404 : vector<16xf32>
      %add3A_406 = arith.addf %add3A_401, %mul3A_405 : vector<16xf32>
      %broadcast_in_dim3A_407 = arith.constant 36 : i32
      %broadcast_in_dim3A_408 = vector.broadcast %broadcast_in_dim3A_407 : i32 to vector<16xi32>
      %gather3A_409 = tpu.vector_load_idx %arg6[%add3A_226, %broadcast_in_dim3A_408] : memref<1600x64xf32, #tpu.memory_space<vmem>>[vector<16xi32>, vector<16xi32>], vector<16xf32>,
      %mul3A_410 = arith.mulf %gather3A_409, %gather3A_409 : vector<16xf32>
      %add3A_411 = arith.addf %add3A_406, %mul3A_410 : vector<16xf32>
      %broadcast_in_dim3A_412 = arith.constant 37 : i32
      %broadcast_in_dim3A_413 = vector.broadcast %broadcast_in_dim3A_412 : i32 to vector<16xi32>
      %gather3A_414 = tpu.vector_load_idx %arg6[%add3A_226, %broadcast_in_dim3A_413] : memref<1600x64xf32, #tpu.memory_space<vmem>>[vector<16xi32>, vector<16xi32>], vector<16xf32>,
      %mul3A_415 = arith.mulf %gather3A_414, %gather3A_414 : vector<16xf32>
      %add3A_416 = arith.addf %add3A_411, %mul3A_415 : vector<16xf32>
      %broadcast_in_dim3A_417 = arith.constant 38 : i32
      %broadcast_in_dim3A_418 = vector.broadcast %broadcast_in_dim3A_417 : i32 to vector<16xi32>
      %gather3A_419 = tpu.vector_load_idx %arg6[%add3A_226, %broadcast_in_dim3A_418] : memref<1600x64xf32, #tpu.memory_space<vmem>>[vector<16xi32>, vector<16xi32>], vector<16xf32>,
      %mul3A_420 = arith.mulf %gather3A_419, %gather3A_419 : vector<16xf32>
      %add3A_421 = arith.addf %add3A_416, %mul3A_420 : vector<16xf32>
      %broadcast_in_dim3A_422 = arith.constant 39 : i32
      %broadcast_in_dim3A_423 = vector.broadcast %broadcast_in_dim3A_422 : i32 to vector<16xi32>
      %gather3A_424 = tpu.vector_load_idx %arg6[%add3A_226, %broadcast_in_dim3A_423] : memref<1600x64xf32, #tpu.memory_space<vmem>>[vector<16xi32>, vector<16xi32>], vector<16xf32>,
      %mul3A_425 = arith.mulf %gather3A_424, %gather3A_424 : vector<16xf32>
      %add3A_426 = arith.addf %add3A_421, %mul3A_425 : vector<16xf32>
      %broadcast_in_dim3A_427 = arith.constant 40 : i32
      %broadcast_in_dim3A_428 = vector.broadcast %broadcast_in_dim3A_427 : i32 to vector<16xi32>
      %gather3A_429 = tpu.vector_load_idx %arg6[%add3A_226, %broadcast_in_dim3A_428] : memref<1600x64xf32, #tpu.memory_space<vmem>>[vector<16xi32>, vector<16xi32>], vector<16xf32>,
      %mul3A_430 = arith.mulf %gather3A_429, %gather3A_429 : vector<16xf32>
      %add3A_431 = arith.addf %add3A_426, %mul3A_430 : vector<16xf32>
      %broadcast_in_dim3A_432 = arith.constant 41 : i32
      %broadcast_in_dim3A_433 = vector.broadcast %broadcast_in_dim3A_432 : i32 to vector<16xi32>
      %gather3A_434 = tpu.vector_load_idx %arg6[%add3A_226, %broadcast_in_dim3A_433] : memref<1600x64xf32, #tpu.memory_space<vmem>>[vector<16xi32>, vector<16xi32>], vector<16xf32>,
      %mul3A_435 = arith.mulf %gather3A_434, %gather3A_434 : vector<16xf32>
      %add3A_436 = arith.addf %add3A_431, %mul3A_435 : vector<16xf32>
      %broadcast_in_dim3A_437 = arith.constant 42 : i32
      %broadcast_in_dim3A_438 = vector.broadcast %broadcast_in_dim3A_437 : i32 to vector<16xi32>
      %gather3A_439 = tpu.vector_load_idx %arg6[%add3A_226, %broadcast_in_dim3A_438] : memref<1600x64xf32, #tpu.memory_space<vmem>>[vector<16xi32>, vector<16xi32>], vector<16xf32>,
      %mul3A_440 = arith.mulf %gather3A_439, %gather3A_439 : vector<16xf32>
      %add3A_441 = arith.addf %add3A_436, %mul3A_440 : vector<16xf32>
      %broadcast_in_dim3A_442 = arith.constant 43 : i32
      %broadcast_in_dim3A_443 = vector.broadcast %broadcast_in_dim3A_442 : i32 to vector<16xi32>
      %gather3A_444 = tpu.vector_load_idx %arg6[%add3A_226, %broadcast_in_dim3A_443] : memref<1600x64xf32, #tpu.memory_space<vmem>>[vector<16xi32>, vector<16xi32>], vector<16xf32>,
      %mul3A_445 = arith.mulf %gather3A_444, %gather3A_444 : vector<16xf32>
      %add3A_446 = arith.addf %add3A_441, %mul3A_445 : vector<16xf32>
      %broadcast_in_dim3A_447 = arith.constant 44 : i32
      %broadcast_in_dim3A_448 = vector.broadcast %broadcast_in_dim3A_447 : i32 to vector<16xi32>
      %gather3A_449 = tpu.vector_load_idx %arg6[%add3A_226, %broadcast_in_dim3A_448] : memref<1600x64xf32, #tpu.memory_space<vmem>>[vector<16xi32>, vector<16xi32>], vector<16xf32>,
      %mul3A_450 = arith.mulf %gather3A_449, %gather3A_449 : vector<16xf32>
      %add3A_451 = arith.addf %add3A_446, %mul3A_450 : vector<16xf32>
      %broadcast_in_dim3A_452 = arith.constant 45 : i32
      %broadcast_in_dim3A_453 = vector.broadcast %broadcast_in_dim3A_452 : i32 to vector<16xi32>
      %gather3A_454 = tpu.vector_load_idx %arg6[%add3A_226, %broadcast_in_dim3A_453] : memref<1600x64xf32, #tpu.memory_space<vmem>>[vector<16xi32>, vector<16xi32>], vector<16xf32>,
      %mul3A_455 = arith.mulf %gather3A_454, %gather3A_454 : vector<16xf32>
      %add3A_456 = arith.addf %add3A_451, %mul3A_455 : vector<16xf32>
      %broadcast_in_dim3A_457 = arith.constant 46 : i32
      %broadcast_in_dim3A_458 = vector.broadcast %broadcast_in_dim3A_457 : i32 to vector<16xi32>
      %gather3A_459 = tpu.vector_load_idx %arg6[%add3A_226, %broadcast_in_dim3A_458] : memref<1600x64xf32, #tpu.memory_space<vmem>>[vector<16xi32>, vector<16xi32>], vector<16xf32>,
      %mul3A_460 = arith.mulf %gather3A_459, %gather3A_459 : vector<16xf32>
      %add3A_461 = arith.addf %add3A_456, %mul3A_460 : vector<16xf32>
      %broadcast_in_dim3A_462 = arith.constant 47 : i32
      %broadcast_in_dim3A_463 = vector.broadcast %broadcast_in_dim3A_462 : i32 to vector<16xi32>
      %gather3A_464 = tpu.vector_load_idx %arg6[%add3A_226, %broadcast_in_dim3A_463] : memref<1600x64xf32, #tpu.memory_space<vmem>>[vector<16xi32>, vector<16xi32>], vector<16xf32>,
      %mul3A_465 = arith.mulf %gather3A_464, %gather3A_464 : vector<16xf32>
      %add3A_466 = arith.addf %add3A_461, %mul3A_465 : vector<16xf32>
      %broadcast_in_dim3A_467 = arith.constant 48 : i32
      %broadcast_in_dim3A_468 = vector.broadcast %broadcast_in_dim3A_467 : i32 to vector<16xi32>
      %gather3A_469 = tpu.vector_load_idx %arg6[%add3A_226, %broadcast_in_dim3A_468] : memref<1600x64xf32, #tpu.memory_space<vmem>>[vector<16xi32>, vector<16xi32>], vector<16xf32>,
      %mul3A_470 = arith.mulf %gather3A_469, %gather3A_469 : vector<16xf32>
      %add3A_471 = arith.addf %add3A_466, %mul3A_470 : vector<16xf32>
      %broadcast_in_dim3A_472 = arith.constant 49 : i32
      %broadcast_in_dim3A_473 = vector.broadcast %broadcast_in_dim3A_472 : i32 to vector<16xi32>
      %gather3A_474 = tpu.vector_load_idx %arg6[%add3A_226, %broadcast_in_dim3A_473] : memref<1600x64xf32, #tpu.memory_space<vmem>>[vector<16xi32>, vector<16xi32>], vector<16xf32>,
      %mul3A_475 = arith.mulf %gather3A_474, %gather3A_474 : vector<16xf32>
      %add3A_476 = arith.addf %add3A_471, %mul3A_475 : vector<16xf32>
      %broadcast_in_dim3A_477 = arith.constant 50 : i32
      %broadcast_in_dim3A_478 = vector.broadcast %broadcast_in_dim3A_477 : i32 to vector<16xi32>
      %gather3A_479 = tpu.vector_load_idx %arg6[%add3A_226, %broadcast_in_dim3A_478] : memref<1600x64xf32, #tpu.memory_space<vmem>>[vector<16xi32>, vector<16xi32>], vector<16xf32>,
      %mul3A_480 = arith.mulf %gather3A_479, %gather3A_479 : vector<16xf32>
      %add3A_481 = arith.addf %add3A_476, %mul3A_480 : vector<16xf32>
      %broadcast_in_dim3A_482 = arith.constant 51 : i32
      %broadcast_in_dim3A_483 = vector.broadcast %broadcast_in_dim3A_482 : i32 to vector<16xi32>
      %gather3A_484 = tpu.vector_load_idx %arg6[%add3A_226, %broadcast_in_dim3A_483] : memref<1600x64xf32, #tpu.memory_space<vmem>>[vector<16xi32>, vector<16xi32>], vector<16xf32>,
      %mul3A_485 = arith.mulf %gather3A_484, %gather3A_484 : vector<16xf32>
      %add3A_486 = arith.addf %add3A_481, %mul3A_485 : vector<16xf32>
      %broadcast_in_dim3A_487 = arith.constant 52 : i32
      %broadcast_in_dim3A_488 = vector.broadcast %broadcast_in_dim3A_487 : i32 to vector<16xi32>
      %gather3A_489 = tpu.vector_load_idx %arg6[%add3A_226, %broadcast_in_dim3A_488] : memref<1600x64xf32, #tpu.memory_space<vmem>>[vector<16xi32>, vector<16xi32>], vector<16xf32>,
      %mul3A_490 = arith.mulf %gather3A_489, %gather3A_489 : vector<16xf32>
      %add3A_491 = arith.addf %add3A_486, %mul3A_490 : vector<16xf32>
      %broadcast_in_dim3A_492 = arith.constant 53 : i32
      %broadcast_in_dim3A_493 = vector.broadcast %broadcast_in_dim3A_492 : i32 to vector<16xi32>
      %gather3A_494 = tpu.vector_load_idx %arg6[%add3A_226, %broadcast_in_dim3A_493] : memref<1600x64xf32, #tpu.memory_space<vmem>>[vector<16xi32>, vector<16xi32>], vector<16xf32>,
      %mul3A_495 = arith.mulf %gather3A_494, %gather3A_494 : vector<16xf32>
      %add3A_496 = arith.addf %add3A_491, %mul3A_495 : vector<16xf32>
      %broadcast_in_dim3A_497 = arith.constant 54 : i32
      %broadcast_in_dim3A_498 = vector.broadcast %broadcast_in_dim3A_497 : i32 to vector<16xi32>
      %gather3A_499 = tpu.vector_load_idx %arg6[%add3A_226, %broadcast_in_dim3A_498] : memref<1600x64xf32, #tpu.memory_space<vmem>>[vector<16xi32>, vector<16xi32>], vector<16xf32>,
      %mul3A_500 = arith.mulf %gather3A_499, %gather3A_499 : vector<16xf32>
      %add3A_501 = arith.addf %add3A_496, %mul3A_500 : vector<16xf32>
      %broadcast_in_dim3A_502 = arith.constant 55 : i32
      %broadcast_in_dim3A_503 = vector.broadcast %broadcast_in_dim3A_502 : i32 to vector<16xi32>
      %gather3A_504 = tpu.vector_load_idx %arg6[%add3A_226, %broadcast_in_dim3A_503] : memref<1600x64xf32, #tpu.memory_space<vmem>>[vector<16xi32>, vector<16xi32>], vector<16xf32>,
      %mul3A_505 = arith.mulf %gather3A_504, %gather3A_504 : vector<16xf32>
      %add3A_506 = arith.addf %add3A_501, %mul3A_505 : vector<16xf32>
      %broadcast_in_dim3A_507 = arith.constant 56 : i32
      %broadcast_in_dim3A_508 = vector.broadcast %broadcast_in_dim3A_507 : i32 to vector<16xi32>
      %gather3A_509 = tpu.vector_load_idx %arg6[%add3A_226, %broadcast_in_dim3A_508] : memref<1600x64xf32, #tpu.memory_space<vmem>>[vector<16xi32>, vector<16xi32>], vector<16xf32>,
      %mul3A_510 = arith.mulf %gather3A_509, %gather3A_509 : vector<16xf32>
      %add3A_511 = arith.addf %add3A_506, %mul3A_510 : vector<16xf32>
      %broadcast_in_dim3A_512 = arith.constant 57 : i32
      %broadcast_in_dim3A_513 = vector.broadcast %broadcast_in_dim3A_512 : i32 to vector<16xi32>
      %gather3A_514 = tpu.vector_load_idx %arg6[%add3A_226, %broadcast_in_dim3A_513] : memref<1600x64xf32, #tpu.memory_space<vmem>>[vector<16xi32>, vector<16xi32>], vector<16xf32>,
      %mul3A_515 = arith.mulf %gather3A_514, %gather3A_514 : vector<16xf32>
      %add3A_516 = arith.addf %add3A_511, %mul3A_515 : vector<16xf32>
      %broadcast_in_dim3A_517 = arith.constant 58 : i32
      %broadcast_in_dim3A_518 = vector.broadcast %broadcast_in_dim3A_517 : i32 to vector<16xi32>
      %gather3A_519 = tpu.vector_load_idx %arg6[%add3A_226, %broadcast_in_dim3A_518] : memref<1600x64xf32, #tpu.memory_space<vmem>>[vector<16xi32>, vector<16xi32>], vector<16xf32>,
      %mul3A_520 = arith.mulf %gather3A_519, %gather3A_519 : vector<16xf32>
      %add3A_521 = arith.addf %add3A_516, %mul3A_520 : vector<16xf32>
      %broadcast_in_dim3A_522 = arith.constant 59 : i32
      %broadcast_in_dim3A_523 = vector.broadcast %broadcast_in_dim3A_522 : i32 to vector<16xi32>
      %gather3A_524 = tpu.vector_load_idx %arg6[%add3A_226, %broadcast_in_dim3A_523] : memref<1600x64xf32, #tpu.memory_space<vmem>>[vector<16xi32>, vector<16xi32>], vector<16xf32>,
      %mul3A_525 = arith.mulf %gather3A_524, %gather3A_524 : vector<16xf32>
      %add3A_526 = arith.addf %add3A_521, %mul3A_525 : vector<16xf32>
      %broadcast_in_dim3A_527 = arith.constant 60 : i32
      %broadcast_in_dim3A_528 = vector.broadcast %broadcast_in_dim3A_527 : i32 to vector<16xi32>
      %gather3A_529 = tpu.vector_load_idx %arg6[%add3A_226, %broadcast_in_dim3A_528] : memref<1600x64xf32, #tpu.memory_space<vmem>>[vector<16xi32>, vector<16xi32>], vector<16xf32>,
      %mul3A_530 = arith.mulf %gather3A_529, %gather3A_529 : vector<16xf32>
      %add3A_531 = arith.addf %add3A_526, %mul3A_530 : vector<16xf32>
      %broadcast_in_dim3A_532 = arith.constant 61 : i32
      %broadcast_in_dim3A_533 = vector.broadcast %broadcast_in_dim3A_532 : i32 to vector<16xi32>
      %gather3A_534 = tpu.vector_load_idx %arg6[%add3A_226, %broadcast_in_dim3A_533] : memref<1600x64xf32, #tpu.memory_space<vmem>>[vector<16xi32>, vector<16xi32>], vector<16xf32>,
      %mul3A_535 = arith.mulf %gather3A_534, %gather3A_534 : vector<16xf32>
      %add3A_536 = arith.addf %add3A_531, %mul3A_535 : vector<16xf32>
      %broadcast_in_dim3A_537 = arith.constant 62 : i32
      %broadcast_in_dim3A_538 = vector.broadcast %broadcast_in_dim3A_537 : i32 to vector<16xi32>
      %gather3A_539 = tpu.vector_load_idx %arg6[%add3A_226, %broadcast_in_dim3A_538] : memref<1600x64xf32, #tpu.memory_space<vmem>>[vector<16xi32>, vector<16xi32>], vector<16xf32>,
      %mul3A_540 = arith.mulf %gather3A_539, %gather3A_539 : vector<16xf32>
      %add3A_541 = arith.addf %add3A_536, %mul3A_540 : vector<16xf32>
      %broadcast_in_dim3A_542 = arith.constant 63 : i32
      %broadcast_in_dim3A_543 = vector.broadcast %broadcast_in_dim3A_542 : i32 to vector<16xi32>
      %gather3A_544 = tpu.vector_load_idx %arg6[%add3A_226, %broadcast_in_dim3A_543] : memref<1600x64xf32, #tpu.memory_space<vmem>>[vector<16xi32>, vector<16xi32>], vector<16xf32>,
      %mul3A_545 = arith.mulf %gather3A_544, %gather3A_544 : vector<16xf32>
      %add3A_546 = arith.addf %add3A_541, %mul3A_545 : vector<16xf32>
      %bitcast3A = vector.bitcast %add3A_546 : vector<16xf32> to vector<16xi32>
      %shift_right_arithmetic3A = arith.constant 1 : i32
      %shift_right_arithmetic3A_547 = vector.broadcast %shift_right_arithmetic3A : i32 to vector<16xi32>
      %shift_right_arithmetic3A_548 = arith.shrsi %bitcast3A, %shift_right_arithmetic3A_547 : vector<16xi32>
      %sub3A = arith.constant 1597463007 : i32
      %sub3A_549 = vector.broadcast %sub3A : i32 to vector<16xi32>
      %sub3A_550 = arith.subi %sub3A_549, %shift_right_arithmetic3A_548 : vector<16xi32>
      %bitcast3A_551 = vector.bitcast %sub3A_550 : vector<16xi32> to vector<16xf32>
      %mul3A_552 = arith.constant 5.000000e-01 : f32
      %mul3A_553 = vector.broadcast %mul3A_552 : f32 to vector<16xf32>
      %mul3A_554 = arith.mulf %mul3A_553, %add3A_546 : vector<16xf32>
      %mul3A_555 = arith.mulf %mul3A_554, %bitcast3A_551 : vector<16xf32>
      %mul3A_556 = arith.mulf %mul3A_555, %bitcast3A_551 : vector<16xf32>
      %sub3A_557 = arith.constant 1.500000e+00 : f32
      %sub3A_558 = vector.broadcast %sub3A_557 : f32 to vector<16xf32>
      %sub3A_559 = arith.subf %sub3A_558, %mul3A_556 : vector<16xf32>
      %mul3A_560 = arith.mulf %bitcast3A_551, %sub3A_559 : vector<16xf32>
      %mul3A_561 = arith.constant 5.000000e-01 : f32
      %mul3A_562 = vector.broadcast %mul3A_561 : f32 to vector<16xf32>
      %mul3A_563 = arith.mulf %mul3A_562, %add3A_546 : vector<16xf32>
      %mul3A_564 = arith.mulf %mul3A_563, %mul3A_560 : vector<16xf32>
      %mul3A_565 = arith.mulf %mul3A_564, %mul3A_560 : vector<16xf32>
      %sub3A_566 = arith.constant 1.500000e+00 : f32
      %sub3A_567 = vector.broadcast %sub3A_566 : f32 to vector<16xf32>
      %sub3A_568 = arith.subf %sub3A_567, %mul3A_565 : vector<16xf32>
      %mul3A_569 = arith.mulf %mul3A_560, %sub3A_568 : vector<16xf32>
      %gt3A = arith.constant 1.000000e+00 : f32
      %gt3A_570 = vector.broadcast %gt3A : f32 to vector<16xf32>
      %gt3A_571 = arith.cmpf ogt, %add3A_546, %gt3A_570 : vector<16xf32>
      %jit3A = arith.constant 1.000000e+00 : f32
      %broadcast_in_dim3A_572 = vector.broadcast %jit3A : f32 to vector<16xf32>
      %select_n3A = arith.select %gt3A_571, %mul3A_569, %broadcast_in_dim3A_572 : vector<16xi1>, vector<16xf32>
      %mul3A_573 = arith.constant 2.000000e-02 : f32
      %mul3A_574 = vector.broadcast %mul3A_573 : f32 to vector<16xf32>
      %mul3A_575 = arith.mulf %select_n3A, %mul3A_574 : vector<16xf32>
      %swap3A = arith.index_cast %mul3A_224 : i32 to index
      %swap3A_576 = tpu.vector_load %arg7[%swap3A] {strides = array<i32>} : memref<1600xf32, #tpu.memory_space<vmem>>, vector<16xf32>,
      tpu.vector_store %arg7[%swap3A], %mul3A_575 {strides = array<i32>} : memref<1600xf32, #tpu.memory_space<vmem>>, vector<16xf32>,
      %scan3A_577 = arith.constant 1 : i32
      %scan3A_578 = arith.addi %scan3A_222, %scan3A_577 : i32
      %mul3A_579 = arith.constant 16 : i32
      %mul3A_580 = arith.muli %scan3A_578, %mul3A_579 : i32
      %iota3A_581 = tpu.iota {dimensions = array<i32: 0>} : vector<16xi32>
      %add3A_582 = vector.broadcast %mul3A_580 : i32 to vector<16xi32>
      %add3A_583 = arith.addi %add3A_582, %iota3A_581 : vector<16xi32>
      %broadcast_in_dim3A_584 = arith.constant 0.000000e+00 : f32
      %broadcast_in_dim3A_585 = vector.broadcast %broadcast_in_dim3A_584 : f32 to vector<16xf32>
      %broadcast_in_dim3A_586 = arith.constant 0 : i32
      %broadcast_in_dim3A_587 = vector.broadcast %broadcast_in_dim3A_586 : i32 to vector<16xi32>
      %gather3A_588 = tpu.vector_load_idx %arg6[%add3A_583, %broadcast_in_dim3A_587] : memref<1600x64xf32, #tpu.memory_space<vmem>>[vector<16xi32>, vector<16xi32>], vector<16xf32>,
      %mul3A_589 = arith.mulf %gather3A_588, %gather3A_588 : vector<16xf32>
      %add3A_590 = arith.addf %broadcast_in_dim3A_585, %mul3A_589 : vector<16xf32>
      %broadcast_in_dim3A_591 = arith.constant 1 : i32
      %broadcast_in_dim3A_592 = vector.broadcast %broadcast_in_dim3A_591 : i32 to vector<16xi32>
      %gather3A_593 = tpu.vector_load_idx %arg6[%add3A_583, %broadcast_in_dim3A_592] : memref<1600x64xf32, #tpu.memory_space<vmem>>[vector<16xi32>, vector<16xi32>], vector<16xf32>,
      %mul3A_594 = arith.mulf %gather3A_593, %gather3A_593 : vector<16xf32>
      %add3A_595 = arith.addf %add3A_590, %mul3A_594 : vector<16xf32>
      %broadcast_in_dim3A_596 = arith.constant 2 : i32
      %broadcast_in_dim3A_597 = vector.broadcast %broadcast_in_dim3A_596 : i32 to vector<16xi32>
      %gather3A_598 = tpu.vector_load_idx %arg6[%add3A_583, %broadcast_in_dim3A_597] : memref<1600x64xf32, #tpu.memory_space<vmem>>[vector<16xi32>, vector<16xi32>], vector<16xf32>,
      %mul3A_599 = arith.mulf %gather3A_598, %gather3A_598 : vector<16xf32>
      %add3A_600 = arith.addf %add3A_595, %mul3A_599 : vector<16xf32>
      %broadcast_in_dim3A_601 = arith.constant 3 : i32
      %broadcast_in_dim3A_602 = vector.broadcast %broadcast_in_dim3A_601 : i32 to vector<16xi32>
      %gather3A_603 = tpu.vector_load_idx %arg6[%add3A_583, %broadcast_in_dim3A_602] : memref<1600x64xf32, #tpu.memory_space<vmem>>[vector<16xi32>, vector<16xi32>], vector<16xf32>,
      %mul3A_604 = arith.mulf %gather3A_603, %gather3A_603 : vector<16xf32>
      %add3A_605 = arith.addf %add3A_600, %mul3A_604 : vector<16xf32>
      %broadcast_in_dim3A_606 = arith.constant 4 : i32
      %broadcast_in_dim3A_607 = vector.broadcast %broadcast_in_dim3A_606 : i32 to vector<16xi32>
      %gather3A_608 = tpu.vector_load_idx %arg6[%add3A_583, %broadcast_in_dim3A_607] : memref<1600x64xf32, #tpu.memory_space<vmem>>[vector<16xi32>, vector<16xi32>], vector<16xf32>,
      %mul3A_609 = arith.mulf %gather3A_608, %gather3A_608 : vector<16xf32>
      %add3A_610 = arith.addf %add3A_605, %mul3A_609 : vector<16xf32>
      %broadcast_in_dim3A_611 = arith.constant 5 : i32
      %broadcast_in_dim3A_612 = vector.broadcast %broadcast_in_dim3A_611 : i32 to vector<16xi32>
      %gather3A_613 = tpu.vector_load_idx %arg6[%add3A_583, %broadcast_in_dim3A_612] : memref<1600x64xf32, #tpu.memory_space<vmem>>[vector<16xi32>, vector<16xi32>], vector<16xf32>,
      %mul3A_614 = arith.mulf %gather3A_613, %gather3A_613 : vector<16xf32>
      %add3A_615 = arith.addf %add3A_610, %mul3A_614 : vector<16xf32>
      %broadcast_in_dim3A_616 = arith.constant 6 : i32
      %broadcast_in_dim3A_617 = vector.broadcast %broadcast_in_dim3A_616 : i32 to vector<16xi32>
      %gather3A_618 = tpu.vector_load_idx %arg6[%add3A_583, %broadcast_in_dim3A_617] : memref<1600x64xf32, #tpu.memory_space<vmem>>[vector<16xi32>, vector<16xi32>], vector<16xf32>,
      %mul3A_619 = arith.mulf %gather3A_618, %gather3A_618 : vector<16xf32>
      %add3A_620 = arith.addf %add3A_615, %mul3A_619 : vector<16xf32>
      %broadcast_in_dim3A_621 = arith.constant 7 : i32
      %broadcast_in_dim3A_622 = vector.broadcast %broadcast_in_dim3A_621 : i32 to vector<16xi32>
      %gather3A_623 = tpu.vector_load_idx %arg6[%add3A_583, %broadcast_in_dim3A_622] : memref<1600x64xf32, #tpu.memory_space<vmem>>[vector<16xi32>, vector<16xi32>], vector<16xf32>,
      %mul3A_624 = arith.mulf %gather3A_623, %gather3A_623 : vector<16xf32>
      %add3A_625 = arith.addf %add3A_620, %mul3A_624 : vector<16xf32>
      %broadcast_in_dim3A_626 = arith.constant 8 : i32
      %broadcast_in_dim3A_627 = vector.broadcast %broadcast_in_dim3A_626 : i32 to vector<16xi32>
      %gather3A_628 = tpu.vector_load_idx %arg6[%add3A_583, %broadcast_in_dim3A_627] : memref<1600x64xf32, #tpu.memory_space<vmem>>[vector<16xi32>, vector<16xi32>], vector<16xf32>,
      %mul3A_629 = arith.mulf %gather3A_628, %gather3A_628 : vector<16xf32>
      %add3A_630 = arith.addf %add3A_625, %mul3A_629 : vector<16xf32>
      %broadcast_in_dim3A_631 = arith.constant 9 : i32
      %broadcast_in_dim3A_632 = vector.broadcast %broadcast_in_dim3A_631 : i32 to vector<16xi32>
      %gather3A_633 = tpu.vector_load_idx %arg6[%add3A_583, %broadcast_in_dim3A_632] : memref<1600x64xf32, #tpu.memory_space<vmem>>[vector<16xi32>, vector<16xi32>], vector<16xf32>,
      %mul3A_634 = arith.mulf %gather3A_633, %gather3A_633 : vector<16xf32>
      %add3A_635 = arith.addf %add3A_630, %mul3A_634 : vector<16xf32>
      %broadcast_in_dim3A_636 = arith.constant 10 : i32
      %broadcast_in_dim3A_637 = vector.broadcast %broadcast_in_dim3A_636 : i32 to vector<16xi32>
      %gather3A_638 = tpu.vector_load_idx %arg6[%add3A_583, %broadcast_in_dim3A_637] : memref<1600x64xf32, #tpu.memory_space<vmem>>[vector<16xi32>, vector<16xi32>], vector<16xf32>,
      %mul3A_639 = arith.mulf %gather3A_638, %gather3A_638 : vector<16xf32>
      %add3A_640 = arith.addf %add3A_635, %mul3A_639 : vector<16xf32>
      %broadcast_in_dim3A_641 = arith.constant 11 : i32
      %broadcast_in_dim3A_642 = vector.broadcast %broadcast_in_dim3A_641 : i32 to vector<16xi32>
      %gather3A_643 = tpu.vector_load_idx %arg6[%add3A_583, %broadcast_in_dim3A_642] : memref<1600x64xf32, #tpu.memory_space<vmem>>[vector<16xi32>, vector<16xi32>], vector<16xf32>,
      %mul3A_644 = arith.mulf %gather3A_643, %gather3A_643 : vector<16xf32>
      %add3A_645 = arith.addf %add3A_640, %mul3A_644 : vector<16xf32>
      %broadcast_in_dim3A_646 = arith.constant 12 : i32
      %broadcast_in_dim3A_647 = vector.broadcast %broadcast_in_dim3A_646 : i32 to vector<16xi32>
      %gather3A_648 = tpu.vector_load_idx %arg6[%add3A_583, %broadcast_in_dim3A_647] : memref<1600x64xf32, #tpu.memory_space<vmem>>[vector<16xi32>, vector<16xi32>], vector<16xf32>,
      %mul3A_649 = arith.mulf %gather3A_648, %gather3A_648 : vector<16xf32>
      %add3A_650 = arith.addf %add3A_645, %mul3A_649 : vector<16xf32>
      %broadcast_in_dim3A_651 = arith.constant 13 : i32
      %broadcast_in_dim3A_652 = vector.broadcast %broadcast_in_dim3A_651 : i32 to vector<16xi32>
      %gather3A_653 = tpu.vector_load_idx %arg6[%add3A_583, %broadcast_in_dim3A_652] : memref<1600x64xf32, #tpu.memory_space<vmem>>[vector<16xi32>, vector<16xi32>], vector<16xf32>,
      %mul3A_654 = arith.mulf %gather3A_653, %gather3A_653 : vector<16xf32>
      %add3A_655 = arith.addf %add3A_650, %mul3A_654 : vector<16xf32>
      %broadcast_in_dim3A_656 = arith.constant 14 : i32
      %broadcast_in_dim3A_657 = vector.broadcast %broadcast_in_dim3A_656 : i32 to vector<16xi32>
      %gather3A_658 = tpu.vector_load_idx %arg6[%add3A_583, %broadcast_in_dim3A_657] : memref<1600x64xf32, #tpu.memory_space<vmem>>[vector<16xi32>, vector<16xi32>], vector<16xf32>,
      %mul3A_659 = arith.mulf %gather3A_658, %gather3A_658 : vector<16xf32>
      %add3A_660 = arith.addf %add3A_655, %mul3A_659 : vector<16xf32>
      %broadcast_in_dim3A_661 = arith.constant 15 : i32
      %broadcast_in_dim3A_662 = vector.broadcast %broadcast_in_dim3A_661 : i32 to vector<16xi32>
      %gather3A_663 = tpu.vector_load_idx %arg6[%add3A_583, %broadcast_in_dim3A_662] : memref<1600x64xf32, #tpu.memory_space<vmem>>[vector<16xi32>, vector<16xi32>], vector<16xf32>,
      %mul3A_664 = arith.mulf %gather3A_663, %gather3A_663 : vector<16xf32>
      %add3A_665 = arith.addf %add3A_660, %mul3A_664 : vector<16xf32>
      %broadcast_in_dim3A_666 = arith.constant 16 : i32
      %broadcast_in_dim3A_667 = vector.broadcast %broadcast_in_dim3A_666 : i32 to vector<16xi32>
      %gather3A_668 = tpu.vector_load_idx %arg6[%add3A_583, %broadcast_in_dim3A_667] : memref<1600x64xf32, #tpu.memory_space<vmem>>[vector<16xi32>, vector<16xi32>], vector<16xf32>,
      %mul3A_669 = arith.mulf %gather3A_668, %gather3A_668 : vector<16xf32>
      %add3A_670 = arith.addf %add3A_665, %mul3A_669 : vector<16xf32>
      %broadcast_in_dim3A_671 = arith.constant 17 : i32
      %broadcast_in_dim3A_672 = vector.broadcast %broadcast_in_dim3A_671 : i32 to vector<16xi32>
      %gather3A_673 = tpu.vector_load_idx %arg6[%add3A_583, %broadcast_in_dim3A_672] : memref<1600x64xf32, #tpu.memory_space<vmem>>[vector<16xi32>, vector<16xi32>], vector<16xf32>,
      %mul3A_674 = arith.mulf %gather3A_673, %gather3A_673 : vector<16xf32>
      %add3A_675 = arith.addf %add3A_670, %mul3A_674 : vector<16xf32>
      %broadcast_in_dim3A_676 = arith.constant 18 : i32
      %broadcast_in_dim3A_677 = vector.broadcast %broadcast_in_dim3A_676 : i32 to vector<16xi32>
      %gather3A_678 = tpu.vector_load_idx %arg6[%add3A_583, %broadcast_in_dim3A_677] : memref<1600x64xf32, #tpu.memory_space<vmem>>[vector<16xi32>, vector<16xi32>], vector<16xf32>,
      %mul3A_679 = arith.mulf %gather3A_678, %gather3A_678 : vector<16xf32>
      %add3A_680 = arith.addf %add3A_675, %mul3A_679 : vector<16xf32>
      %broadcast_in_dim3A_681 = arith.constant 19 : i32
      %broadcast_in_dim3A_682 = vector.broadcast %broadcast_in_dim3A_681 : i32 to vector<16xi32>
      %gather3A_683 = tpu.vector_load_idx %arg6[%add3A_583, %broadcast_in_dim3A_682] : memref<1600x64xf32, #tpu.memory_space<vmem>>[vector<16xi32>, vector<16xi32>], vector<16xf32>,
      %mul3A_684 = arith.mulf %gather3A_683, %gather3A_683 : vector<16xf32>
      %add3A_685 = arith.addf %add3A_680, %mul3A_684 : vector<16xf32>
      %broadcast_in_dim3A_686 = arith.constant 20 : i32
      %broadcast_in_dim3A_687 = vector.broadcast %broadcast_in_dim3A_686 : i32 to vector<16xi32>
      %gather3A_688 = tpu.vector_load_idx %arg6[%add3A_583, %broadcast_in_dim3A_687] : memref<1600x64xf32, #tpu.memory_space<vmem>>[vector<16xi32>, vector<16xi32>], vector<16xf32>,
      %mul3A_689 = arith.mulf %gather3A_688, %gather3A_688 : vector<16xf32>
      %add3A_690 = arith.addf %add3A_685, %mul3A_689 : vector<16xf32>
      %broadcast_in_dim3A_691 = arith.constant 21 : i32
      %broadcast_in_dim3A_692 = vector.broadcast %broadcast_in_dim3A_691 : i32 to vector<16xi32>
      %gather3A_693 = tpu.vector_load_idx %arg6[%add3A_583, %broadcast_in_dim3A_692] : memref<1600x64xf32, #tpu.memory_space<vmem>>[vector<16xi32>, vector<16xi32>], vector<16xf32>,
      %mul3A_694 = arith.mulf %gather3A_693, %gather3A_693 : vector<16xf32>
      %add3A_695 = arith.addf %add3A_690, %mul3A_694 : vector<16xf32>
      %broadcast_in_dim3A_696 = arith.constant 22 : i32
      %broadcast_in_dim3A_697 = vector.broadcast %broadcast_in_dim3A_696 : i32 to vector<16xi32>
      %gather3A_698 = tpu.vector_load_idx %arg6[%add3A_583, %broadcast_in_dim3A_697] : memref<1600x64xf32, #tpu.memory_space<vmem>>[vector<16xi32>, vector<16xi32>], vector<16xf32>,
      %mul3A_699 = arith.mulf %gather3A_698, %gather3A_698 : vector<16xf32>
      %add3A_700 = arith.addf %add3A_695, %mul3A_699 : vector<16xf32>
      %broadcast_in_dim3A_701 = arith.constant 23 : i32
      %broadcast_in_dim3A_702 = vector.broadcast %broadcast_in_dim3A_701 : i32 to vector<16xi32>
      %gather3A_703 = tpu.vector_load_idx %arg6[%add3A_583, %broadcast_in_dim3A_702] : memref<1600x64xf32, #tpu.memory_space<vmem>>[vector<16xi32>, vector<16xi32>], vector<16xf32>,
      %mul3A_704 = arith.mulf %gather3A_703, %gather3A_703 : vector<16xf32>
      %add3A_705 = arith.addf %add3A_700, %mul3A_704 : vector<16xf32>
      %broadcast_in_dim3A_706 = arith.constant 24 : i32
      %broadcast_in_dim3A_707 = vector.broadcast %broadcast_in_dim3A_706 : i32 to vector<16xi32>
      %gather3A_708 = tpu.vector_load_idx %arg6[%add3A_583, %broadcast_in_dim3A_707] : memref<1600x64xf32, #tpu.memory_space<vmem>>[vector<16xi32>, vector<16xi32>], vector<16xf32>,
      %mul3A_709 = arith.mulf %gather3A_708, %gather3A_708 : vector<16xf32>
      %add3A_710 = arith.addf %add3A_705, %mul3A_709 : vector<16xf32>
      %broadcast_in_dim3A_711 = arith.constant 25 : i32
      %broadcast_in_dim3A_712 = vector.broadcast %broadcast_in_dim3A_711 : i32 to vector<16xi32>
      %gather3A_713 = tpu.vector_load_idx %arg6[%add3A_583, %broadcast_in_dim3A_712] : memref<1600x64xf32, #tpu.memory_space<vmem>>[vector<16xi32>, vector<16xi32>], vector<16xf32>,
      %mul3A_714 = arith.mulf %gather3A_713, %gather3A_713 : vector<16xf32>
      %add3A_715 = arith.addf %add3A_710, %mul3A_714 : vector<16xf32>
      %broadcast_in_dim3A_716 = arith.constant 26 : i32
      %broadcast_in_dim3A_717 = vector.broadcast %broadcast_in_dim3A_716 : i32 to vector<16xi32>
      %gather3A_718 = tpu.vector_load_idx %arg6[%add3A_583, %broadcast_in_dim3A_717] : memref<1600x64xf32, #tpu.memory_space<vmem>>[vector<16xi32>, vector<16xi32>], vector<16xf32>,
      %mul3A_719 = arith.mulf %gather3A_718, %gather3A_718 : vector<16xf32>
      %add3A_720 = arith.addf %add3A_715, %mul3A_719 : vector<16xf32>
      %broadcast_in_dim3A_721 = arith.constant 27 : i32
      %broadcast_in_dim3A_722 = vector.broadcast %broadcast_in_dim3A_721 : i32 to vector<16xi32>
      %gather3A_723 = tpu.vector_load_idx %arg6[%add3A_583, %broadcast_in_dim3A_722] : memref<1600x64xf32, #tpu.memory_space<vmem>>[vector<16xi32>, vector<16xi32>], vector<16xf32>,
      %mul3A_724 = arith.mulf %gather3A_723, %gather3A_723 : vector<16xf32>
      %add3A_725 = arith.addf %add3A_720, %mul3A_724 : vector<16xf32>
      %broadcast_in_dim3A_726 = arith.constant 28 : i32
      %broadcast_in_dim3A_727 = vector.broadcast %broadcast_in_dim3A_726 : i32 to vector<16xi32>
      %gather3A_728 = tpu.vector_load_idx %arg6[%add3A_583, %broadcast_in_dim3A_727] : memref<1600x64xf32, #tpu.memory_space<vmem>>[vector<16xi32>, vector<16xi32>], vector<16xf32>,
      %mul3A_729 = arith.mulf %gather3A_728, %gather3A_728 : vector<16xf32>
      %add3A_730 = arith.addf %add3A_725, %mul3A_729 : vector<16xf32>
      %broadcast_in_dim3A_731 = arith.constant 29 : i32
      %broadcast_in_dim3A_732 = vector.broadcast %broadcast_in_dim3A_731 : i32 to vector<16xi32>
      %gather3A_733 = tpu.vector_load_idx %arg6[%add3A_583, %broadcast_in_dim3A_732] : memref<1600x64xf32, #tpu.memory_space<vmem>>[vector<16xi32>, vector<16xi32>], vector<16xf32>,
      %mul3A_734 = arith.mulf %gather3A_733, %gather3A_733 : vector<16xf32>
      %add3A_735 = arith.addf %add3A_730, %mul3A_734 : vector<16xf32>
      %broadcast_in_dim3A_736 = arith.constant 30 : i32
      %broadcast_in_dim3A_737 = vector.broadcast %broadcast_in_dim3A_736 : i32 to vector<16xi32>
      %gather3A_738 = tpu.vector_load_idx %arg6[%add3A_583, %broadcast_in_dim3A_737] : memref<1600x64xf32, #tpu.memory_space<vmem>>[vector<16xi32>, vector<16xi32>], vector<16xf32>,
      %mul3A_739 = arith.mulf %gather3A_738, %gather3A_738 : vector<16xf32>
      %add3A_740 = arith.addf %add3A_735, %mul3A_739 : vector<16xf32>
      %broadcast_in_dim3A_741 = arith.constant 31 : i32
      %broadcast_in_dim3A_742 = vector.broadcast %broadcast_in_dim3A_741 : i32 to vector<16xi32>
      %gather3A_743 = tpu.vector_load_idx %arg6[%add3A_583, %broadcast_in_dim3A_742] : memref<1600x64xf32, #tpu.memory_space<vmem>>[vector<16xi32>, vector<16xi32>], vector<16xf32>,
      %mul3A_744 = arith.mulf %gather3A_743, %gather3A_743 : vector<16xf32>
      %add3A_745 = arith.addf %add3A_740, %mul3A_744 : vector<16xf32>
      %broadcast_in_dim3A_746 = arith.constant 32 : i32
      %broadcast_in_dim3A_747 = vector.broadcast %broadcast_in_dim3A_746 : i32 to vector<16xi32>
      %gather3A_748 = tpu.vector_load_idx %arg6[%add3A_583, %broadcast_in_dim3A_747] : memref<1600x64xf32, #tpu.memory_space<vmem>>[vector<16xi32>, vector<16xi32>], vector<16xf32>,
      %mul3A_749 = arith.mulf %gather3A_748, %gather3A_748 : vector<16xf32>
      %add3A_750 = arith.addf %add3A_745, %mul3A_749 : vector<16xf32>
      %broadcast_in_dim3A_751 = arith.constant 33 : i32
      %broadcast_in_dim3A_752 = vector.broadcast %broadcast_in_dim3A_751 : i32 to vector<16xi32>
      %gather3A_753 = tpu.vector_load_idx %arg6[%add3A_583, %broadcast_in_dim3A_752] : memref<1600x64xf32, #tpu.memory_space<vmem>>[vector<16xi32>, vector<16xi32>], vector<16xf32>,
      %mul3A_754 = arith.mulf %gather3A_753, %gather3A_753 : vector<16xf32>
      %add3A_755 = arith.addf %add3A_750, %mul3A_754 : vector<16xf32>
      %broadcast_in_dim3A_756 = arith.constant 34 : i32
      %broadcast_in_dim3A_757 = vector.broadcast %broadcast_in_dim3A_756 : i32 to vector<16xi32>
      %gather3A_758 = tpu.vector_load_idx %arg6[%add3A_583, %broadcast_in_dim3A_757] : memref<1600x64xf32, #tpu.memory_space<vmem>>[vector<16xi32>, vector<16xi32>], vector<16xf32>,
      %mul3A_759 = arith.mulf %gather3A_758, %gather3A_758 : vector<16xf32>
      %add3A_760 = arith.addf %add3A_755, %mul3A_759 : vector<16xf32>
      %broadcast_in_dim3A_761 = arith.constant 35 : i32
      %broadcast_in_dim3A_762 = vector.broadcast %broadcast_in_dim3A_761 : i32 to vector<16xi32>
      %gather3A_763 = tpu.vector_load_idx %arg6[%add3A_583, %broadcast_in_dim3A_762] : memref<1600x64xf32, #tpu.memory_space<vmem>>[vector<16xi32>, vector<16xi32>], vector<16xf32>,
      %mul3A_764 = arith.mulf %gather3A_763, %gather3A_763 : vector<16xf32>
      %add3A_765 = arith.addf %add3A_760, %mul3A_764 : vector<16xf32>
      %broadcast_in_dim3A_766 = arith.constant 36 : i32
      %broadcast_in_dim3A_767 = vector.broadcast %broadcast_in_dim3A_766 : i32 to vector<16xi32>
      %gather3A_768 = tpu.vector_load_idx %arg6[%add3A_583, %broadcast_in_dim3A_767] : memref<1600x64xf32, #tpu.memory_space<vmem>>[vector<16xi32>, vector<16xi32>], vector<16xf32>,
      %mul3A_769 = arith.mulf %gather3A_768, %gather3A_768 : vector<16xf32>
      %add3A_770 = arith.addf %add3A_765, %mul3A_769 : vector<16xf32>
      %broadcast_in_dim3A_771 = arith.constant 37 : i32
      %broadcast_in_dim3A_772 = vector.broadcast %broadcast_in_dim3A_771 : i32 to vector<16xi32>
      %gather3A_773 = tpu.vector_load_idx %arg6[%add3A_583, %broadcast_in_dim3A_772] : memref<1600x64xf32, #tpu.memory_space<vmem>>[vector<16xi32>, vector<16xi32>], vector<16xf32>,
      %mul3A_774 = arith.mulf %gather3A_773, %gather3A_773 : vector<16xf32>
      %add3A_775 = arith.addf %add3A_770, %mul3A_774 : vector<16xf32>
      %broadcast_in_dim3A_776 = arith.constant 38 : i32
      %broadcast_in_dim3A_777 = vector.broadcast %broadcast_in_dim3A_776 : i32 to vector<16xi32>
      %gather3A_778 = tpu.vector_load_idx %arg6[%add3A_583, %broadcast_in_dim3A_777] : memref<1600x64xf32, #tpu.memory_space<vmem>>[vector<16xi32>, vector<16xi32>], vector<16xf32>,
      %mul3A_779 = arith.mulf %gather3A_778, %gather3A_778 : vector<16xf32>
      %add3A_780 = arith.addf %add3A_775, %mul3A_779 : vector<16xf32>
      %broadcast_in_dim3A_781 = arith.constant 39 : i32
      %broadcast_in_dim3A_782 = vector.broadcast %broadcast_in_dim3A_781 : i32 to vector<16xi32>
      %gather3A_783 = tpu.vector_load_idx %arg6[%add3A_583, %broadcast_in_dim3A_782] : memref<1600x64xf32, #tpu.memory_space<vmem>>[vector<16xi32>, vector<16xi32>], vector<16xf32>,
      %mul3A_784 = arith.mulf %gather3A_783, %gather3A_783 : vector<16xf32>
      %add3A_785 = arith.addf %add3A_780, %mul3A_784 : vector<16xf32>
      %broadcast_in_dim3A_786 = arith.constant 40 : i32
      %broadcast_in_dim3A_787 = vector.broadcast %broadcast_in_dim3A_786 : i32 to vector<16xi32>
      %gather3A_788 = tpu.vector_load_idx %arg6[%add3A_583, %broadcast_in_dim3A_787] : memref<1600x64xf32, #tpu.memory_space<vmem>>[vector<16xi32>, vector<16xi32>], vector<16xf32>,
      %mul3A_789 = arith.mulf %gather3A_788, %gather3A_788 : vector<16xf32>
      %add3A_790 = arith.addf %add3A_785, %mul3A_789 : vector<16xf32>
      %broadcast_in_dim3A_791 = arith.constant 41 : i32
      %broadcast_in_dim3A_792 = vector.broadcast %broadcast_in_dim3A_791 : i32 to vector<16xi32>
      %gather3A_793 = tpu.vector_load_idx %arg6[%add3A_583, %broadcast_in_dim3A_792] : memref<1600x64xf32, #tpu.memory_space<vmem>>[vector<16xi32>, vector<16xi32>], vector<16xf32>,
      %mul3A_794 = arith.mulf %gather3A_793, %gather3A_793 : vector<16xf32>
      %add3A_795 = arith.addf %add3A_790, %mul3A_794 : vector<16xf32>
      %broadcast_in_dim3A_796 = arith.constant 42 : i32
      %broadcast_in_dim3A_797 = vector.broadcast %broadcast_in_dim3A_796 : i32 to vector<16xi32>
      %gather3A_798 = tpu.vector_load_idx %arg6[%add3A_583, %broadcast_in_dim3A_797] : memref<1600x64xf32, #tpu.memory_space<vmem>>[vector<16xi32>, vector<16xi32>], vector<16xf32>,
      %mul3A_799 = arith.mulf %gather3A_798, %gather3A_798 : vector<16xf32>
      %add3A_800 = arith.addf %add3A_795, %mul3A_799 : vector<16xf32>
      %broadcast_in_dim3A_801 = arith.constant 43 : i32
      %broadcast_in_dim3A_802 = vector.broadcast %broadcast_in_dim3A_801 : i32 to vector<16xi32>
      %gather3A_803 = tpu.vector_load_idx %arg6[%add3A_583, %broadcast_in_dim3A_802] : memref<1600x64xf32, #tpu.memory_space<vmem>>[vector<16xi32>, vector<16xi32>], vector<16xf32>,
      %mul3A_804 = arith.mulf %gather3A_803, %gather3A_803 : vector<16xf32>
      %add3A_805 = arith.addf %add3A_800, %mul3A_804 : vector<16xf32>
      %broadcast_in_dim3A_806 = arith.constant 44 : i32
      %broadcast_in_dim3A_807 = vector.broadcast %broadcast_in_dim3A_806 : i32 to vector<16xi32>
      %gather3A_808 = tpu.vector_load_idx %arg6[%add3A_583, %broadcast_in_dim3A_807] : memref<1600x64xf32, #tpu.memory_space<vmem>>[vector<16xi32>, vector<16xi32>], vector<16xf32>,
      %mul3A_809 = arith.mulf %gather3A_808, %gather3A_808 : vector<16xf32>
      %add3A_810 = arith.addf %add3A_805, %mul3A_809 : vector<16xf32>
      %broadcast_in_dim3A_811 = arith.constant 45 : i32
      %broadcast_in_dim3A_812 = vector.broadcast %broadcast_in_dim3A_811 : i32 to vector<16xi32>
      %gather3A_813 = tpu.vector_load_idx %arg6[%add3A_583, %broadcast_in_dim3A_812] : memref<1600x64xf32, #tpu.memory_space<vmem>>[vector<16xi32>, vector<16xi32>], vector<16xf32>,
      %mul3A_814 = arith.mulf %gather3A_813, %gather3A_813 : vector<16xf32>
      %add3A_815 = arith.addf %add3A_810, %mul3A_814 : vector<16xf32>
      %broadcast_in_dim3A_816 = arith.constant 46 : i32
      %broadcast_in_dim3A_817 = vector.broadcast %broadcast_in_dim3A_816 : i32 to vector<16xi32>
      %gather3A_818 = tpu.vector_load_idx %arg6[%add3A_583, %broadcast_in_dim3A_817] : memref<1600x64xf32, #tpu.memory_space<vmem>>[vector<16xi32>, vector<16xi32>], vector<16xf32>,
      %mul3A_819 = arith.mulf %gather3A_818, %gather3A_818 : vector<16xf32>
      %add3A_820 = arith.addf %add3A_815, %mul3A_819 : vector<16xf32>
      %broadcast_in_dim3A_821 = arith.constant 47 : i32
      %broadcast_in_dim3A_822 = vector.broadcast %broadcast_in_dim3A_821 : i32 to vector<16xi32>
      %gather3A_823 = tpu.vector_load_idx %arg6[%add3A_583, %broadcast_in_dim3A_822] : memref<1600x64xf32, #tpu.memory_space<vmem>>[vector<16xi32>, vector<16xi32>], vector<16xf32>,
      %mul3A_824 = arith.mulf %gather3A_823, %gather3A_823 : vector<16xf32>
      %add3A_825 = arith.addf %add3A_820, %mul3A_824 : vector<16xf32>
      %broadcast_in_dim3A_826 = arith.constant 48 : i32
      %broadcast_in_dim3A_827 = vector.broadcast %broadcast_in_dim3A_826 : i32 to vector<16xi32>
      %gather3A_828 = tpu.vector_load_idx %arg6[%add3A_583, %broadcast_in_dim3A_827] : memref<1600x64xf32, #tpu.memory_space<vmem>>[vector<16xi32>, vector<16xi32>], vector<16xf32>,
      %mul3A_829 = arith.mulf %gather3A_828, %gather3A_828 : vector<16xf32>
      %add3A_830 = arith.addf %add3A_825, %mul3A_829 : vector<16xf32>
      %broadcast_in_dim3A_831 = arith.constant 49 : i32
      %broadcast_in_dim3A_832 = vector.broadcast %broadcast_in_dim3A_831 : i32 to vector<16xi32>
      %gather3A_833 = tpu.vector_load_idx %arg6[%add3A_583, %broadcast_in_dim3A_832] : memref<1600x64xf32, #tpu.memory_space<vmem>>[vector<16xi32>, vector<16xi32>], vector<16xf32>,
      %mul3A_834 = arith.mulf %gather3A_833, %gather3A_833 : vector<16xf32>
      %add3A_835 = arith.addf %add3A_830, %mul3A_834 : vector<16xf32>
      %broadcast_in_dim3A_836 = arith.constant 50 : i32
      %broadcast_in_dim3A_837 = vector.broadcast %broadcast_in_dim3A_836 : i32 to vector<16xi32>
      %gather3A_838 = tpu.vector_load_idx %arg6[%add3A_583, %broadcast_in_dim3A_837] : memref<1600x64xf32, #tpu.memory_space<vmem>>[vector<16xi32>, vector<16xi32>], vector<16xf32>,
      %mul3A_839 = arith.mulf %gather3A_838, %gather3A_838 : vector<16xf32>
      %add3A_840 = arith.addf %add3A_835, %mul3A_839 : vector<16xf32>
      %broadcast_in_dim3A_841 = arith.constant 51 : i32
      %broadcast_in_dim3A_842 = vector.broadcast %broadcast_in_dim3A_841 : i32 to vector<16xi32>
      %gather3A_843 = tpu.vector_load_idx %arg6[%add3A_583, %broadcast_in_dim3A_842] : memref<1600x64xf32, #tpu.memory_space<vmem>>[vector<16xi32>, vector<16xi32>], vector<16xf32>,
      %mul3A_844 = arith.mulf %gather3A_843, %gather3A_843 : vector<16xf32>
      %add3A_845 = arith.addf %add3A_840, %mul3A_844 : vector<16xf32>
      %broadcast_in_dim3A_846 = arith.constant 52 : i32
      %broadcast_in_dim3A_847 = vector.broadcast %broadcast_in_dim3A_846 : i32 to vector<16xi32>
      %gather3A_848 = tpu.vector_load_idx %arg6[%add3A_583, %broadcast_in_dim3A_847] : memref<1600x64xf32, #tpu.memory_space<vmem>>[vector<16xi32>, vector<16xi32>], vector<16xf32>,
      %mul3A_849 = arith.mulf %gather3A_848, %gather3A_848 : vector<16xf32>
      %add3A_850 = arith.addf %add3A_845, %mul3A_849 : vector<16xf32>
      %broadcast_in_dim3A_851 = arith.constant 53 : i32
      %broadcast_in_dim3A_852 = vector.broadcast %broadcast_in_dim3A_851 : i32 to vector<16xi32>
      %gather3A_853 = tpu.vector_load_idx %arg6[%add3A_583, %broadcast_in_dim3A_852] : memref<1600x64xf32, #tpu.memory_space<vmem>>[vector<16xi32>, vector<16xi32>], vector<16xf32>,
      %mul3A_854 = arith.mulf %gather3A_853, %gather3A_853 : vector<16xf32>
      %add3A_855 = arith.addf %add3A_850, %mul3A_854 : vector<16xf32>
      %broadcast_in_dim3A_856 = arith.constant 54 : i32
      %broadcast_in_dim3A_857 = vector.broadcast %broadcast_in_dim3A_856 : i32 to vector<16xi32>
      %gather3A_858 = tpu.vector_load_idx %arg6[%add3A_583, %broadcast_in_dim3A_857] : memref<1600x64xf32, #tpu.memory_space<vmem>>[vector<16xi32>, vector<16xi32>], vector<16xf32>,
      %mul3A_859 = arith.mulf %gather3A_858, %gather3A_858 : vector<16xf32>
      %add3A_860 = arith.addf %add3A_855, %mul3A_859 : vector<16xf32>
      %broadcast_in_dim3A_861 = arith.constant 55 : i32
      %broadcast_in_dim3A_862 = vector.broadcast %broadcast_in_dim3A_861 : i32 to vector<16xi32>
      %gather3A_863 = tpu.vector_load_idx %arg6[%add3A_583, %broadcast_in_dim3A_862] : memref<1600x64xf32, #tpu.memory_space<vmem>>[vector<16xi32>, vector<16xi32>], vector<16xf32>,
      %mul3A_864 = arith.mulf %gather3A_863, %gather3A_863 : vector<16xf32>
      %add3A_865 = arith.addf %add3A_860, %mul3A_864 : vector<16xf32>
      %broadcast_in_dim3A_866 = arith.constant 56 : i32
      %broadcast_in_dim3A_867 = vector.broadcast %broadcast_in_dim3A_866 : i32 to vector<16xi32>
      %gather3A_868 = tpu.vector_load_idx %arg6[%add3A_583, %broadcast_in_dim3A_867] : memref<1600x64xf32, #tpu.memory_space<vmem>>[vector<16xi32>, vector<16xi32>], vector<16xf32>,
      %mul3A_869 = arith.mulf %gather3A_868, %gather3A_868 : vector<16xf32>
      %add3A_870 = arith.addf %add3A_865, %mul3A_869 : vector<16xf32>
      %broadcast_in_dim3A_871 = arith.constant 57 : i32
      %broadcast_in_dim3A_872 = vector.broadcast %broadcast_in_dim3A_871 : i32 to vector<16xi32>
      %gather3A_873 = tpu.vector_load_idx %arg6[%add3A_583, %broadcast_in_dim3A_872] : memref<1600x64xf32, #tpu.memory_space<vmem>>[vector<16xi32>, vector<16xi32>], vector<16xf32>,
      %mul3A_874 = arith.mulf %gather3A_873, %gather3A_873 : vector<16xf32>
      %add3A_875 = arith.addf %add3A_870, %mul3A_874 : vector<16xf32>
      %broadcast_in_dim3A_876 = arith.constant 58 : i32
      %broadcast_in_dim3A_877 = vector.broadcast %broadcast_in_dim3A_876 : i32 to vector<16xi32>
      %gather3A_878 = tpu.vector_load_idx %arg6[%add3A_583, %broadcast_in_dim3A_877] : memref<1600x64xf32, #tpu.memory_space<vmem>>[vector<16xi32>, vector<16xi32>], vector<16xf32>,
      %mul3A_879 = arith.mulf %gather3A_878, %gather3A_878 : vector<16xf32>
      %add3A_880 = arith.addf %add3A_875, %mul3A_879 : vector<16xf32>
      %broadcast_in_dim3A_881 = arith.constant 59 : i32
      %broadcast_in_dim3A_882 = vector.broadcast %broadcast_in_dim3A_881 : i32 to vector<16xi32>
      %gather3A_883 = tpu.vector_load_idx %arg6[%add3A_583, %broadcast_in_dim3A_882] : memref<1600x64xf32, #tpu.memory_space<vmem>>[vector<16xi32>, vector<16xi32>], vector<16xf32>,
      %mul3A_884 = arith.mulf %gather3A_883, %gather3A_883 : vector<16xf32>
      %add3A_885 = arith.addf %add3A_880, %mul3A_884 : vector<16xf32>
      %broadcast_in_dim3A_886 = arith.constant 60 : i32
      %broadcast_in_dim3A_887 = vector.broadcast %broadcast_in_dim3A_886 : i32 to vector<16xi32>
      %gather3A_888 = tpu.vector_load_idx %arg6[%add3A_583, %broadcast_in_dim3A_887] : memref<1600x64xf32, #tpu.memory_space<vmem>>[vector<16xi32>, vector<16xi32>], vector<16xf32>,
      %mul3A_889 = arith.mulf %gather3A_888, %gather3A_888 : vector<16xf32>
      %add3A_890 = arith.addf %add3A_885, %mul3A_889 : vector<16xf32>
      %broadcast_in_dim3A_891 = arith.constant 61 : i32
      %broadcast_in_dim3A_892 = vector.broadcast %broadcast_in_dim3A_891 : i32 to vector<16xi32>
      %gather3A_893 = tpu.vector_load_idx %arg6[%add3A_583, %broadcast_in_dim3A_892] : memref<1600x64xf32, #tpu.memory_space<vmem>>[vector<16xi32>, vector<16xi32>], vector<16xf32>,
      %mul3A_894 = arith.mulf %gather3A_893, %gather3A_893 : vector<16xf32>
      %add3A_895 = arith.addf %add3A_890, %mul3A_894 : vector<16xf32>
      %broadcast_in_dim3A_896 = arith.constant 62 : i32
      %broadcast_in_dim3A_897 = vector.broadcast %broadcast_in_dim3A_896 : i32 to vector<16xi32>
      %gather3A_898 = tpu.vector_load_idx %arg6[%add3A_583, %broadcast_in_dim3A_897] : memref<1600x64xf32, #tpu.memory_space<vmem>>[vector<16xi32>, vector<16xi32>], vector<16xf32>,
      %mul3A_899 = arith.mulf %gather3A_898, %gather3A_898 : vector<16xf32>
      %add3A_900 = arith.addf %add3A_895, %mul3A_899 : vector<16xf32>
      %broadcast_in_dim3A_901 = arith.constant 63 : i32
      %broadcast_in_dim3A_902 = vector.broadcast %broadcast_in_dim3A_901 : i32 to vector<16xi32>
      %gather3A_903 = tpu.vector_load_idx %arg6[%add3A_583, %broadcast_in_dim3A_902] : memref<1600x64xf32, #tpu.memory_space<vmem>>[vector<16xi32>, vector<16xi32>], vector<16xf32>,
      %mul3A_904 = arith.mulf %gather3A_903, %gather3A_903 : vector<16xf32>
      %add3A_905 = arith.addf %add3A_900, %mul3A_904 : vector<16xf32>
      %bitcast3A_906 = vector.bitcast %add3A_905 : vector<16xf32> to vector<16xi32>
      %shift_right_arithmetic3A_907 = arith.constant 1 : i32
      %shift_right_arithmetic3A_908 = vector.broadcast %shift_right_arithmetic3A_907 : i32 to vector<16xi32>
      %shift_right_arithmetic3A_909 = arith.shrsi %bitcast3A_906, %shift_right_arithmetic3A_908 : vector<16xi32>
      %sub3A_910 = arith.constant 1597463007 : i32
      %sub3A_911 = vector.broadcast %sub3A_910 : i32 to vector<16xi32>
      %sub3A_912 = arith.subi %sub3A_911, %shift_right_arithmetic3A_909 : vector<16xi32>
      %bitcast3A_913 = vector.bitcast %sub3A_912 : vector<16xi32> to vector<16xf32>
      %mul3A_914 = arith.constant 5.000000e-01 : f32
      %mul3A_915 = vector.broadcast %mul3A_914 : f32 to vector<16xf32>
      %mul3A_916 = arith.mulf %mul3A_915, %add3A_905 : vector<16xf32>
      %mul3A_917 = arith.mulf %mul3A_916, %bitcast3A_913 : vector<16xf32>
      %mul3A_918 = arith.mulf %mul3A_917, %bitcast3A_913 : vector<16xf32>
      %sub3A_919 = arith.constant 1.500000e+00 : f32
      %sub3A_920 = vector.broadcast %sub3A_919 : f32 to vector<16xf32>
      %sub3A_921 = arith.subf %sub3A_920, %mul3A_918 : vector<16xf32>
      %mul3A_922 = arith.mulf %bitcast3A_913, %sub3A_921 : vector<16xf32>
      %mul3A_923 = arith.constant 5.000000e-01 : f32
      %mul3A_924 = vector.broadcast %mul3A_923 : f32 to vector<16xf32>
      %mul3A_925 = arith.mulf %mul3A_924, %add3A_905 : vector<16xf32>
      %mul3A_926 = arith.mulf %mul3A_925, %mul3A_922 : vector<16xf32>
      %mul3A_927 = arith.mulf %mul3A_926, %mul3A_922 : vector<16xf32>
      %sub3A_928 = arith.constant 1.500000e+00 : f32
      %sub3A_929 = vector.broadcast %sub3A_928 : f32 to vector<16xf32>
      %sub3A_930 = arith.subf %sub3A_929, %mul3A_927 : vector<16xf32>
      %mul3A_931 = arith.mulf %mul3A_922, %sub3A_930 : vector<16xf32>
      %gt3A_932 = arith.constant 1.000000e+00 : f32
      %gt3A_933 = vector.broadcast %gt3A_932 : f32 to vector<16xf32>
      %gt3A_934 = arith.cmpf ogt, %add3A_905, %gt3A_933 : vector<16xf32>
      %jit3A_935 = arith.constant 1.000000e+00 : f32
      %broadcast_in_dim3A_936 = vector.broadcast %jit3A_935 : f32 to vector<16xf32>
      %select_n3A_937 = arith.select %gt3A_934, %mul3A_931, %broadcast_in_dim3A_936 : vector<16xi1>, vector<16xf32>
      %mul3A_938 = arith.constant 2.000000e-02 : f32
      %mul3A_939 = vector.broadcast %mul3A_938 : f32 to vector<16xf32>
      %mul3A_940 = arith.mulf %select_n3A_937, %mul3A_939 : vector<16xf32>
      %swap3A_941 = arith.index_cast %mul3A_580 : i32 to index
      %swap3A_942 = tpu.vector_load %arg7[%swap3A_941] {strides = array<i32>} : memref<1600xf32, #tpu.memory_space<vmem>>, vector<16xf32>,
      tpu.vector_store %arg7[%swap3A_941], %mul3A_940 {strides = array<i32>} : memref<1600xf32, #tpu.memory_space<vmem>>, vector<16xf32>,
    }
    %scan3A_213 = arith.constant 100 : i32
    %scan3A_214 = arith.constant 0 : i32
    %scan3A_215 = arith.constant 0 : i32
    %scan3A_216 = arith.constant 32 : i32
    %scan3A_217 = arith.addi %scan3A_215, %scan3A_216 : i32
    %scan3A_218 = arith.constant 1 : i32
    scf.for %scan3A_222 = %scan3A_215 to %scan3A_217 step %scan3A_218  : i32 {
      %broadcast_in_dim3A = arith.constant 0.000000e+00 : f32
      %broadcast_in_dim3A_223 = vector.broadcast %broadcast_in_dim3A : f32 to vector<16xf32>
      %scan3A_224 = arith.constant 0 : i32
      %scan3A_225 = arith.constant 50 : i32
      %scan3A_226 = arith.addi %scan3A_224, %scan3A_225 : i32
      %scan3A_227 = arith.constant 2 : i32
      %scan3A_228:4 = scf.for %scan3A_241 = %scan3A_224 to %scan3A_226 step %scan3A_227 iter_args(%scan3A_242 = %broadcast_in_dim3A_223, %scan3A_243 = %broadcast_in_dim3A_223, %scan3A_244 = %broadcast_in_dim3A_223, %scan3A_245 = %broadcast_in_dim3A_223) -> (vector<16xf32>, vector<16xf32>, vector<16xf32>, vector<16xf32>)  : i32 {
        %mul3A_246 = arith.constant 50 : i32
        %mul3A_247 = arith.muli %scan3A_222, %mul3A_246 : i32
        %add3A_248 = arith.addi %mul3A_247, %scan3A_241 : i32
        %broadcast_in_dim3A_249 = vector.broadcast %add3A_248 : i32 to vector<16xi32>
        %gather3A = tpu.vector_load_idx %arg7[%broadcast_in_dim3A_249] : memref<1600xf32, #tpu.memory_space<vmem>>[vector<16xi32>], vector<16xf32>,
        %get3A = arith.index_cast %add3A_248 : i32 to index
        %get3A_250 = arith.constant 0 : index
        %get3A_251 = tpu.vector_load %arg6[%get3A, %get3A_250] {strides = array<i32>} : memref<1600x64xf32, #tpu.memory_space<vmem>>, vector<16xf32>,
        %mul3A_252 = arith.mulf %get3A_251, %gather3A : vector<16xf32>
        %add3A_253 = arith.addf %scan3A_242, %mul3A_252 : vector<16xf32>
        %get3A_254 = arith.index_cast %add3A_248 : i32 to index
        %get3A_255 = arith.constant 16 : index
        %get3A_256 = tpu.vector_load %arg6[%get3A_254, %get3A_255] {strides = array<i32>} : memref<1600x64xf32, #tpu.memory_space<vmem>>, vector<16xf32>,
        %mul3A_257 = arith.mulf %get3A_256, %gather3A : vector<16xf32>
        %add3A_258 = arith.addf %scan3A_243, %mul3A_257 : vector<16xf32>
        %get3A_259 = arith.index_cast %add3A_248 : i32 to index
        %get3A_260 = arith.constant 32 : index
        %get3A_261 = tpu.vector_load %arg6[%get3A_259, %get3A_260] {strides = array<i32>} : memref<1600x64xf32, #tpu.memory_space<vmem>>, vector<16xf32>,
        %mul3A_262 = arith.mulf %get3A_261, %gather3A : vector<16xf32>
        %add3A_263 = arith.addf %scan3A_244, %mul3A_262 : vector<16xf32>
        %get3A_264 = arith.index_cast %add3A_248 : i32 to index
        %get3A_265 = arith.constant 48 : index
        %get3A_266 = tpu.vector_load %arg6[%get3A_264, %get3A_265] {strides = array<i32>} : memref<1600x64xf32, #tpu.memory_space<vmem>>, vector<16xf32>,
        %mul3A_267 = arith.mulf %get3A_266, %gather3A : vector<16xf32>
        %add3A_268 = arith.addf %scan3A_245, %mul3A_267 : vector<16xf32>
        %scan3A_269 = arith.constant 1 : i32
        %scan3A_270 = arith.addi %scan3A_241, %scan3A_269 : i32
        %mul3A_271 = arith.constant 50 : i32
        %mul3A_272 = arith.muli %scan3A_222, %mul3A_271 : i32
        %add3A_273 = arith.addi %mul3A_272, %scan3A_270 : i32
        %broadcast_in_dim3A_274 = vector.broadcast %add3A_273 : i32 to vector<16xi32>
        %gather3A_275 = tpu.vector_load_idx %arg7[%broadcast_in_dim3A_274] : memref<1600xf32, #tpu.memory_space<vmem>>[vector<16xi32>], vector<16xf32>,
        %get3A_276 = arith.index_cast %add3A_273 : i32 to index
        %get3A_277 = arith.constant 0 : index
        %get3A_278 = tpu.vector_load %arg6[%get3A_276, %get3A_277] {strides = array<i32>} : memref<1600x64xf32, #tpu.memory_space<vmem>>, vector<16xf32>,
        %mul3A_279 = arith.mulf %get3A_278, %gather3A_275 : vector<16xf32>
        %add3A_280 = arith.addf %add3A_253, %mul3A_279 : vector<16xf32>
        %get3A_281 = arith.index_cast %add3A_273 : i32 to index
        %get3A_282 = arith.constant 16 : index
        %get3A_283 = tpu.vector_load %arg6[%get3A_281, %get3A_282] {strides = array<i32>} : memref<1600x64xf32, #tpu.memory_space<vmem>>, vector<16xf32>,
        %mul3A_284 = arith.mulf %get3A_283, %gather3A_275 : vector<16xf32>
        %add3A_285 = arith.addf %add3A_258, %mul3A_284 : vector<16xf32>
        %get3A_286 = arith.index_cast %add3A_273 : i32 to index
        %get3A_287 = arith.constant 32 : index
        %get3A_288 = tpu.vector_load %arg6[%get3A_286, %get3A_287] {strides = array<i32>} : memref<1600x64xf32, #tpu.memory_space<vmem>>, vector<16xf32>,
        %mul3A_289 = arith.mulf %get3A_288, %gather3A_275 : vector<16xf32>
        %add3A_290 = arith.addf %add3A_263, %mul3A_289 : vector<16xf32>
        %get3A_291 = arith.index_cast %add3A_273 : i32 to index
        %get3A_292 = arith.constant 48 : index
        %get3A_293 = tpu.vector_load %arg6[%get3A_291, %get3A_292] {strides = array<i32>} : memref<1600x64xf32, #tpu.memory_space<vmem>>, vector<16xf32>,
        %mul3A_294 = arith.mulf %get3A_293, %gather3A_275 : vector<16xf32>
        %add3A_295 = arith.addf %add3A_268, %mul3A_294 : vector<16xf32>
        scf.yield %add3A_280, %add3A_285, %add3A_290, %add3A_295 : vector<16xf32>, vector<16xf32>, vector<16xf32>, vector<16xf32>
      }
      %scan3A_229 = arith.constant 50 : i32
      %swap3A = arith.index_cast %scan3A_222 : i32 to index
      %swap3A_230 = arith.constant 0 : index
      %swap3A_231 = tpu.vector_load %arg8[%swap3A, %swap3A_230] {strides = array<i32>} : memref<32x64xf32, #tpu.memory_space<vmem>>, vector<16xf32>,
      tpu.vector_store %arg8[%swap3A, %swap3A_230], %scan3A_228#0 {strides = array<i32>} : memref<32x64xf32, #tpu.memory_space<vmem>>, vector<16xf32>,
      %swap3A_232 = arith.index_cast %scan3A_222 : i32 to index
      %swap3A_233 = arith.constant 16 : index
      %swap3A_234 = tpu.vector_load %arg8[%swap3A_232, %swap3A_233] {strides = array<i32>} : memref<32x64xf32, #tpu.memory_space<vmem>>, vector<16xf32>,
      tpu.vector_store %arg8[%swap3A_232, %swap3A_233], %scan3A_228#1 {strides = array<i32>} : memref<32x64xf32, #tpu.memory_space<vmem>>, vector<16xf32>,
      %swap3A_235 = arith.index_cast %scan3A_222 : i32 to index
      %swap3A_236 = arith.constant 32 : index
      %swap3A_237 = tpu.vector_load %arg8[%swap3A_235, %swap3A_236] {strides = array<i32>} : memref<32x64xf32, #tpu.memory_space<vmem>>, vector<16xf32>,
      tpu.vector_store %arg8[%swap3A_235, %swap3A_236], %scan3A_228#2 {strides = array<i32>} : memref<32x64xf32, #tpu.memory_space<vmem>>, vector<16xf32>,
      %swap3A_238 = arith.index_cast %scan3A_222 : i32 to index
      %swap3A_239 = arith.constant 48 : index
      %swap3A_240 = tpu.vector_load %arg8[%swap3A_238, %swap3A_239] {strides = array<i32>} : memref<32x64xf32, #tpu.memory_space<vmem>>, vector<16xf32>,
      tpu.vector_store %arg8[%swap3A_238, %swap3A_239], %scan3A_228#3 {strides = array<i32>} : memref<32x64xf32, #tpu.memory_space<vmem>>, vector<16xf32>,
    }
    %scan3A_219 = arith.constant 32 : i32
    %mul3A_220 = arith.constant 32 : i32
    %mul3A_221 = arith.muli %add3A, %mul3A_220 : i32
    "tpu.region"() ({
      %run_scoped3A = tpu.sem_alloc : memref<!tpu.dma_semaphore, #tpu.memory_space<semaphore_mem>>
      %dma_start3A_222 = arith.constant 0 : i32
      %dma_start3A_223 = tpu.memref_slice %arg4[%mul3A_221, %dma_start3A_222] : memref<1024x64xf32, #tpu.memory_space<hbm>> -> memref<32x64xf32, #tpu.memory_space<hbm>>
      %dma_start3A_224 = arith.constant 0 : i32
      %dma_start3A_225 = tpu.memref_slice %arg4[%mul3A_221, %dma_start3A_224] : memref<1024x64xf32, #tpu.memory_space<hbm>> -> memref<32x64xf32, #tpu.memory_space<hbm>>
      tpu.enqueue_dma source(%arg8 : memref<32x64xf32, #tpu.memory_space<vmem>>) target(%dma_start3A_225 : memref<32x64xf32, #tpu.memory_space<hbm>>) target_semaphore(%run_scoped3A : memref<!tpu.dma_semaphore, #tpu.memory_space<semaphore_mem>>)
      %dma_wait3A_226 = arith.constant 0 : i32
      %dma_wait3A_227 = tpu.memref_slice %arg4[%mul3A_221, %dma_wait3A_226] : memref<1024x64xf32, #tpu.memory_space<hbm>> -> memref<32x64xf32, #tpu.memory_space<hbm>>
      %dma_wait3A_228 = arith.constant 0 : i32
      %dma_wait3A_229 = tpu.memref_slice %arg4[%mul3A_221, %dma_wait3A_228] : memref<1024x64xf32, #tpu.memory_space<hbm>> -> memref<32x64xf32, #tpu.memory_space<hbm>>
      tpu.wait_dma2 semaphore(%run_scoped3A : memref<!tpu.dma_semaphore, #tpu.memory_space<semaphore_mem>>) src(%arg8 : memref<32x64xf32, #tpu.memory_space<vmem>>) dst(%dma_wait3A_229 : memref<32x64xf32, #tpu.memory_space<hbm>>)
      tpu.yield
    }) : () -> ()
    return
  }
}

module attributes {stable_mosaic.version = 14 : i64} {
  func.func @_mm_t_body(%arg0: i32, %arg1: memref<64x2048xf32, #tpu.memory_space<vmem>>, %arg2: memref<1024x64xf32, #tpu.memory_space<vmem>>, %arg3: memref<2048x1xf32, #tpu.memory_space<vmem>>, %arg4: memref<100000x1024xf32, #tpu.memory_space<any>>, %arg5: memref<2x2048x1024xf32, #tpu.memory_space<vmem>>, %arg6: memref<2x4x!tpu.dma_semaphore, #tpu.memory_space<semaphore_mem>>) attributes {dimension_semantics = [#tpu.dimension_semantics<arbitrary>], iteration_bounds = array<i64: 49>, scalar_prefetch = 0 : i64, scratch_operands = 2 : i64, tpu.core_type = #tpu.core_type<tc>, window_params = [{transform_indices = @transform_0, window_bounds = array<i64: 64, 2048>}, {pipeline_mode = #tpu.pipeline_mode<synchronous>, transform_indices = @transform_1, window_bounds = array<i64: 1024, 64>}, {transform_indices = @transform_2, window_bounds = array<i64: 2048, 1>}, {}]} {
    %rem3A = arith.constant 2 : i32
    %rem3A_0 = arith.remsi %arg0, %rem3A : i32
    %ge3A = arith.constant 2 : i32
    %ge3A_1 = arith.cmpi sge, %arg0, %ge3A : i32
    %convert_element_type3A = arith.extui %ge3A_1 : i1 to i32
    %cond3A = arith.constant 0 : i32
    %cond3A_2 = arith.cmpi ne, %convert_element_type3A, %cond3A : i32
    scf.if %cond3A_2 {
      %sub3A = arith.constant 2 : i32
      %sub3A_98 = arith.subi %arg0, %sub3A : i32
      %mul3A = arith.constant 2048 : i32
      %mul3A_99 = arith.muli %sub3A_98, %mul3A : i32
      %add3A_100 = arith.constant 0 : i32
      %add3A_101 = arith.addi %mul3A_99, %add3A_100 : i32
      %dma_wait3A = arith.constant 0 : i32
      %dma_wait3A_102 = tpu.memref_slice %arg6[%rem3A_0, %dma_wait3A] : memref<2x4x!tpu.dma_semaphore, #tpu.memory_space<semaphore_mem>> -> memref<1x1x!tpu.dma_semaphore, #tpu.memory_space<semaphore_mem>>
      %dma_wait3A_103 = tpu.memref_squeeze %dma_wait3A_102 : memref<1x1x!tpu.dma_semaphore, #tpu.memory_space<semaphore_mem>> -> memref<!tpu.dma_semaphore, #tpu.memory_space<semaphore_mem>>
      %dma_wait3A_104 = arith.constant 0 : i32
      %dma_wait3A_105 = tpu.memref_slice %arg4[%add3A_101, %dma_wait3A_104] : memref<100000x1024xf32, #tpu.memory_space<any>> -> memref<512x1024xf32, #tpu.memory_space<any>>
      %dma_wait3A_106 = arith.constant 0 : i32
      %dma_wait3A_107 = arith.constant 0 : i32
      %dma_wait3A_108 = tpu.memref_slice %arg5[%rem3A_0, %dma_wait3A_106, %dma_wait3A_107] : memref<2x2048x1024xf32, #tpu.memory_space<vmem>> -> memref<1x512x1024xf32, #tpu.memory_space<vmem>>
      %dma_wait3A_109 = tpu.memref_squeeze %dma_wait3A_108 : memref<1x512x1024xf32, #tpu.memory_space<vmem>> -> memref<512x1024xf32, #tpu.memory_space<vmem>>
      tpu.wait_dma2 semaphore(%dma_wait3A_103 : memref<!tpu.dma_semaphore, #tpu.memory_space<semaphore_mem>>) src(%dma_wait3A_109 : memref<512x1024xf32, #tpu.memory_space<vmem>>) dst(%dma_wait3A_105 : memref<512x1024xf32, #tpu.memory_space<any>>)
      %sub3A_110 = arith.constant 2 : i32
      %sub3A_111 = arith.subi %arg0, %sub3A_110 : i32
      %mul3A_112 = arith.constant 2048 : i32
      %mul3A_113 = arith.muli %sub3A_111, %mul3A_112 : i32
      %add3A_114 = arith.constant 512 : i32
      %add3A_115 = arith.addi %mul3A_113, %add3A_114 : i32
      %dma_wait3A_116 = arith.constant 1 : i32
      %dma_wait3A_117 = tpu.memref_slice %arg6[%rem3A_0, %dma_wait3A_116] : memref<2x4x!tpu.dma_semaphore, #tpu.memory_space<semaphore_mem>> -> memref<1x1x!tpu.dma_semaphore, #tpu.memory_space<semaphore_mem>>
      %dma_wait3A_118 = tpu.memref_squeeze %dma_wait3A_117 : memref<1x1x!tpu.dma_semaphore, #tpu.memory_space<semaphore_mem>> -> memref<!tpu.dma_semaphore, #tpu.memory_space<semaphore_mem>>
      %dma_wait3A_119 = arith.constant 0 : i32
      %dma_wait3A_120 = tpu.memref_slice %arg4[%add3A_115, %dma_wait3A_119] : memref<100000x1024xf32, #tpu.memory_space<any>> -> memref<512x1024xf32, #tpu.memory_space<any>>
      %dma_wait3A_121 = arith.constant 512 : i32
      %dma_wait3A_122 = arith.constant 0 : i32
      %dma_wait3A_123 = tpu.memref_slice %arg5[%rem3A_0, %dma_wait3A_121, %dma_wait3A_122] : memref<2x2048x1024xf32, #tpu.memory_space<vmem>> -> memref<1x512x1024xf32, #tpu.memory_space<vmem>>
      %dma_wait3A_124 = tpu.memref_squeeze %dma_wait3A_123 : memref<1x512x1024xf32, #tpu.memory_space<vmem>> -> memref<512x1024xf32, #tpu.memory_space<vmem>>
      tpu.wait_dma2 semaphore(%dma_wait3A_118 : memref<!tpu.dma_semaphore, #tpu.memory_space<semaphore_mem>>) src(%dma_wait3A_124 : memref<512x1024xf32, #tpu.memory_space<vmem>>) dst(%dma_wait3A_120 : memref<512x1024xf32, #tpu.memory_space<any>>)
      %sub3A_125 = arith.constant 2 : i32
      %sub3A_126 = arith.subi %arg0, %sub3A_125 : i32
      %mul3A_127 = arith.constant 2048 : i32
      %mul3A_128 = arith.muli %sub3A_126, %mul3A_127 : i32
      %add3A_129 = arith.constant 1024 : i32
      %add3A_130 = arith.addi %mul3A_128, %add3A_129 : i32
      %dma_wait3A_131 = arith.constant 2 : i32
      %dma_wait3A_132 = tpu.memref_slice %arg6[%rem3A_0, %dma_wait3A_131] : memref<2x4x!tpu.dma_semaphore, #tpu.memory_space<semaphore_mem>> -> memref<1x1x!tpu.dma_semaphore, #tpu.memory_space<semaphore_mem>>
      %dma_wait3A_133 = tpu.memref_squeeze %dma_wait3A_132 : memref<1x1x!tpu.dma_semaphore, #tpu.memory_space<semaphore_mem>> -> memref<!tpu.dma_semaphore, #tpu.memory_space<semaphore_mem>>
      %dma_wait3A_134 = arith.constant 0 : i32
      %dma_wait3A_135 = tpu.memref_slice %arg4[%add3A_130, %dma_wait3A_134] : memref<100000x1024xf32, #tpu.memory_space<any>> -> memref<512x1024xf32, #tpu.memory_space<any>>
      %dma_wait3A_136 = arith.constant 1024 : i32
      %dma_wait3A_137 = arith.constant 0 : i32
      %dma_wait3A_138 = tpu.memref_slice %arg5[%rem3A_0, %dma_wait3A_136, %dma_wait3A_137] : memref<2x2048x1024xf32, #tpu.memory_space<vmem>> -> memref<1x512x1024xf32, #tpu.memory_space<vmem>>
      %dma_wait3A_139 = tpu.memref_squeeze %dma_wait3A_138 : memref<1x512x1024xf32, #tpu.memory_space<vmem>> -> memref<512x1024xf32, #tpu.memory_space<vmem>>
      tpu.wait_dma2 semaphore(%dma_wait3A_133 : memref<!tpu.dma_semaphore, #tpu.memory_space<semaphore_mem>>) src(%dma_wait3A_139 : memref<512x1024xf32, #tpu.memory_space<vmem>>) dst(%dma_wait3A_135 : memref<512x1024xf32, #tpu.memory_space<any>>)
      %sub3A_140 = arith.constant 2 : i32
      %sub3A_141 = arith.subi %arg0, %sub3A_140 : i32
      %mul3A_142 = arith.constant 2048 : i32
      %mul3A_143 = arith.muli %sub3A_141, %mul3A_142 : i32
      %add3A_144 = arith.constant 1536 : i32
      %add3A_145 = arith.addi %mul3A_143, %add3A_144 : i32
      %dma_wait3A_146 = arith.constant 3 : i32
      %dma_wait3A_147 = tpu.memref_slice %arg6[%rem3A_0, %dma_wait3A_146] : memref<2x4x!tpu.dma_semaphore, #tpu.memory_space<semaphore_mem>> -> memref<1x1x!tpu.dma_semaphore, #tpu.memory_space<semaphore_mem>>
      %dma_wait3A_148 = tpu.memref_squeeze %dma_wait3A_147 : memref<1x1x!tpu.dma_semaphore, #tpu.memory_space<semaphore_mem>> -> memref<!tpu.dma_semaphore, #tpu.memory_space<semaphore_mem>>
      %dma_wait3A_149 = arith.constant 0 : i32
      %dma_wait3A_150 = tpu.memref_slice %arg4[%add3A_145, %dma_wait3A_149] : memref<100000x1024xf32, #tpu.memory_space<any>> -> memref<512x1024xf32, #tpu.memory_space<any>>
      %dma_wait3A_151 = arith.constant 1536 : i32
      %dma_wait3A_152 = arith.constant 0 : i32
      %dma_wait3A_153 = tpu.memref_slice %arg5[%rem3A_0, %dma_wait3A_151, %dma_wait3A_152] : memref<2x2048x1024xf32, #tpu.memory_space<vmem>> -> memref<1x512x1024xf32, #tpu.memory_space<vmem>>
      %dma_wait3A_154 = tpu.memref_squeeze %dma_wait3A_153 : memref<1x512x1024xf32, #tpu.memory_space<vmem>> -> memref<512x1024xf32, #tpu.memory_space<vmem>>
      tpu.wait_dma2 semaphore(%dma_wait3A_148 : memref<!tpu.dma_semaphore, #tpu.memory_space<semaphore_mem>>) src(%dma_wait3A_154 : memref<512x1024xf32, #tpu.memory_space<vmem>>) dst(%dma_wait3A_150 : memref<512x1024xf32, #tpu.memory_space<any>>)
    } else {
    }
    %get3A = arith.constant 0 : index
    %get3A_3 = arith.constant 0 : index
    %get3A_4 = vector.load %arg1[%get3A, %get3A_3] : memref<64x2048xf32, #tpu.memory_space<vmem>>, vector<64x512xf32>
    %get3A_5 = arith.constant 0 : index
    %get3A_6 = arith.constant 0 : index
    %get3A_7 = vector.load %arg2[%get3A_5, %get3A_6] : memref<1024x64xf32, #tpu.memory_space<vmem>>, vector<1024x64xf32>
    %dot_general3A = arith.constant dense<0.000000e+00> : vector<512x1024xf32>
    %dot_general3A_8 = tpu.matmul %get3A_4, %get3A_7, %dot_general3A {dimension_numbers = #tpu.dot_dimension_numbers<[0], [1], [1], [0], [0, 1, 1, 0], [], []>, transpose_lhs_hint = false} : vector<64x512xf32>, vector<1024x64xf32>, vector<512x1024xf32> -> vector<512x1024xf32>
    %get3A_9 = arith.constant 0 : index
    %get3A_10 = arith.constant 0 : index
    %get3A_11 = vector.load %arg3[%get3A_9, %get3A_10] : memref<2048x1xf32, #tpu.memory_space<vmem>>, vector<512x1xf32>
    %add3A = vector.broadcast %get3A_11 : vector<512x1xf32> to vector<512x1024xf32>
    %add3A_12 = arith.addf %dot_general3A_8, %add3A : vector<512x1024xf32>
    %swap3A = arith.index_cast %rem3A_0 : i32 to index
    %swap3A_13 = arith.constant 0 : index
    %swap3A_14 = arith.constant 0 : index
    %swap3A_15 = vector.load %arg5[%swap3A, %swap3A_13, %swap3A_14] : memref<2x2048x1024xf32, #tpu.memory_space<vmem>>, vector<1x512x1024xf32>
    %swap3A_16 = vector.shape_cast %swap3A_15 : vector<1x512x1024xf32> to vector<512x1024xf32>
    %swap3A_17 = vector.shape_cast %add3A_12 : vector<512x1024xf32> to vector<1x512x1024xf32>
    tpu.vector_store %arg5[%swap3A, %swap3A_13, %swap3A_14], %swap3A_17 {strides = array<i32>} : memref<2x2048x1024xf32, #tpu.memory_space<vmem>>, vector<1x512x1024xf32>,
    %lt3A = arith.constant 48 : i32
    %lt3A_18 = arith.cmpi slt, %arg0, %lt3A : i32
    %convert_element_type3A_19 = arith.extui %lt3A_18 : i1 to i32
    %cond3A_20 = arith.constant 0 : i32
    %cond3A_21 = arith.cmpi ne, %convert_element_type3A_19, %cond3A_20 : i32
    scf.if %cond3A_21 {
      %mul3A = arith.constant 2048 : i32
      %mul3A_98 = arith.muli %arg0, %mul3A : i32
      %add3A_99 = arith.constant 0 : i32
      %add3A_100 = arith.addi %mul3A_98, %add3A_99 : i32
      %dma_start3A = arith.constant 0 : i32
      %dma_start3A_101 = tpu.memref_slice %arg6[%rem3A_0, %dma_start3A] : memref<2x4x!tpu.dma_semaphore, #tpu.memory_space<semaphore_mem>> -> memref<1x1x!tpu.dma_semaphore, #tpu.memory_space<semaphore_mem>>
      %dma_start3A_102 = tpu.memref_squeeze %dma_start3A_101 : memref<1x1x!tpu.dma_semaphore, #tpu.memory_space<semaphore_mem>> -> memref<!tpu.dma_semaphore, #tpu.memory_space<semaphore_mem>>
      %dma_start3A_103 = arith.constant 0 : i32
      %dma_start3A_104 = tpu.memref_slice %arg4[%add3A_100, %dma_start3A_103] : memref<100000x1024xf32, #tpu.memory_space<any>> -> memref<512x1024xf32, #tpu.memory_space<any>>
      %dma_start3A_105 = arith.constant 0 : i32
      %dma_start3A_106 = arith.constant 0 : i32
      %dma_start3A_107 = tpu.memref_slice %arg5[%rem3A_0, %dma_start3A_105, %dma_start3A_106] : memref<2x2048x1024xf32, #tpu.memory_space<vmem>> -> memref<1x512x1024xf32, #tpu.memory_space<vmem>>
      %dma_start3A_108 = tpu.memref_squeeze %dma_start3A_107 : memref<1x512x1024xf32, #tpu.memory_space<vmem>> -> memref<512x1024xf32, #tpu.memory_space<vmem>>
      tpu.enqueue_dma source(%dma_start3A_108 : memref<512x1024xf32, #tpu.memory_space<vmem>>) target(%dma_start3A_104 : memref<512x1024xf32, #tpu.memory_space<any>>) target_semaphore(%dma_start3A_102 : memref<!tpu.dma_semaphore, #tpu.memory_space<semaphore_mem>>)
    } else {
    }
    %get3A_22 = arith.constant 0 : index
    %get3A_23 = arith.constant 512 : index
    %get3A_24 = vector.load %arg1[%get3A_22, %get3A_23] : memref<64x2048xf32, #tpu.memory_space<vmem>>, vector<64x512xf32>
    %get3A_25 = arith.constant 0 : index
    %get3A_26 = arith.constant 0 : index
    %get3A_27 = vector.load %arg2[%get3A_25, %get3A_26] : memref<1024x64xf32, #tpu.memory_space<vmem>>, vector<1024x64xf32>
    %dot_general3A_28 = arith.constant dense<0.000000e+00> : vector<512x1024xf32>
    %dot_general3A_29 = tpu.matmul %get3A_24, %get3A_27, %dot_general3A_28 {dimension_numbers = #tpu.dot_dimension_numbers<[0], [1], [1], [0], [0, 1, 1, 0], [], []>, transpose_lhs_hint = false} : vector<64x512xf32>, vector<1024x64xf32>, vector<512x1024xf32> -> vector<512x1024xf32>
    %get3A_30 = arith.constant 512 : index
    %get3A_31 = arith.constant 0 : index
    %get3A_32 = vector.load %arg3[%get3A_30, %get3A_31] : memref<2048x1xf32, #tpu.memory_space<vmem>>, vector<512x1xf32>
    %add3A_33 = vector.broadcast %get3A_32 : vector<512x1xf32> to vector<512x1024xf32>
    %add3A_34 = arith.addf %dot_general3A_29, %add3A_33 : vector<512x1024xf32>
    %swap3A_35 = arith.index_cast %rem3A_0 : i32 to index
    %swap3A_36 = arith.constant 512 : index
    %swap3A_37 = arith.constant 0 : index
    %swap3A_38 = vector.load %arg5[%swap3A_35, %swap3A_36, %swap3A_37] : memref<2x2048x1024xf32, #tpu.memory_space<vmem>>, vector<1x512x1024xf32>
    %swap3A_39 = vector.shape_cast %swap3A_38 : vector<1x512x1024xf32> to vector<512x1024xf32>
    %swap3A_40 = vector.shape_cast %add3A_34 : vector<512x1024xf32> to vector<1x512x1024xf32>
    tpu.vector_store %arg5[%swap3A_35, %swap3A_36, %swap3A_37], %swap3A_40 {strides = array<i32>} : memref<2x2048x1024xf32, #tpu.memory_space<vmem>>, vector<1x512x1024xf32>,
    %lt3A_41 = arith.constant 48 : i32
    %lt3A_42 = arith.cmpi slt, %arg0, %lt3A_41 : i32
    %convert_element_type3A_43 = arith.extui %lt3A_42 : i1 to i32
    %cond3A_44 = arith.constant 0 : i32
    %cond3A_45 = arith.cmpi ne, %convert_element_type3A_43, %cond3A_44 : i32
    scf.if %cond3A_45 {
      %mul3A = arith.constant 2048 : i32
      %mul3A_98 = arith.muli %arg0, %mul3A : i32
      %add3A_99 = arith.constant 512 : i32
      %add3A_100 = arith.addi %mul3A_98, %add3A_99 : i32
      %dma_start3A = arith.constant 1 : i32
      %dma_start3A_101 = tpu.memref_slice %arg6[%rem3A_0, %dma_start3A] : memref<2x4x!tpu.dma_semaphore, #tpu.memory_space<semaphore_mem>> -> memref<1x1x!tpu.dma_semaphore, #tpu.memory_space<semaphore_mem>>
      %dma_start3A_102 = tpu.memref_squeeze %dma_start3A_101 : memref<1x1x!tpu.dma_semaphore, #tpu.memory_space<semaphore_mem>> -> memref<!tpu.dma_semaphore, #tpu.memory_space<semaphore_mem>>
      %dma_start3A_103 = arith.constant 0 : i32
      %dma_start3A_104 = tpu.memref_slice %arg4[%add3A_100, %dma_start3A_103] : memref<100000x1024xf32, #tpu.memory_space<any>> -> memref<512x1024xf32, #tpu.memory_space<any>>
      %dma_start3A_105 = arith.constant 512 : i32
      %dma_start3A_106 = arith.constant 0 : i32
      %dma_start3A_107 = tpu.memref_slice %arg5[%rem3A_0, %dma_start3A_105, %dma_start3A_106] : memref<2x2048x1024xf32, #tpu.memory_space<vmem>> -> memref<1x512x1024xf32, #tpu.memory_space<vmem>>
      %dma_start3A_108 = tpu.memref_squeeze %dma_start3A_107 : memref<1x512x1024xf32, #tpu.memory_space<vmem>> -> memref<512x1024xf32, #tpu.memory_space<vmem>>
      tpu.enqueue_dma source(%dma_start3A_108 : memref<512x1024xf32, #tpu.memory_space<vmem>>) target(%dma_start3A_104 : memref<512x1024xf32, #tpu.memory_space<any>>) target_semaphore(%dma_start3A_102 : memref<!tpu.dma_semaphore, #tpu.memory_space<semaphore_mem>>)
    } else {
    }
    %get3A_46 = arith.constant 0 : index
    %get3A_47 = arith.constant 1024 : index
    %get3A_48 = vector.load %arg1[%get3A_46, %get3A_47] : memref<64x2048xf32, #tpu.memory_space<vmem>>, vector<64x512xf32>
    %get3A_49 = arith.constant 0 : index
    %get3A_50 = arith.constant 0 : index
    %get3A_51 = vector.load %arg2[%get3A_49, %get3A_50] : memref<1024x64xf32, #tpu.memory_space<vmem>>, vector<1024x64xf32>
    %dot_general3A_52 = arith.constant dense<0.000000e+00> : vector<512x1024xf32>
    %dot_general3A_53 = tpu.matmul %get3A_48, %get3A_51, %dot_general3A_52 {dimension_numbers = #tpu.dot_dimension_numbers<[0], [1], [1], [0], [0, 1, 1, 0], [], []>, transpose_lhs_hint = false} : vector<64x512xf32>, vector<1024x64xf32>, vector<512x1024xf32> -> vector<512x1024xf32>
    %get3A_54 = arith.constant 1024 : index
    %get3A_55 = arith.constant 0 : index
    %get3A_56 = vector.load %arg3[%get3A_54, %get3A_55] : memref<2048x1xf32, #tpu.memory_space<vmem>>, vector<512x1xf32>
    %add3A_57 = vector.broadcast %get3A_56 : vector<512x1xf32> to vector<512x1024xf32>
    %add3A_58 = arith.addf %dot_general3A_53, %add3A_57 : vector<512x1024xf32>
    %swap3A_59 = arith.index_cast %rem3A_0 : i32 to index
    %swap3A_60 = arith.constant 1024 : index
    %swap3A_61 = arith.constant 0 : index
    %swap3A_62 = vector.load %arg5[%swap3A_59, %swap3A_60, %swap3A_61] : memref<2x2048x1024xf32, #tpu.memory_space<vmem>>, vector<1x512x1024xf32>
    %swap3A_63 = vector.shape_cast %swap3A_62 : vector<1x512x1024xf32> to vector<512x1024xf32>
    %swap3A_64 = vector.shape_cast %add3A_58 : vector<512x1024xf32> to vector<1x512x1024xf32>
    tpu.vector_store %arg5[%swap3A_59, %swap3A_60, %swap3A_61], %swap3A_64 {strides = array<i32>} : memref<2x2048x1024xf32, #tpu.memory_space<vmem>>, vector<1x512x1024xf32>,
    %lt3A_65 = arith.constant 48 : i32
    %lt3A_66 = arith.cmpi slt, %arg0, %lt3A_65 : i32
    %convert_element_type3A_67 = arith.extui %lt3A_66 : i1 to i32
    %cond3A_68 = arith.constant 0 : i32
    %cond3A_69 = arith.cmpi ne, %convert_element_type3A_67, %cond3A_68 : i32
    scf.if %cond3A_69 {
      %mul3A = arith.constant 2048 : i32
      %mul3A_98 = arith.muli %arg0, %mul3A : i32
      %add3A_99 = arith.constant 1024 : i32
      %add3A_100 = arith.addi %mul3A_98, %add3A_99 : i32
      %dma_start3A = arith.constant 2 : i32
      %dma_start3A_101 = tpu.memref_slice %arg6[%rem3A_0, %dma_start3A] : memref<2x4x!tpu.dma_semaphore, #tpu.memory_space<semaphore_mem>> -> memref<1x1x!tpu.dma_semaphore, #tpu.memory_space<semaphore_mem>>
      %dma_start3A_102 = tpu.memref_squeeze %dma_start3A_101 : memref<1x1x!tpu.dma_semaphore, #tpu.memory_space<semaphore_mem>> -> memref<!tpu.dma_semaphore, #tpu.memory_space<semaphore_mem>>
      %dma_start3A_103 = arith.constant 0 : i32
      %dma_start3A_104 = tpu.memref_slice %arg4[%add3A_100, %dma_start3A_103] : memref<100000x1024xf32, #tpu.memory_space<any>> -> memref<512x1024xf32, #tpu.memory_space<any>>
      %dma_start3A_105 = arith.constant 1024 : i32
      %dma_start3A_106 = arith.constant 0 : i32
      %dma_start3A_107 = tpu.memref_slice %arg5[%rem3A_0, %dma_start3A_105, %dma_start3A_106] : memref<2x2048x1024xf32, #tpu.memory_space<vmem>> -> memref<1x512x1024xf32, #tpu.memory_space<vmem>>
      %dma_start3A_108 = tpu.memref_squeeze %dma_start3A_107 : memref<1x512x1024xf32, #tpu.memory_space<vmem>> -> memref<512x1024xf32, #tpu.memory_space<vmem>>
      tpu.enqueue_dma source(%dma_start3A_108 : memref<512x1024xf32, #tpu.memory_space<vmem>>) target(%dma_start3A_104 : memref<512x1024xf32, #tpu.memory_space<any>>) target_semaphore(%dma_start3A_102 : memref<!tpu.dma_semaphore, #tpu.memory_space<semaphore_mem>>)
    } else {
    }
    %get3A_70 = arith.constant 0 : index
    %get3A_71 = arith.constant 1536 : index
    %get3A_72 = vector.load %arg1[%get3A_70, %get3A_71] : memref<64x2048xf32, #tpu.memory_space<vmem>>, vector<64x512xf32>
    %get3A_73 = arith.constant 0 : index
    %get3A_74 = arith.constant 0 : index
    %get3A_75 = vector.load %arg2[%get3A_73, %get3A_74] : memref<1024x64xf32, #tpu.memory_space<vmem>>, vector<1024x64xf32>
    %dot_general3A_76 = arith.constant dense<0.000000e+00> : vector<512x1024xf32>
    %dot_general3A_77 = tpu.matmul %get3A_72, %get3A_75, %dot_general3A_76 {dimension_numbers = #tpu.dot_dimension_numbers<[0], [1], [1], [0], [0, 1, 1, 0], [], []>, transpose_lhs_hint = false} : vector<64x512xf32>, vector<1024x64xf32>, vector<512x1024xf32> -> vector<512x1024xf32>
    %get3A_78 = arith.constant 1536 : index
    %get3A_79 = arith.constant 0 : index
    %get3A_80 = vector.load %arg3[%get3A_78, %get3A_79] : memref<2048x1xf32, #tpu.memory_space<vmem>>, vector<512x1xf32>
    %add3A_81 = vector.broadcast %get3A_80 : vector<512x1xf32> to vector<512x1024xf32>
    %add3A_82 = arith.addf %dot_general3A_77, %add3A_81 : vector<512x1024xf32>
    %swap3A_83 = arith.index_cast %rem3A_0 : i32 to index
    %swap3A_84 = arith.constant 1536 : index
    %swap3A_85 = arith.constant 0 : index
    %swap3A_86 = vector.load %arg5[%swap3A_83, %swap3A_84, %swap3A_85] : memref<2x2048x1024xf32, #tpu.memory_space<vmem>>, vector<1x512x1024xf32>
    %swap3A_87 = vector.shape_cast %swap3A_86 : vector<1x512x1024xf32> to vector<512x1024xf32>
    %swap3A_88 = vector.shape_cast %add3A_82 : vector<512x1024xf32> to vector<1x512x1024xf32>
    tpu.vector_store %arg5[%swap3A_83, %swap3A_84, %swap3A_85], %swap3A_88 {strides = array<i32>} : memref<2x2048x1024xf32, #tpu.memory_space<vmem>>, vector<1x512x1024xf32>,
    %lt3A_89 = arith.constant 48 : i32
    %lt3A_90 = arith.cmpi slt, %arg0, %lt3A_89 : i32
    %convert_element_type3A_91 = arith.extui %lt3A_90 : i1 to i32
    %cond3A_92 = arith.constant 0 : i32
    %cond3A_93 = arith.cmpi ne, %convert_element_type3A_91, %cond3A_92 : i32
    scf.if %cond3A_93 {
      %mul3A = arith.constant 2048 : i32
      %mul3A_98 = arith.muli %arg0, %mul3A : i32
      %add3A_99 = arith.constant 1536 : i32
      %add3A_100 = arith.addi %mul3A_98, %add3A_99 : i32
      %dma_start3A = arith.constant 3 : i32
      %dma_start3A_101 = tpu.memref_slice %arg6[%rem3A_0, %dma_start3A] : memref<2x4x!tpu.dma_semaphore, #tpu.memory_space<semaphore_mem>> -> memref<1x1x!tpu.dma_semaphore, #tpu.memory_space<semaphore_mem>>
      %dma_start3A_102 = tpu.memref_squeeze %dma_start3A_101 : memref<1x1x!tpu.dma_semaphore, #tpu.memory_space<semaphore_mem>> -> memref<!tpu.dma_semaphore, #tpu.memory_space<semaphore_mem>>
      %dma_start3A_103 = arith.constant 0 : i32
      %dma_start3A_104 = tpu.memref_slice %arg4[%add3A_100, %dma_start3A_103] : memref<100000x1024xf32, #tpu.memory_space<any>> -> memref<512x1024xf32, #tpu.memory_space<any>>
      %dma_start3A_105 = arith.constant 1536 : i32
      %dma_start3A_106 = arith.constant 0 : i32
      %dma_start3A_107 = tpu.memref_slice %arg5[%rem3A_0, %dma_start3A_105, %dma_start3A_106] : memref<2x2048x1024xf32, #tpu.memory_space<vmem>> -> memref<1x512x1024xf32, #tpu.memory_space<vmem>>
      %dma_start3A_108 = tpu.memref_squeeze %dma_start3A_107 : memref<1x512x1024xf32, #tpu.memory_space<vmem>> -> memref<512x1024xf32, #tpu.memory_space<vmem>>
      tpu.enqueue_dma source(%dma_start3A_108 : memref<512x1024xf32, #tpu.memory_space<vmem>>) target(%dma_start3A_104 : memref<512x1024xf32, #tpu.memory_space<any>>) target_semaphore(%dma_start3A_102 : memref<!tpu.dma_semaphore, #tpu.memory_space<semaphore_mem>>)
    } else {
    }
    %eq3A = arith.constant 48 : i32
    %eq3A_94 = arith.cmpi eq, %arg0, %eq3A : i32
    %convert_element_type3A_95 = arith.extui %eq3A_94 : i1 to i32
    %cond3A_96 = arith.constant 0 : i32
    %cond3A_97 = arith.cmpi ne, %convert_element_type3A_95, %cond3A_96 : i32
    scf.if %cond3A_97 {
      %mul3A = arith.constant 2048 : i32
      %mul3A_98 = arith.muli %arg0, %mul3A : i32
      %add3A_99 = arith.constant 0 : i32
      %add3A_100 = arith.addi %mul3A_98, %add3A_99 : i32
      %dma_start3A = arith.constant 0 : i32
      %dma_start3A_101 = tpu.memref_slice %arg6[%rem3A_0, %dma_start3A] : memref<2x4x!tpu.dma_semaphore, #tpu.memory_space<semaphore_mem>> -> memref<1x1x!tpu.dma_semaphore, #tpu.memory_space<semaphore_mem>>
      %dma_start3A_102 = tpu.memref_squeeze %dma_start3A_101 : memref<1x1x!tpu.dma_semaphore, #tpu.memory_space<semaphore_mem>> -> memref<!tpu.dma_semaphore, #tpu.memory_space<semaphore_mem>>
      %dma_start3A_103 = arith.constant 0 : i32
      %dma_start3A_104 = tpu.memref_slice %arg4[%add3A_100, %dma_start3A_103] : memref<100000x1024xf32, #tpu.memory_space<any>> -> memref<512x1024xf32, #tpu.memory_space<any>>
      %dma_start3A_105 = arith.constant 0 : i32
      %dma_start3A_106 = arith.constant 0 : i32
      %dma_start3A_107 = tpu.memref_slice %arg5[%rem3A_0, %dma_start3A_105, %dma_start3A_106] : memref<2x2048x1024xf32, #tpu.memory_space<vmem>> -> memref<1x512x1024xf32, #tpu.memory_space<vmem>>
      %dma_start3A_108 = tpu.memref_squeeze %dma_start3A_107 : memref<1x512x1024xf32, #tpu.memory_space<vmem>> -> memref<512x1024xf32, #tpu.memory_space<vmem>>
      tpu.enqueue_dma source(%dma_start3A_108 : memref<512x1024xf32, #tpu.memory_space<vmem>>) target(%dma_start3A_104 : memref<512x1024xf32, #tpu.memory_space<any>>) target_semaphore(%dma_start3A_102 : memref<!tpu.dma_semaphore, #tpu.memory_space<semaphore_mem>>)
      %mul3A_109 = arith.constant 2048 : i32
      %mul3A_110 = arith.muli %arg0, %mul3A_109 : i32
      %add3A_111 = arith.constant 512 : i32
      %add3A_112 = arith.addi %mul3A_110, %add3A_111 : i32
      %dma_start3A_113 = arith.constant 1 : i32
      %dma_start3A_114 = tpu.memref_slice %arg6[%rem3A_0, %dma_start3A_113] : memref<2x4x!tpu.dma_semaphore, #tpu.memory_space<semaphore_mem>> -> memref<1x1x!tpu.dma_semaphore, #tpu.memory_space<semaphore_mem>>
      %dma_start3A_115 = tpu.memref_squeeze %dma_start3A_114 : memref<1x1x!tpu.dma_semaphore, #tpu.memory_space<semaphore_mem>> -> memref<!tpu.dma_semaphore, #tpu.memory_space<semaphore_mem>>
      %dma_start3A_116 = arith.constant 0 : i32
      %dma_start3A_117 = tpu.memref_slice %arg4[%add3A_112, %dma_start3A_116] : memref<100000x1024xf32, #tpu.memory_space<any>> -> memref<512x1024xf32, #tpu.memory_space<any>>
      %dma_start3A_118 = arith.constant 512 : i32
      %dma_start3A_119 = arith.constant 0 : i32
      %dma_start3A_120 = tpu.memref_slice %arg5[%rem3A_0, %dma_start3A_118, %dma_start3A_119] : memref<2x2048x1024xf32, #tpu.memory_space<vmem>> -> memref<1x512x1024xf32, #tpu.memory_space<vmem>>
      %dma_start3A_121 = tpu.memref_squeeze %dma_start3A_120 : memref<1x512x1024xf32, #tpu.memory_space<vmem>> -> memref<512x1024xf32, #tpu.memory_space<vmem>>
      tpu.enqueue_dma source(%dma_start3A_121 : memref<512x1024xf32, #tpu.memory_space<vmem>>) target(%dma_start3A_117 : memref<512x1024xf32, #tpu.memory_space<any>>) target_semaphore(%dma_start3A_115 : memref<!tpu.dma_semaphore, #tpu.memory_space<semaphore_mem>>)
      %mul3A_122 = arith.constant 2048 : i32
      %mul3A_123 = arith.muli %arg0, %mul3A_122 : i32
      %add3A_124 = arith.constant 1024 : i32
      %add3A_125 = arith.addi %mul3A_123, %add3A_124 : i32
      %dma_start3A_126 = arith.constant 2 : i32
      %dma_start3A_127 = tpu.memref_slice %arg6[%rem3A_0, %dma_start3A_126] : memref<2x4x!tpu.dma_semaphore, #tpu.memory_space<semaphore_mem>> -> memref<1x1x!tpu.dma_semaphore, #tpu.memory_space<semaphore_mem>>
      %dma_start3A_128 = tpu.memref_squeeze %dma_start3A_127 : memref<1x1x!tpu.dma_semaphore, #tpu.memory_space<semaphore_mem>> -> memref<!tpu.dma_semaphore, #tpu.memory_space<semaphore_mem>>
      %dma_start3A_129 = arith.constant 0 : i32
      %dma_start3A_130 = tpu.memref_slice %arg4[%add3A_125, %dma_start3A_129] : memref<100000x1024xf32, #tpu.memory_space<any>> -> memref<512x1024xf32, #tpu.memory_space<any>>
      %dma_start3A_131 = arith.constant 1024 : i32
      %dma_start3A_132 = arith.constant 0 : i32
      %dma_start3A_133 = tpu.memref_slice %arg5[%rem3A_0, %dma_start3A_131, %dma_start3A_132] : memref<2x2048x1024xf32, #tpu.memory_space<vmem>> -> memref<1x512x1024xf32, #tpu.memory_space<vmem>>
      %dma_start3A_134 = tpu.memref_squeeze %dma_start3A_133 : memref<1x512x1024xf32, #tpu.memory_space<vmem>> -> memref<512x1024xf32, #tpu.memory_space<vmem>>
      tpu.enqueue_dma source(%dma_start3A_134 : memref<512x1024xf32, #tpu.memory_space<vmem>>) target(%dma_start3A_130 : memref<512x1024xf32, #tpu.memory_space<any>>) target_semaphore(%dma_start3A_128 : memref<!tpu.dma_semaphore, #tpu.memory_space<semaphore_mem>>)
      %mul3A_135 = arith.constant 2048 : i32
      %mul3A_136 = arith.muli %arg0, %mul3A_135 : i32
      %add3A_137 = arith.constant 1536 : i32
      %add3A_138 = arith.addi %mul3A_136, %add3A_137 : i32
      %dma_start3A_139 = arith.constant 3 : i32
      %dma_start3A_140 = tpu.memref_slice %arg6[%rem3A_0, %dma_start3A_139] : memref<2x4x!tpu.dma_semaphore, #tpu.memory_space<semaphore_mem>> -> memref<1x1x!tpu.dma_semaphore, #tpu.memory_space<semaphore_mem>>
      %dma_start3A_141 = tpu.memref_squeeze %dma_start3A_140 : memref<1x1x!tpu.dma_semaphore, #tpu.memory_space<semaphore_mem>> -> memref<!tpu.dma_semaphore, #tpu.memory_space<semaphore_mem>>
      %dma_start3A_142 = arith.constant 0 : i32
      %dma_start3A_143 = tpu.memref_slice %arg4[%add3A_138, %dma_start3A_142] : memref<100000x1024xf32, #tpu.memory_space<any>> -> memref<160x1024xf32, #tpu.memory_space<any>>
      %dma_start3A_144 = arith.constant 1536 : i32
      %dma_start3A_145 = arith.constant 0 : i32
      %dma_start3A_146 = tpu.memref_slice %arg5[%rem3A_0, %dma_start3A_144, %dma_start3A_145] : memref<2x2048x1024xf32, #tpu.memory_space<vmem>> -> memref<1x160x1024xf32, #tpu.memory_space<vmem>>
      %dma_start3A_147 = tpu.memref_squeeze %dma_start3A_146 : memref<1x160x1024xf32, #tpu.memory_space<vmem>> -> memref<160x1024xf32, #tpu.memory_space<vmem>>
      tpu.enqueue_dma source(%dma_start3A_147 : memref<160x1024xf32, #tpu.memory_space<vmem>>) target(%dma_start3A_143 : memref<160x1024xf32, #tpu.memory_space<any>>) target_semaphore(%dma_start3A_141 : memref<!tpu.dma_semaphore, #tpu.memory_space<semaphore_mem>>)
      %sub3A = arith.constant 1 : i32
      %sub3A_148 = arith.subi %sub3A, %rem3A_0 : i32
      %sub3A_149 = arith.constant 1 : i32
      %sub3A_150 = arith.subi %arg0, %sub3A_149 : i32
      %mul3A_151 = arith.constant 2048 : i32
      %mul3A_152 = arith.muli %sub3A_150, %mul3A_151 : i32
      %add3A_153 = arith.constant 0 : i32
      %add3A_154 = arith.addi %mul3A_152, %add3A_153 : i32
      %dma_wait3A = arith.constant 0 : i32
      %dma_wait3A_155 = tpu.memref_slice %arg6[%sub3A_148, %dma_wait3A] : memref<2x4x!tpu.dma_semaphore, #tpu.memory_space<semaphore_mem>> -> memref<1x1x!tpu.dma_semaphore, #tpu.memory_space<semaphore_mem>>
      %dma_wait3A_156 = tpu.memref_squeeze %dma_wait3A_155 : memref<1x1x!tpu.dma_semaphore, #tpu.memory_space<semaphore_mem>> -> memref<!tpu.dma_semaphore, #tpu.memory_space<semaphore_mem>>
      %dma_wait3A_157 = arith.constant 0 : i32
      %dma_wait3A_158 = tpu.memref_slice %arg4[%add3A_154, %dma_wait3A_157] : memref<100000x1024xf32, #tpu.memory_space<any>> -> memref<512x1024xf32, #tpu.memory_space<any>>
      %dma_wait3A_159 = arith.constant 0 : i32
      %dma_wait3A_160 = arith.constant 0 : i32
      %dma_wait3A_161 = tpu.memref_slice %arg5[%sub3A_148, %dma_wait3A_159, %dma_wait3A_160] : memref<2x2048x1024xf32, #tpu.memory_space<vmem>> -> memref<1x512x1024xf32, #tpu.memory_space<vmem>>
      %dma_wait3A_162 = tpu.memref_squeeze %dma_wait3A_161 : memref<1x512x1024xf32, #tpu.memory_space<vmem>> -> memref<512x1024xf32, #tpu.memory_space<vmem>>
      tpu.wait_dma2 semaphore(%dma_wait3A_156 : memref<!tpu.dma_semaphore, #tpu.memory_space<semaphore_mem>>) src(%dma_wait3A_162 : memref<512x1024xf32, #tpu.memory_space<vmem>>) dst(%dma_wait3A_158 : memref<512x1024xf32, #tpu.memory_space<any>>)
      %sub3A_163 = arith.constant 1 : i32
      %sub3A_164 = arith.subi %sub3A_163, %rem3A_0 : i32
      %sub3A_165 = arith.constant 1 : i32
      %sub3A_166 = arith.subi %arg0, %sub3A_165 : i32
      %mul3A_167 = arith.constant 2048 : i32
      %mul3A_168 = arith.muli %sub3A_166, %mul3A_167 : i32
      %add3A_169 = arith.constant 512 : i32
      %add3A_170 = arith.addi %mul3A_168, %add3A_169 : i32
      %dma_wait3A_171 = arith.constant 1 : i32
      %dma_wait3A_172 = tpu.memref_slice %arg6[%sub3A_164, %dma_wait3A_171] : memref<2x4x!tpu.dma_semaphore, #tpu.memory_space<semaphore_mem>> -> memref<1x1x!tpu.dma_semaphore, #tpu.memory_space<semaphore_mem>>
      %dma_wait3A_173 = tpu.memref_squeeze %dma_wait3A_172 : memref<1x1x!tpu.dma_semaphore, #tpu.memory_space<semaphore_mem>> -> memref<!tpu.dma_semaphore, #tpu.memory_space<semaphore_mem>>
      %dma_wait3A_174 = arith.constant 0 : i32
      %dma_wait3A_175 = tpu.memref_slice %arg4[%add3A_170, %dma_wait3A_174] : memref<100000x1024xf32, #tpu.memory_space<any>> -> memref<512x1024xf32, #tpu.memory_space<any>>
      %dma_wait3A_176 = arith.constant 512 : i32
      %dma_wait3A_177 = arith.constant 0 : i32
      %dma_wait3A_178 = tpu.memref_slice %arg5[%sub3A_164, %dma_wait3A_176, %dma_wait3A_177] : memref<2x2048x1024xf32, #tpu.memory_space<vmem>> -> memref<1x512x1024xf32, #tpu.memory_space<vmem>>
      %dma_wait3A_179 = tpu.memref_squeeze %dma_wait3A_178 : memref<1x512x1024xf32, #tpu.memory_space<vmem>> -> memref<512x1024xf32, #tpu.memory_space<vmem>>
      tpu.wait_dma2 semaphore(%dma_wait3A_173 : memref<!tpu.dma_semaphore, #tpu.memory_space<semaphore_mem>>) src(%dma_wait3A_179 : memref<512x1024xf32, #tpu.memory_space<vmem>>) dst(%dma_wait3A_175 : memref<512x1024xf32, #tpu.memory_space<any>>)
      %sub3A_180 = arith.constant 1 : i32
      %sub3A_181 = arith.subi %sub3A_180, %rem3A_0 : i32
      %sub3A_182 = arith.constant 1 : i32
      %sub3A_183 = arith.subi %arg0, %sub3A_182 : i32
      %mul3A_184 = arith.constant 2048 : i32
      %mul3A_185 = arith.muli %sub3A_183, %mul3A_184 : i32
      %add3A_186 = arith.constant 1024 : i32
      %add3A_187 = arith.addi %mul3A_185, %add3A_186 : i32
      %dma_wait3A_188 = arith.constant 2 : i32
      %dma_wait3A_189 = tpu.memref_slice %arg6[%sub3A_181, %dma_wait3A_188] : memref<2x4x!tpu.dma_semaphore, #tpu.memory_space<semaphore_mem>> -> memref<1x1x!tpu.dma_semaphore, #tpu.memory_space<semaphore_mem>>
      %dma_wait3A_190 = tpu.memref_squeeze %dma_wait3A_189 : memref<1x1x!tpu.dma_semaphore, #tpu.memory_space<semaphore_mem>> -> memref<!tpu.dma_semaphore, #tpu.memory_space<semaphore_mem>>
      %dma_wait3A_191 = arith.constant 0 : i32
      %dma_wait3A_192 = tpu.memref_slice %arg4[%add3A_187, %dma_wait3A_191] : memref<100000x1024xf32, #tpu.memory_space<any>> -> memref<512x1024xf32, #tpu.memory_space<any>>
      %dma_wait3A_193 = arith.constant 1024 : i32
      %dma_wait3A_194 = arith.constant 0 : i32
      %dma_wait3A_195 = tpu.memref_slice %arg5[%sub3A_181, %dma_wait3A_193, %dma_wait3A_194] : memref<2x2048x1024xf32, #tpu.memory_space<vmem>> -> memref<1x512x1024xf32, #tpu.memory_space<vmem>>
      %dma_wait3A_196 = tpu.memref_squeeze %dma_wait3A_195 : memref<1x512x1024xf32, #tpu.memory_space<vmem>> -> memref<512x1024xf32, #tpu.memory_space<vmem>>
      tpu.wait_dma2 semaphore(%dma_wait3A_190 : memref<!tpu.dma_semaphore, #tpu.memory_space<semaphore_mem>>) src(%dma_wait3A_196 : memref<512x1024xf32, #tpu.memory_space<vmem>>) dst(%dma_wait3A_192 : memref<512x1024xf32, #tpu.memory_space<any>>)
      %sub3A_197 = arith.constant 1 : i32
      %sub3A_198 = arith.subi %sub3A_197, %rem3A_0 : i32
      %sub3A_199 = arith.constant 1 : i32
      %sub3A_200 = arith.subi %arg0, %sub3A_199 : i32
      %mul3A_201 = arith.constant 2048 : i32
      %mul3A_202 = arith.muli %sub3A_200, %mul3A_201 : i32
      %add3A_203 = arith.constant 1536 : i32
      %add3A_204 = arith.addi %mul3A_202, %add3A_203 : i32
      %dma_wait3A_205 = arith.constant 3 : i32
      %dma_wait3A_206 = tpu.memref_slice %arg6[%sub3A_198, %dma_wait3A_205] : memref<2x4x!tpu.dma_semaphore, #tpu.memory_space<semaphore_mem>> -> memref<1x1x!tpu.dma_semaphore, #tpu.memory_space<semaphore_mem>>
      %dma_wait3A_207 = tpu.memref_squeeze %dma_wait3A_206 : memref<1x1x!tpu.dma_semaphore, #tpu.memory_space<semaphore_mem>> -> memref<!tpu.dma_semaphore, #tpu.memory_space<semaphore_mem>>
      %dma_wait3A_208 = arith.constant 0 : i32
      %dma_wait3A_209 = tpu.memref_slice %arg4[%add3A_204, %dma_wait3A_208] : memref<100000x1024xf32, #tpu.memory_space<any>> -> memref<512x1024xf32, #tpu.memory_space<any>>
      %dma_wait3A_210 = arith.constant 1536 : i32
      %dma_wait3A_211 = arith.constant 0 : i32
      %dma_wait3A_212 = tpu.memref_slice %arg5[%sub3A_198, %dma_wait3A_210, %dma_wait3A_211] : memref<2x2048x1024xf32, #tpu.memory_space<vmem>> -> memref<1x512x1024xf32, #tpu.memory_space<vmem>>
      %dma_wait3A_213 = tpu.memref_squeeze %dma_wait3A_212 : memref<1x512x1024xf32, #tpu.memory_space<vmem>> -> memref<512x1024xf32, #tpu.memory_space<vmem>>
      tpu.wait_dma2 semaphore(%dma_wait3A_207 : memref<!tpu.dma_semaphore, #tpu.memory_space<semaphore_mem>>) src(%dma_wait3A_213 : memref<512x1024xf32, #tpu.memory_space<vmem>>) dst(%dma_wait3A_209 : memref<512x1024xf32, #tpu.memory_space<any>>)
      %mul3A_214 = arith.constant 2048 : i32
      %mul3A_215 = arith.muli %arg0, %mul3A_214 : i32
      %add3A_216 = arith.constant 0 : i32
      %add3A_217 = arith.addi %mul3A_215, %add3A_216 : i32
      %dma_wait3A_218 = arith.constant 0 : i32
      %dma_wait3A_219 = tpu.memref_slice %arg6[%rem3A_0, %dma_wait3A_218] : memref<2x4x!tpu.dma_semaphore, #tpu.memory_space<semaphore_mem>> -> memref<1x1x!tpu.dma_semaphore, #tpu.memory_space<semaphore_mem>>
      %dma_wait3A_220 = tpu.memref_squeeze %dma_wait3A_219 : memref<1x1x!tpu.dma_semaphore, #tpu.memory_space<semaphore_mem>> -> memref<!tpu.dma_semaphore, #tpu.memory_space<semaphore_mem>>
      %dma_wait3A_221 = arith.constant 0 : i32
      %dma_wait3A_222 = tpu.memref_slice %arg4[%add3A_217, %dma_wait3A_221] : memref<100000x1024xf32, #tpu.memory_space<any>> -> memref<512x1024xf32, #tpu.memory_space<any>>
      %dma_wait3A_223 = arith.constant 0 : i32
      %dma_wait3A_224 = arith.constant 0 : i32
      %dma_wait3A_225 = tpu.memref_slice %arg5[%rem3A_0, %dma_wait3A_223, %dma_wait3A_224] : memref<2x2048x1024xf32, #tpu.memory_space<vmem>> -> memref<1x512x1024xf32, #tpu.memory_space<vmem>>
      %dma_wait3A_226 = tpu.memref_squeeze %dma_wait3A_225 : memref<1x512x1024xf32, #tpu.memory_space<vmem>> -> memref<512x1024xf32, #tpu.memory_space<vmem>>
      tpu.wait_dma2 semaphore(%dma_wait3A_220 : memref<!tpu.dma_semaphore, #tpu.memory_space<semaphore_mem>>) src(%dma_wait3A_226 : memref<512x1024xf32, #tpu.memory_space<vmem>>) dst(%dma_wait3A_222 : memref<512x1024xf32, #tpu.memory_space<any>>)
      %mul3A_227 = arith.constant 2048 : i32
      %mul3A_228 = arith.muli %arg0, %mul3A_227 : i32
      %add3A_229 = arith.constant 512 : i32
      %add3A_230 = arith.addi %mul3A_228, %add3A_229 : i32
      %dma_wait3A_231 = arith.constant 1 : i32
      %dma_wait3A_232 = tpu.memref_slice %arg6[%rem3A_0, %dma_wait3A_231] : memref<2x4x!tpu.dma_semaphore, #tpu.memory_space<semaphore_mem>> -> memref<1x1x!tpu.dma_semaphore, #tpu.memory_space<semaphore_mem>>
      %dma_wait3A_233 = tpu.memref_squeeze %dma_wait3A_232 : memref<1x1x!tpu.dma_semaphore, #tpu.memory_space<semaphore_mem>> -> memref<!tpu.dma_semaphore, #tpu.memory_space<semaphore_mem>>
      %dma_wait3A_234 = arith.constant 0 : i32
      %dma_wait3A_235 = tpu.memref_slice %arg4[%add3A_230, %dma_wait3A_234] : memref<100000x1024xf32, #tpu.memory_space<any>> -> memref<512x1024xf32, #tpu.memory_space<any>>
      %dma_wait3A_236 = arith.constant 512 : i32
      %dma_wait3A_237 = arith.constant 0 : i32
      %dma_wait3A_238 = tpu.memref_slice %arg5[%rem3A_0, %dma_wait3A_236, %dma_wait3A_237] : memref<2x2048x1024xf32, #tpu.memory_space<vmem>> -> memref<1x512x1024xf32, #tpu.memory_space<vmem>>
      %dma_wait3A_239 = tpu.memref_squeeze %dma_wait3A_238 : memref<1x512x1024xf32, #tpu.memory_space<vmem>> -> memref<512x1024xf32, #tpu.memory_space<vmem>>
      tpu.wait_dma2 semaphore(%dma_wait3A_233 : memref<!tpu.dma_semaphore, #tpu.memory_space<semaphore_mem>>) src(%dma_wait3A_239 : memref<512x1024xf32, #tpu.memory_space<vmem>>) dst(%dma_wait3A_235 : memref<512x1024xf32, #tpu.memory_space<any>>)
      %mul3A_240 = arith.constant 2048 : i32
      %mul3A_241 = arith.muli %arg0, %mul3A_240 : i32
      %add3A_242 = arith.constant 1024 : i32
      %add3A_243 = arith.addi %mul3A_241, %add3A_242 : i32
      %dma_wait3A_244 = arith.constant 2 : i32
      %dma_wait3A_245 = tpu.memref_slice %arg6[%rem3A_0, %dma_wait3A_244] : memref<2x4x!tpu.dma_semaphore, #tpu.memory_space<semaphore_mem>> -> memref<1x1x!tpu.dma_semaphore, #tpu.memory_space<semaphore_mem>>
      %dma_wait3A_246 = tpu.memref_squeeze %dma_wait3A_245 : memref<1x1x!tpu.dma_semaphore, #tpu.memory_space<semaphore_mem>> -> memref<!tpu.dma_semaphore, #tpu.memory_space<semaphore_mem>>
      %dma_wait3A_247 = arith.constant 0 : i32
      %dma_wait3A_248 = tpu.memref_slice %arg4[%add3A_243, %dma_wait3A_247] : memref<100000x1024xf32, #tpu.memory_space<any>> -> memref<512x1024xf32, #tpu.memory_space<any>>
      %dma_wait3A_249 = arith.constant 1024 : i32
      %dma_wait3A_250 = arith.constant 0 : i32
      %dma_wait3A_251 = tpu.memref_slice %arg5[%rem3A_0, %dma_wait3A_249, %dma_wait3A_250] : memref<2x2048x1024xf32, #tpu.memory_space<vmem>> -> memref<1x512x1024xf32, #tpu.memory_space<vmem>>
      %dma_wait3A_252 = tpu.memref_squeeze %dma_wait3A_251 : memref<1x512x1024xf32, #tpu.memory_space<vmem>> -> memref<512x1024xf32, #tpu.memory_space<vmem>>
      tpu.wait_dma2 semaphore(%dma_wait3A_246 : memref<!tpu.dma_semaphore, #tpu.memory_space<semaphore_mem>>) src(%dma_wait3A_252 : memref<512x1024xf32, #tpu.memory_space<vmem>>) dst(%dma_wait3A_248 : memref<512x1024xf32, #tpu.memory_space<any>>)
      %mul3A_253 = arith.constant 2048 : i32
      %mul3A_254 = arith.muli %arg0, %mul3A_253 : i32
      %add3A_255 = arith.constant 1536 : i32
      %add3A_256 = arith.addi %mul3A_254, %add3A_255 : i32
      %dma_wait3A_257 = arith.constant 3 : i32
      %dma_wait3A_258 = tpu.memref_slice %arg6[%rem3A_0, %dma_wait3A_257] : memref<2x4x!tpu.dma_semaphore, #tpu.memory_space<semaphore_mem>> -> memref<1x1x!tpu.dma_semaphore, #tpu.memory_space<semaphore_mem>>
      %dma_wait3A_259 = tpu.memref_squeeze %dma_wait3A_258 : memref<1x1x!tpu.dma_semaphore, #tpu.memory_space<semaphore_mem>> -> memref<!tpu.dma_semaphore, #tpu.memory_space<semaphore_mem>>
      %dma_wait3A_260 = arith.constant 0 : i32
      %dma_wait3A_261 = tpu.memref_slice %arg4[%add3A_256, %dma_wait3A_260] : memref<100000x1024xf32, #tpu.memory_space<any>> -> memref<160x1024xf32, #tpu.memory_space<any>>
      %dma_wait3A_262 = arith.constant 1536 : i32
      %dma_wait3A_263 = arith.constant 0 : i32
      %dma_wait3A_264 = tpu.memref_slice %arg5[%rem3A_0, %dma_wait3A_262, %dma_wait3A_263] : memref<2x2048x1024xf32, #tpu.memory_space<vmem>> -> memref<1x160x1024xf32, #tpu.memory_space<vmem>>
      %dma_wait3A_265 = tpu.memref_squeeze %dma_wait3A_264 : memref<1x160x1024xf32, #tpu.memory_space<vmem>> -> memref<160x1024xf32, #tpu.memory_space<vmem>>
      tpu.wait_dma2 semaphore(%dma_wait3A_259 : memref<!tpu.dma_semaphore, #tpu.memory_space<semaphore_mem>>) src(%dma_wait3A_265 : memref<160x1024xf32, #tpu.memory_space<vmem>>) dst(%dma_wait3A_261 : memref<160x1024xf32, #tpu.memory_space<any>>)
    } else {
    }
    return
  }
  func.func @transform_0(%arg0: i32) -> (i32, i32) {
    %c0_i32 = arith.constant 0 : i32
    %c0_i32_0 = arith.constant 0 : i32
    return %c0_i32, %arg0 : i32, i32
  }
  func.func @transform_1(%arg0: i32) -> (i32, i32) {
    %c0_i32 = arith.constant 0 : i32
    %c0_i32_0 = arith.constant 0 : i32
    %c0_i32_1 = arith.constant 0 : i32
    return %c0_i32, %c0_i32_0 : i32, i32
  }
  func.func @transform_2(%arg0: i32) -> (i32, i32) {
    %c0_i32 = arith.constant 0 : i32
    %c0_i32_0 = arith.constant 0 : i32
    return %arg0, %c0_i32 : i32, i32
  }
}

</mosaic_0001>

<sc_bundles>
// kernel: kernel.4.cloned.1.call-start
scs
__scs_entry_jumppad:
0x0: {  	(pc) =	sbr.rel $0x88, $3  }
0x1: {  	(tag) =	ssettag $0x0;
	lr =	simm.s32 $0x1  }
0x2: {  	[smem:$0x3F9D] =	sst lr;
	_ =	strace $0xD0000000  }
0x3: {  	_ = 	snop  }
0x4: {  	_ = 	snop  }
0x5: {  	_ = 	snop  }
0x6: {  	_ = 	snop  }
0x7: {  	_ = 	snop  }
__scs_overlays_trampoline_lowered:
0x8: {  	[smem:$0x3FAC] =	sst s0  }
0x9: {  	[smem:$0x3FAD] =	sst s1  }
0xa: {  	[smem:$0x3FAE] =	sst s2  }
0xb: {  	[smem:$0x3FAF] =	sst s3  }
0xc: {  	[smem:$0x3FB0] =	sst s4  }
0xd: {  	[smem:$0x3FB1] =	sst s5  }
0xe: {  	[smem:$0x3FB2] =	sst s6  }
0xf: {  	[smem:$0x3FB3] =	sst s7  }
0x10: {  	[smem:$0x3FB4] =	sst s8  }
0x11: {  	[smem:$0x3FB5] =	sst s9;
	s0 =	simm.s32 @!p0 $0x0  }
0x12: {  	s1 =	sld [smem:$0x3F9B];
	s0 =	simm.s32 @p0 $0x1  }
0x13: {  	[smem:$0x3FB6] =	sst s0;
	s0 =	simm.s32 @!p1 $0x0  }
0x14: {  	s2 =	sld [smem:$0x3F9A];
	s0 =	simm.s32 @p1 $0x1  }
0x15: {  	[smem:$0x3FB7] =	sst s0;
	s0 =	simm.s32 @!p2 $0x0  }
0x16: {  	s3 =	sld [smem:$0x3FDB];
	s0 =	simm.s32 @p2 $0x1  }
0x17: {  	s4 =	simm.s32 $0x1BF5;
	[smem:$0x3FB9] =	sst s0  }
0x18: {  	s0 =	sld [smem:$0x3F9C];
	_ =	swait.ge [sflag:s4], $0x0  }
0x19: {  	s7 =	sld [smem:$0x3F9D]  }
0x1a: {  	s8 =	sadd.s32 $0xFFFFE003, lr  }
0x1b: {  	s9 =	sadd.s32 $0xFFFFFEF7, lr;
	s5 =	simm.s32 $0xFFFFFFFF;
	p2 =	slt.u32 s8, $0xFFFFF086  }
0x1c: {  	p1 =	slt.u32 s9, $0xF7A;
	s5 =	simm.s32 @!p2 $0x0  }
0x1d: {  	s5 =	simm.s32 @p1 $0x1;
	p0 =	seq.s32 s7, s2  }
0x1e: {  	s7 =	smul.u32 @!p0 $0xF7A, s2;
	p2 =	seq.s32 @!p0 s5, $0x0  }
0x1f: {  	s9 =	smul.u32 $0xF7A, s1;
	s8 =	simm.s32 @!p0 $0x1BF5;
	p2 =	por !p2, p0  }
0x20: {  	[sflag:s8] =	ssyncset.s32 @!p0 $0xFFFFF086;
	s6 =	sadd.s32 @!p0 s3, s7;
	s7 =	simm.s32 @!p0 $0x108  }
0x21: {  	s3 =	sadd.s32 s3, s9;
	s6 =	sadd.s32 @!p0 $0x88, s6;
	s7 =	simm.s32 @p2 $0x1082  }
0x22: {  	[simem:s7], [sflag:s8] =	dma.local @!p0 [hbm:s6], $0xF7A  }
0x23: {  	s9 =	sor.u32 $0xD0000000, s2;
	s6 =	simm.s32 $0x108;
	_ =	swait.ge @!p0 [sflag:s8], $0x0  }
0x24: {  	s3 =	sadd.s32 $0x88, s3;
	s6 =	simm.s32 @!p1 $0x1082;
	[sflag:s4] =	ssyncset.s32 $0xFFFFF086  }
0x25: {  	[simem:s6], [sflag:s4] =	dma.local [hbm:s3], $0xF7A  }
0x26: {  	[smem:$0x3F9D] =	sst s1;
	(tag) =	ssettag s2;
	_ =	strace s9  }
0x27: {  	s1 =	sld [smem:$0x3FAD]  }
0x28: {  	s2 =	sld [smem:$0x3FAE]  }
0x29: {  	s4 =	sld [smem:$0x3FB0]  }
0x2a: {  	p0 =	seq.s32 s5, $0x0;
	s5 =	sld [smem:$0x3FB1]  }
0x2b: {  	s6 =	sld [smem:$0x3FB2]  }
0x2c: {  	s7 =	sld [smem:$0x3FB3]  }
0x2d: {  	s3 =	simm.s32 $0x108;
	s8 =	sld [smem:$0x3FB4]  }
0x2e: {  	s3 =	simm.s32 @!p0 $0x1082;
	s9 =	sld [smem:$0x3FB5]  }
0x2f: {  	lr =	sadd.s32 s0, s3;
	s0 =	sld [smem:$0x3FAC]  }
0x30: {  	s3 =	sld [smem:$0x3FAF]  }
0x31: {  	[smem:$0x3FB8] =	sst s10  }
0x32: {  	s10 =	sld [smem:$0x3FB6];
	_ =	sdelay $0x3  }
0x33: {  	p0 =	seq.s32 s10, $0x1;
	s10 =	sld [smem:$0x3FB8];
	_ =	sdelay $0x3  }
0x34: {  	[smem:$0x3FB8] =	sst s10  }
0x35: {  	s10 =	sld [smem:$0x3FB7];
	_ =	sdelay $0x3  }
0x36: {  	p1 =	seq.s32 s10, $0x1;
	s10 =	sld [smem:$0x3FB8];
	_ =	sdelay $0x3  }
0x37: {  	[smem:$0x3FB8] =	sst s10  }
0x38: {  	s10 =	sld [smem:$0x3FB9]  }
0x39: {  	_ = 	snop;
	(pc) =	sbr.ind lr, $3  }
0x3a: {  	_ = 	snop  }
0x3b: {  	_ = 	snop  }
0x3c: {  	p2 =	seq.s32 s10, $0x1;
	s10 =	sld [smem:$0x3FB8]  }
0x3d: {  	_ =	shalt  }
0x3e: {  	_ =	shalt  }
0x3f: {  	_ =	shalt  }
0x40: {  	_ =	shalt  }
0x41: {  	_ =	shalt  }
0x42: {  	_ =	shalt  }
0x43: {  	_ =	shalt  }
0x44: {  	_ =	shalt  }
0x45: {  	_ =	shalt  }
0x46: {  	_ =	shalt  }
0x47: {  	_ =	shalt  }
0x48: {  	_ =	shalt  }
0x49: {  	_ =	shalt  }
0x4a: {  	_ =	shalt  }
0x4b: {  	_ =	shalt  }
0x4c: {  	_ =	shalt  }
0x4d: {  	_ =	shalt  }
0x4e: {  	_ =	shalt  }
0x4f: {  	_ =	shalt  }
0x50: {  	_ =	shalt  }
0x51: {  	_ =	shalt  }
0x52: {  	_ =	shalt  }
0x53: {  	_ =	shalt  }
0x54: {  	_ =	shalt  }
0x55: {  	_ =	shalt  }
0x56: {  	_ =	shalt  }
0x57: {  	_ =	shalt  }
0x58: {  	_ =	shalt  }
0x59: {  	_ =	shalt  }
0x5a: {  	_ =	shalt  }
0x5b: {  	_ =	shalt  }
0x5c: {  	_ =	shalt  }
0x5d: {  	_ =	shalt  }
0x5e: {  	_ =	shalt  }
0x5f: {  	_ =	shalt  }
0x60: {  	_ =	shalt  }
0x61: {  	_ =	shalt  }
0x62: {  	_ =	shalt  }
0x63: {  	_ =	shalt  }
0x64: {  	_ =	shalt  }
0x65: {  	_ =	shalt  }
0x66: {  	_ =	shalt  }
0x67: {  	_ =	shalt  }
0x68: {  	_ =	shalt  }
0x69: {  	_ =	shalt  }
0x6a: {  	_ =	shalt  }
0x6b: {  	_ =	shalt  }
0x6c: {  	_ =	shalt  }
0x6d: {  	_ =	shalt  }
0x6e: {  	_ =	shalt  }
0x6f: {  	_ =	shalt  }
0x70: {  	_ =	shalt  }
0x71: {  	_ =	shalt  }
0x72: {  	_ =	shalt  }
0x73: {  	_ =	shalt  }
0x74: {  	_ =	shalt  }
0x75: {  	_ =	shalt  }
0x76: {  	_ =	shalt  }
0x77: {  	_ =	shalt  }
0x78: {  	_ =	shalt  }
0x79: {  	_ =	shalt  }
0x7a: {  	_ =	shalt  }
0x7b: {  	_ =	shalt  }
0x7c: {  	_ =	shalt  }
0x7d: {  	_ =	shalt  }
0x7e: {  	_ =	shalt  }
0x7f: {  	_ =	shalt  }
0x80: {  	_ =	shalt  }
0x81: {  	_ =	shalt  }
0x82: {  	_ =	shalt  }
0x83: {  	_ =	shalt  }
0x84: {  	_ =	shalt  }
0x85: {  	_ =	shalt  }
0x86: {  	_ =	shalt  }
0x87: {  	_ =	shalt  }
.Lfunc_end0:
.L_simem_size_0:
called_computation_lowered:
.L_overlay_start_0:
0x88: {  	s2 =	sld [smem:$0x3FD9]  }
0x89: {  	s3 =	sld [smem:$0x3FFE];
	_ =	sdelay $0x1  }
0x8a: {  	s1 =	srdreg.scid  }
0x8b: {  	s0 =	sand.u32 $0x1, s1  }
0x8c: {  	s17 =	sshll.u32 s0, $0xA;
	s2 =	sadd.s32 s3, s2  }
0x8d: {  	s2 =	sadd.s32 s2, s17  }
0x8e: {  	[smem:$0x3FC4] =	sst s2  }
0x8f: {  	_ = 	snop  }
0x90: {  	s2 =	sld [smem:$0x3FD0];
	(tm) =	ssettm $0x1  }
0x91: {  	s18 =	sld [smem:$0x3FFB];
	_ =	sdelay $0x3  }
0x92: {  	_ =	strace s18  }
0x93: {  	s3 =	sld [smem:$0x3FFC];
	_ =	sdelay $0x3  }
0x94: {  	_ =	strace s3  }
0x95: {  	s3 =	sld [smem:$0x3FFD];
	_ =	sdelay $0x3  }
0x96: {  	_ =	strace s3  }
0x97: {  	_ =	strace $0x8FFFFFFF  }
0x98: {  	s19 =	sld [smem:$0x3FDB];
	_ =	sdelay $0x1  }
0x99: {  	s4 =	simm.s32 $_scs_section_size  }
0x9a: {  	s5 =	simm.s32 $_size__tile_overlayer_lowered;
	s6 =	simm.s32 $_tile_overlayer_lowered  }
0x9b: {  	s22 =	simm.s32 $0x1BFF;
	s21 =	sshll.u32 s6, $0x1;
	s3 =	sadd.s32 s4, s19  }
0x9c: {  	s7 =	simm.s32 $0x0;
	s20 =	sshll.u32 s5, $0x1;
	s5 =	sadd.s32 s21, s3  }
0x9d: {  	[timem:s7], [sflag:s22] =	dma.local [hbm:s5], s20  }
0x9e: {  	_ =	swait.ge [sflag:s22], s20  }
0x9f: {  	s4 =	ssub.s32 $0x0, s20;
	[sflag:s22] =	ssyncset.done $0x0  }
0xa0: {  	[sflag:s22] =	ssyncadd.s32 s4;
	_ =	sdelay $0x1  }
0xa1: {  	s23 =	simm.s32 $0x1B8B  }
0xa2: {  	_ =	swait.ge [sflag:s23], $0x1  }
0xa3: {  	[sflag:s23] =	ssyncset.done $0x0  }
0xa4: {  	s25 =	simm.s32 $0x1B8E;
	s24 =	sld [smem:$0x3FFE];
	[sflag:s23] =	ssyncadd.s32 $0xFFFFFFFF  }
0xa5: {  	s26 =	simm.s32 $execute0_lowered;
	[smem:$0x3FD2] =	sst s25  }
0xa6: {  	s5 =	sshll.u32 s26, $0x1;
	_ =	strace $0x80000046;
	[dreg:$0x1] =	wrdreg $0xFFFFFFFF  }
0xa7: {  	s28 =	simm.s32 $_size_execute0_lowered;
	s3 =	sadd.s32 s3, s5;
	[dreg:$0x0] =	wrdreg $0x0  }
0xa8: {  	s5 =	sshll.u32 s28, $0x1;
	[dreg:$0x2] =	wrdreg s3  }
0xa9: {  	[dreg:$0x3] =	wrdreg s5  }
0xaa: {  	[dreg:$0x4] =	wrdreg $0xC0  }
0xab: {  	_ =	task [dreg:s7], $0x5FFFF  }
0xac: {  	[dreg:$0x1] =	wrdreg $0xFFFFFFFF  }
0xad: {  	[dreg:$0x0] =	wrdreg $0x60  }
0xae: {  	[dreg:$0x2] =	wrdreg s24  }
0xaf: {  	[dreg:$0x3] =	wrdreg s2  }
0xb0: {  	[dreg:$0x4] =	wrdreg $0x9  }
0xb1: {  	_ =	task.clear_ibuf [dreg:s7], $0x5FFFF;
	_ =	strace $0x90000046  }
0xb2: {  	s29 =	simm.s32 $0x9;
	_ =	strace $0x80000048  }
0xb3: {  	_ =	swait.ge [sflag:s29], $0x1  }
0xb4: {  	[sflag:s29] =	ssyncadd.s32 $0xFFFFFFFF  }
0xb5: {  	_ =	strace $0x90000048  }
0xb6: {  	_ =	sfence  }
0xb7: {  	s30 =	sld [smem:$0x0];
	_ =	sdelay $0x2  }
0xb8: {  	s31 =	sshll.u32 s1, $0xD;
	s1 =	sshrl.u32 s1, $0x2  }
0xb9: {  	s3 =	sand.u32 $0x4000, s31;
	s1 =	sadd.s32 s1, s30  }
0xba: {  	s0 =	sor.u32 s3, s0;
	s1 =	sshll.u32 s1, $0x11  }
0xbb: {  	s0 =	sor.u32 s1, s0  }
0xbc: {  	s0 =	sadd.s32 $0x8F2B, s0  }
0xbd: {  	[sflag:s0] =	ssyncadd.remote.s32 $0x1  }
0xbe: {  	_ =	sfence.sel $0xFFFF  }
0xbf: {  	[dreg:$0x0] =	wrdreg $0xFFFFFFFF;
	(pc) =	sbr.abs _section_cstart, $3  }
0xc0: {  	[dreg:$0x1] =	wrdreg $0xFFFFFFFF  }
0xc1: {  	_ =	task.clear_ibuf [dreg:s7], $0x2FFFF;
	_ =	strace $0x9FFFFFFF  }
0xc2: {  	(tm) =	ssettm $0x7FFFFFFF  }
0xc3: {  	_ =	shalt  }
tec
execute0_lowered:
.L_overlay_start_1:
0x0: {  	(tag) =	ssettag $0x1  }
0x1: {  	s0 =	rddreg [dreg:$0x0]  }
0x2: {  	s1 =	srdreg.scid;
	s2 =	stileid.u32  }
0x3: {  	s5 =	rddreg [dreg:$0x1];
	s7 =	simm.s32 $0x2;
	s8 =	simm.s32 $0x80  }
0x4: {  	s9 =	simm.s32 $0x640;
	s22 =	simm.s32 $0xE640;
	s23 =	simm.s32 $0x400  }
0x5: {  	s24 =	simm.s32 $0x10640;
	s28 =	simm.s32 $0x500;
	s29 =	simm.s32 $0x14640  }
0x6: {  	s30 =	simm.s32 $0x580;
	s31 =	simm.s32 $0x16640;
	s10 =	simm.s32 $0x18640  }
0x7: {  	s11 =	simm.s32 $0x1;
	s12 =	simm.s32 $0x19640;
	s13 =	simm.s32 $0x19C80  }
0x8: {  	s1 =	sand.u32 $0x1, s1;
	s3 =	sshll.u32 s2, $0x1;
	s2 =	simm.s32 $0x0  }
0x9: {  	s14 =	simm.s32 $0x0;
	s6 =	sor.u32 s1, s3;
	[smem:$0x7FF] =	sst s2  }
0xa: {  	s1 =	ssub.s32 $0x2, s1;
	s3 =	smul.u32 $0xC8, s6;
	s26 =	sshll.u32 s6, $0x8  }
0xb: {  	_ =	strace $0x80000047;
	s25 =	sshrl.u32 s1, $0x1;
	s5 =	sadd.s32 s5, s26  }
0xc: {  	s26 =	simm.s32 $0x12640;
	s4 =	sadd.s32 s3, s0;
	s3 =	sadd.s32 $0x2000, s0  }
0xd: {  	v0 =	vlaneseq.u32;
	s0 =	ssub.s32 s1, s25;
	s25 =	simm.s32 $0x480;
	s1 =	simm.s32 $0x40  }
0xe: {  	v0 =	vmul.u32 $0x40, v0;
	s4 =	sadd.s32 $0x600, s4;
	s6 =	smax.u32 s0, $0x1;
	s0 =	simm.s32 $0x600  }
.LBB2_1:
0xf: {  	[tilespmem:s2], [sflag:$0x2] =	stream.linear.gather [hbm4b:s4+s2], $0x640, $0x38;
	[tilespmem:$0x1A480] =	vst v63  }
0x10: {  	_ =	swait.ge [sflag:s7], $0x640  }
0x11: {  	[sflag:s7] =	ssyncset.done $0x0  }
0x12: {  	[sflag:s7] =	ssyncadd.s32 $0xFFFFF9C0  }
0x13: {  	[tilespmem:s9], [sflag:$0x1] =	stream.indirect.gather [hbm4b:s3+s8], $0x40, s2, s8, $0xb8;
	[tilespmem:$0x1A480] =	vst v63  }
0x14: {  	s15 =	simm.s32 $0x2640  }
0x15: {  	[tilespmem:s15], [sflag:$0x1] =	stream.indirect.gather [hbm4b:s3+s8], $0x40, s8, s8, $0xb8;
	[tilespmem:$0x1A480] =	vst v63  }
0x16: {  	s21 =	simm.s32 $0x100;
	s16 =	simm.s32 $0x4640  }
0x17: {  	[tilespmem:s16], [sflag:$0x1] =	stream.indirect.gather [hbm4b:s3+s8], $0x40, s21, s8, $0xb8;
	[tilespmem:$0x1A480] =	vst v63  }
0x18: {  	s17 =	simm.s32 $0x6640;
	s16 =	simm.s32 $0x180  }
0x19: {  	[tilespmem:s17], [sflag:$0x1] =	stream.indirect.gather [hbm4b:s3+s8], $0x40, s16, s8, $0xb8;
	[tilespmem:$0x1A480] =	vst v63  }
0x1a: {  	s18 =	simm.s32 $0x200;
	s19 =	simm.s32 $0x8640  }
0x1b: {  	[tilespmem:s19], [sflag:$0x1] =	stream.indirect.gather [hbm4b:s3+s8], $0x40, s18, s8, $0xb8;
	[tilespmem:$0x1A480] =	vst v63  }
0x1c: {  	s20 =	simm.s32 $0x280;
	s21 =	simm.s32 $0xA640  }
0x1d: {  	[tilespmem:s21], [sflag:$0x1] =	stream.indirect.gather [hbm4b:s3+s8], $0x40, s20, s8, $0xb8;
	[tilespmem:$0x1A480] =	vst v63  }
0x1e: {  	s16 =	simm.s32 $0x300;
	s17 =	simm.s32 $0xC640  }
0x1f: {  	[tilespmem:s17], [sflag:$0x1] =	stream.indirect.gather [hbm4b:s3+s8], $0x40, s16, s8, $0xb8;
	[tilespmem:$0x1A480] =	vst v63  }
0x20: {  	s18 =	simm.s32 $0x380  }
0x21: {  	[tilespmem:s22], [sflag:$0x1] =	stream.indirect.gather [hbm4b:s3+s8], $0x40, s18, s8, $0xb8;
	[tilespmem:$0x1A480] =	vst v63  }
0x22: {  	_ = 	snop  }
0x23: {  	[tilespmem:s24], [sflag:$0x1] =	stream.indirect.gather [hbm4b:s3+s8], $0x40, s23, s8, $0xb8;
	[tilespmem:$0x1A480] =	vst v63  }
0x24: {  	_ = 	snop  }
0x25: {  	[tilespmem:s26], [sflag:$0x1] =	stream.indirect.gather [hbm4b:s3+s8], $0x40, s25, s8, $0xb8;
	[tilespmem:$0x1A480] =	vst v63  }
0x26: {  	_ = 	snop  }
0x27: {  	[tilespmem:s29], [sflag:$0x1] =	stream.indirect.gather [hbm4b:s3+s8], $0x40, s28, s8, $0xb8;
	[tilespmem:$0x1A480] =	vst v63  }
0x28: {  	_ = 	snop  }
0x29: {  	[tilespmem:s31], [sflag:$0x1] =	stream.indirect.gather [hbm4b:s3+s8], $0x40, s30, s8, $0xb8;
	[tilespmem:$0x1A480] =	vst v63  }
0x2a: {  	_ = 	snop  }
0x2b: {  	[tilespmem:s10], [sflag:$0x1] =	stream.indirect.gather [hbm4b:s3+s1], $0x40, s0, s1, $0xb8;
	[tilespmem:$0x1A480] =	vst v63  }
0x2c: {  	_ =	swait.ge [sflag:s11], $0x2000  }
0x2d: {  	[sflag:s11] =	ssyncset.done $0x0  }
0x2e: {  	[sflag:s11] =	ssyncadd.s32 $0xFFFFE000  }
0x2f: {  	_ =	swait.ge [sflag:s11], $0x2000  }
0x30: {  	[sflag:s11] =	ssyncset.done $0x0  }
0x31: {  	[sflag:s11] =	ssyncadd.s32 $0xFFFFE000  }
0x32: {  	_ =	swait.ge [sflag:s11], $0x2000  }
0x33: {  	[sflag:s11] =	ssyncset.done $0x0  }
0x34: {  	[sflag:s11] =	ssyncadd.s32 $0xFFFFE000  }
0x35: {  	_ =	swait.ge [sflag:s11], $0x2000  }
0x36: {  	[sflag:s11] =	ssyncset.done $0x0  }
0x37: {  	[sflag:s11] =	ssyncadd.s32 $0xFFFFE000  }
0x38: {  	_ =	swait.ge [sflag:s11], $0x2000  }
0x39: {  	[sflag:s11] =	ssyncset.done $0x0  }
0x3a: {  	[sflag:s11] =	ssyncadd.s32 $0xFFFFE000  }
0x3b: {  	_ =	swait.ge [sflag:s11], $0x2000  }
0x3c: {  	[sflag:s11] =	ssyncset.done $0x0  }
0x3d: {  	[sflag:s11] =	ssyncadd.s32 $0xFFFFE000  }
0x3e: {  	_ =	swait.ge [sflag:s11], $0x2000  }
0x3f: {  	[sflag:s11] =	ssyncset.done $0x0  }
0x40: {  	[sflag:s11] =	ssyncadd.s32 $0xFFFFE000  }
0x41: {  	_ =	swait.ge [sflag:s11], $0x2000  }
0x42: {  	[sflag:s11] =	ssyncset.done $0x0  }
0x43: {  	[sflag:s11] =	ssyncadd.s32 $0xFFFFE000  }
0x44: {  	_ =	swait.ge [sflag:s11], $0x2000  }
0x45: {  	[sflag:s11] =	ssyncset.done $0x0  }
0x46: {  	[sflag:s11] =	ssyncadd.s32 $0xFFFFE000  }
0x47: {  	_ =	swait.ge [sflag:s11], $0x2000  }
0x48: {  	[sflag:s11] =	ssyncset.done $0x0  }
0x49: {  	[sflag:s11] =	ssyncadd.s32 $0xFFFFE000  }
0x4a: {  	_ =	swait.ge [sflag:s11], $0x2000  }
0x4b: {  	s19 =	simm.s32 $0x0;
	[sflag:s11] =	ssyncset.done $0x0  }
0x4c: {  	v1 =	vmov s19;
	[sflag:s11] =	ssyncadd.s32 $0xFFFFE000  }
0x4d: {  	v1 =	vshll.u32 v1, $0x6;
	_ =	swait.ge [sflag:s11], $0x2000  }
0x4e: {  	v1 =	vor.u32 v0, v1;
	[sflag:s11] =	ssyncset.done $0x0  }
0x4f: {  	v2 =	vor.u32 $0x1, v1;
	[sflag:s11] =	ssyncadd.s32 $0xFFFFE000  }
0x50: {  	_ =	swait.ge [sflag:s11], $0x1000  }
0x51: {  	v3 =	vor.u32 $0x2, v1;
	[sflag:s11] =	ssyncset.done $0x0  }
0x52: {  	[sflag:s11] =	ssyncadd.s32 $0xFFFFF000  }
0x53: {  	v4 =	vor.u32 $0x3, v1;
	v5 =	vld.idx.msk [tilespmem:v1+s9+$0x0], $0xffff  }
0x54: {  	v2 =	vld.idx.msk [tilespmem:v2+s9+$0x0], $0xffff  }
0x55: {  	v6 =	vor.u32 $0x4, v1  }
0x56: {  	v3 =	vld.idx.msk [tilespmem:v3+s9+$0x0], $0xffff  }
0x57: {  	v7 =	vor.u32 $0x5, v1  }
0x58: {  	v4 =	vld.idx.msk [tilespmem:v4+s9+$0x0], $0xffff  }
0x59: {  	v8 =	vor.u32 $0x6, v1;
	v5 =	vmul.f32 v5, v5;
	v2 =	vmul.f32 v2, v2  }
0x5a: {  	v6 =	vld.idx.msk [tilespmem:v6+s9+$0x0], $0xffff  }
0x5b: {  	v9 =	vor.u32 $0x7, v1;
	v3 =	vmul.f32 v3, v3;
	v2 =	vadd.f32 v2, v5  }
0x5c: {  	v5 =	vld.idx.msk [tilespmem:v7+s9+$0x0], $0xffff  }
0x5d: {  	v7 =	vor.u32 $0x8, v1;
	v2 =	vadd.f32 v3, v2;
	v3 =	vmul.f32 v4, v4  }
0x5e: {  	v4 =	vld.idx.msk [tilespmem:v8+s9+$0x0], $0xffff  }
0x5f: {  	v8 =	vor.u32 $0x9, v1;
	v2 =	vadd.f32 v3, v2;
	v3 =	vmul.f32 v6, v6  }
0x60: {  	v6 =	vld.idx.msk [tilespmem:v9+s9+$0x0], $0xffff  }
0x61: {  	v27 =	vor.u32 $0xA, v1;
	v2 =	vadd.f32 v3, v2;
	v3 =	vmul.f32 v5, v5  }
0x62: {  	v5 =	vld.idx.msk [tilespmem:v7+s9+$0x0], $0xffff  }
0x63: {  	v7 =	vor.u32 $0xB, v1;
	v2 =	vadd.f32 v3, v2;
	v3 =	vmul.f32 v4, v4  }
0x64: {  	v4 =	vld.idx.msk [tilespmem:v8+s9+$0x0], $0xffff  }
0x65: {  	v8 =	vor.u32 $0xC, v1;
	v2 =	vadd.f32 v3, v2;
	v3 =	vmul.f32 v6, v6  }
0x66: {  	v6 =	vld.idx.msk [tilespmem:v27+s9+$0x0], $0xffff  }
0x67: {  	v28 =	vor.u32 $0xD, v1;
	v2 =	vadd.f32 v3, v2;
	v3 =	vmul.f32 v5, v5  }
0x68: {  	v5 =	vld.idx.msk [tilespmem:v7+s9+$0x0], $0xffff  }
0x69: {  	v7 =	vor.u32 $0xE, v1;
	v2 =	vadd.f32 v3, v2;
	v3 =	vmul.f32 v4, v4  }
0x6a: {  	v4 =	vld.idx.msk [tilespmem:v8+s9+$0x0], $0xffff  }
0x6b: {  	v8 =	vor.u32 $0xF, v1;
	v2 =	vadd.f32 v3, v2;
	v3 =	vmul.f32 v6, v6  }
0x6c: {  	v6 =	vld.idx.msk [tilespmem:v28+s9+$0x0], $0xffff  }
0x6d: {  	v29 =	vor.u32 $0x10, v1;
	v2 =	vadd.f32 v3, v2;
	v3 =	vmul.f32 v5, v5  }
0x6e: {  	v5 =	vld.idx.msk [tilespmem:v7+s9+$0x0], $0xffff  }
0x6f: {  	v7 =	vor.u32 $0x11, v1;
	v2 =	vadd.f32 v3, v2;
	v3 =	vmul.f32 v4, v4  }
0x70: {  	v4 =	vld.idx.msk [tilespmem:v8+s9+$0x0], $0xffff  }
0x71: {  	v8 =	vor.u32 $0x12, v1;
	v2 =	vadd.f32 v3, v2;
	v3 =	vmul.f32 v6, v6  }
0x72: {  	v6 =	vld.idx.msk [tilespmem:v29+s9+$0x0], $0xffff  }
0x73: {  	v30 =	vor.u32 $0x13, v1;
	v2 =	vadd.f32 v3, v2;
	v3 =	vmul.f32 v5, v5  }
0x74: {  	v5 =	vld.idx.msk [tilespmem:v7+s9+$0x0], $0xffff  }
0x75: {  	v7 =	vor.u32 $0x14, v1;
	v2 =	vadd.f32 v3, v2;
	v3 =	vmul.f32 v4, v4  }
0x76: {  	v4 =	vld.idx.msk [tilespmem:v8+s9+$0x0], $0xffff  }
0x77: {  	v8 =	vor.u32 $0x15, v1;
	v2 =	vadd.f32 v3, v2;
	v3 =	vmul.f32 v6, v6  }
0x78: {  	v6 =	vld.idx.msk [tilespmem:v30+s9+$0x0], $0xffff  }
0x79: {  	v31 =	vor.u32 $0x16, v1;
	v2 =	vadd.f32 v3, v2;
	v3 =	vmul.f32 v5, v5  }
0x7a: {  	v5 =	vld.idx.msk [tilespmem:v7+s9+$0x0], $0xffff  }
0x7b: {  	v7 =	vor.u32 $0x17, v1;
	v2 =	vadd.f32 v3, v2;
	v3 =	vmul.f32 v4, v4  }
0x7c: {  	v4 =	vld.idx.msk [tilespmem:v8+s9+$0x0], $0xffff  }
0x7d: {  	v8 =	vor.u32 $0x18, v1;
	v2 =	vadd.f32 v3, v2;
	v3 =	vmul.f32 v6, v6  }
0x7e: {  	v6 =	vld.idx.msk [tilespmem:v31+s9+$0x0], $0xffff  }
0x7f: {  	v32 =	vor.u32 $0x19, v1;
	v2 =	vadd.f32 v3, v2;
	v3 =	vmul.f32 v5, v5  }
0x80: {  	v5 =	vld.idx.msk [tilespmem:v7+s9+$0x0], $0xffff  }
0x81: {  	v7 =	vor.u32 $0x1A, v1;
	v2 =	vadd.f32 v3, v2;
	v3 =	vmul.f32 v4, v4  }
0x82: {  	v4 =	vld.idx.msk [tilespmem:v8+s9+$0x0], $0xffff  }
0x83: {  	v8 =	vor.u32 $0x1B, v1;
	v2 =	vadd.f32 v3, v2;
	v3 =	vmul.f32 v6, v6  }
0x84: {  	v6 =	vld.idx.msk [tilespmem:v32+s9+$0x0], $0xffff  }
0x85: {  	v33 =	vor.u32 $0x1C, v1;
	v2 =	vadd.f32 v3, v2;
	v3 =	vmul.f32 v5, v5  }
0x86: {  	v5 =	vld.idx.msk [tilespmem:v7+s9+$0x0], $0xffff  }
0x87: {  	v7 =	vor.u32 $0x1D, v1;
	v2 =	vadd.f32 v3, v2;
	v3 =	vmul.f32 v4, v4  }
0x88: {  	v4 =	vld.idx.msk [tilespmem:v8+s9+$0x0], $0xffff  }
0x89: {  	v8 =	vor.u32 $0x1E, v1;
	v2 =	vadd.f32 v3, v2;
	v3 =	vmul.f32 v6, v6  }
0x8a: {  	v6 =	vld.idx.msk [tilespmem:v33+s9+$0x0], $0xffff  }
0x8b: {  	v34 =	vor.u32 $0x1F, v1;
	v2 =	vadd.f32 v3, v2;
	v3 =	vmul.f32 v5, v5  }
0x8c: {  	v5 =	vld.idx.msk [tilespmem:v7+s9+$0x0], $0xffff  }
0x8d: {  	v7 =	vor.u32 $0x20, v1;
	v2 =	vadd.f32 v3, v2;
	v3 =	vmul.f32 v4, v4  }
0x8e: {  	v4 =	vld.idx.msk [tilespmem:v8+s9+$0x0], $0xffff  }
0x8f: {  	v8 =	vor.u32 $0x21, v1;
	v2 =	vadd.f32 v3, v2;
	v3 =	vmul.f32 v6, v6  }
0x90: {  	v6 =	vld.idx.msk [tilespmem:v34+s9+$0x0], $0xffff  }
0x91: {  	v35 =	vor.u32 $0x22, v1;
	v2 =	vadd.f32 v3, v2;
	v3 =	vmul.f32 v5, v5  }
0x92: {  	v5 =	vld.idx.msk [tilespmem:v7+s9+$0x0], $0xffff  }
0x93: {  	v7 =	vor.u32 $0x23, v1;
	v2 =	vadd.f32 v3, v2;
	v3 =	vmul.f32 v4, v4  }
0x94: {  	v4 =	vld.idx.msk [tilespmem:v8+s9+$0x0], $0xffff  }
0x95: {  	v8 =	vor.u32 $0x24, v1;
	v2 =	vadd.f32 v3, v2;
	v3 =	vmul.f32 v6, v6  }
0x96: {  	v6 =	vld.idx.msk [tilespmem:v35+s9+$0x0], $0xffff  }
0x97: {  	v36 =	vor.u32 $0x25, v1;
	v2 =	vadd.f32 v3, v2;
	v3 =	vmul.f32 v5, v5  }
0x98: {  	v5 =	vld.idx.msk [tilespmem:v7+s9+$0x0], $0xffff  }
0x99: {  	v7 =	vor.u32 $0x26, v1;
	v2 =	vadd.f32 v3, v2;
	v3 =	vmul.f32 v4, v4  }
0x9a: {  	v4 =	vld.idx.msk [tilespmem:v8+s9+$0x0], $0xffff  }
0x9b: {  	v8 =	vor.u32 $0x27, v1;
	v2 =	vadd.f32 v3, v2;
	v3 =	vmul.f32 v6, v6  }
0x9c: {  	v6 =	vld.idx.msk [tilespmem:v36+s9+$0x0], $0xffff  }
0x9d: {  	v37 =	vor.u32 $0x28, v1;
	v2 =	vadd.f32 v3, v2;
	v3 =	vmul.f32 v5, v5  }
0x9e: {  	v5 =	vld.idx.msk [tilespmem:v7+s9+$0x0], $0xffff  }
0x9f: {  	v7 =	vor.u32 $0x29, v1;
	v2 =	vadd.f32 v3, v2;
	v3 =	vmul.f32 v4, v4  }
0xa0: {  	v4 =	vld.idx.msk [tilespmem:v8+s9+$0x0], $0xffff  }
0xa1: {  	v8 =	vor.u32 $0x2A, v1;
	v2 =	vadd.f32 v3, v2;
	v3 =	vmul.f32 v6, v6  }
0xa2: {  	v6 =	vld.idx.msk [tilespmem:v37+s9+$0x0], $0xffff  }
0xa3: {  	v38 =	vor.u32 $0x2B, v1;
	v2 =	vadd.f32 v3, v2;
	v3 =	vmul.f32 v5, v5  }
0xa4: {  	v5 =	vld.idx.msk [tilespmem:v7+s9+$0x0], $0xffff  }
0xa5: {  	v7 =	vor.u32 $0x2C, v1;
	v2 =	vadd.f32 v3, v2;
	v3 =	vmul.f32 v4, v4  }
0xa6: {  	v4 =	vld.idx.msk [tilespmem:v8+s9+$0x0], $0xffff  }
0xa7: {  	v8 =	vor.u32 $0x2D, v1;
	v2 =	vadd.f32 v3, v2;
	v3 =	vmul.f32 v6, v6  }
0xa8: {  	v6 =	vld.idx.msk [tilespmem:v38+s9+$0x0], $0xffff  }
0xa9: {  	v39 =	vor.u32 $0x2E, v1;
	v2 =	vadd.f32 v3, v2;
	v3 =	vmul.f32 v5, v5  }
0xaa: {  	v5 =	vld.idx.msk [tilespmem:v7+s9+$0x0], $0xffff  }
0xab: {  	v7 =	vor.u32 $0x2F, v1;
	v2 =	vadd.f32 v3, v2;
	v3 =	vmul.f32 v4, v4  }
0xac: {  	v4 =	vld.idx.msk [tilespmem:v8+s9+$0x0], $0xffff  }
0xad: {  	v8 =	vor.u32 $0x30, v1;
	v2 =	vadd.f32 v3, v2;
	v3 =	vmul.f32 v6, v6  }
0xae: {  	v6 =	vld.idx.msk [tilespmem:v39+s9+$0x0], $0xffff  }
0xaf: {  	v40 =	vor.u32 $0x31, v1;
	v2 =	vadd.f32 v3, v2;
	v3 =	vmul.f32 v5, v5  }
0xb0: {  	v5 =	vld.idx.msk [tilespmem:v7+s9+$0x0], $0xffff  }
0xb1: {  	v7 =	vor.u32 $0x32, v1;
	v2 =	vadd.f32 v3, v2;
	v3 =	vmul.f32 v4, v4  }
0xb2: {  	v4 =	vld.idx.msk [tilespmem:v8+s9+$0x0], $0xffff  }
0xb3: {  	v8 =	vor.u32 $0x33, v1;
	v2 =	vadd.f32 v3, v2;
	v3 =	vmul.f32 v6, v6  }
0xb4: {  	v6 =	vld.idx.msk [tilespmem:v40+s9+$0x0], $0xffff  }
0xb5: {  	v41 =	vor.u32 $0x34, v1;
	v2 =	vadd.f32 v3, v2;
	v3 =	vmul.f32 v5, v5  }
0xb6: {  	v5 =	vld.idx.msk [tilespmem:v7+s9+$0x0], $0xffff  }
0xb7: {  	v7 =	vor.u32 $0x35, v1;
	v2 =	vadd.f32 v3, v2;
	v3 =	vmul.f32 v4, v4  }
0xb8: {  	v4 =	vld.idx.msk [tilespmem:v8+s9+$0x0], $0xffff  }
0xb9: {  	v8 =	vor.u32 $0x36, v1;
	v2 =	vadd.f32 v3, v2;
	v3 =	vmul.f32 v6, v6  }
0xba: {  	v6 =	vld.idx.msk [tilespmem:v41+s9+$0x0], $0xffff  }
0xbb: {  	v42 =	vor.u32 $0x37, v1;
	v2 =	vadd.f32 v3, v2;
	v3 =	vmul.f32 v5, v5  }
0xbc: {  	v5 =	vld.idx.msk [tilespmem:v7+s9+$0x0], $0xffff  }
0xbd: {  	v7 =	vor.u32 $0x38, v1;
	v2 =	vadd.f32 v3, v2;
	v3 =	vmul.f32 v4, v4  }
0xbe: {  	v4 =	vld.idx.msk [tilespmem:v8+s9+$0x0], $0xffff  }
0xbf: {  	v8 =	vor.u32 $0x39, v1;
	v2 =	vadd.f32 v3, v2;
	v3 =	vmul.f32 v6, v6  }
0xc0: {  	v6 =	vld.idx.msk [tilespmem:v42+s9+$0x0], $0xffff  }
0xc1: {  	v43 =	vor.u32 $0x3A, v1;
	v2 =	vadd.f32 v3, v2;
	v3 =	vmul.f32 v5, v5  }
0xc2: {  	v5 =	vld.idx.msk [tilespmem:v7+s9+$0x0], $0xffff  }
0xc3: {  	v7 =	vor.u32 $0x3B, v1;
	v2 =	vadd.f32 v3, v2;
	v3 =	vmul.f32 v4, v4  }
0xc4: {  	v4 =	vld.idx.msk [tilespmem:v8+s9+$0x0], $0xffff  }
0xc5: {  	v8 =	vor.u32 $0x3C, v1;
	v2 =	vadd.f32 v3, v2;
	v3 =	vmul.f32 v6, v6  }
0xc6: {  	v6 =	vld.idx.msk [tilespmem:v43+s9+$0x0], $0xffff  }
0xc7: {  	v44 =	vor.u32 $0x3D, v1;
	v2 =	vadd.f32 v3, v2;
	v3 =	vmul.f32 v5, v5  }
0xc8: {  	v5 =	vld.idx.msk [tilespmem:v7+s9+$0x0], $0xffff  }
0xc9: {  	v7 =	vor.u32 $0x3E, v1;
	v2 =	vadd.f32 v3, v2;
	v3 =	vmul.f32 v4, v4  }
0xca: {  	v4 =	vld.idx.msk [tilespmem:v8+s9+$0x0], $0xffff  }
0xcb: {  	v1 =	vor.u32 $0x3F, v1;
	v2 =	vadd.f32 v3, v2;
	v3 =	vmul.f32 v6, v6  }
0xcc: {  	v6 =	vld.idx.msk [tilespmem:v44+s9+$0x0], $0xffff  }
0xcd: {  	v2 =	vadd.f32 v3, v2;
	v3 =	vmul.f32 v5, v5  }
0xce: {  	v5 =	vld.idx.msk [tilespmem:v7+s9+$0x0], $0xffff  }
0xcf: {  	v2 =	vadd.f32 v3, v2;
	v3 =	vmul.f32 v4, v4  }
0xd0: {  	v1 =	vld.idx.msk [tilespmem:v1+s9+$0x0], $0xffff  }
0xd1: {  	v2 =	vadd.f32 v3, v2;
	v3 =	vmul.f32 v6, v6;
	_ =	sdelay $0x1  }
0xd2: {  	v2 =	vadd.f32 v3, v2;
	v3 =	vmul.f32 v5, v5;
	_ =	sdelay $0x1  }
0xd3: {  	v1 =	vmul.f32 v1, v1;
	v2 =	vadd.f32 v3, v2;
	_ =	sdelay $0x1  }
0xd4: {  	v2 =	vadd.f32 v1, v2;
	_ =	sdelay $0x1  }
0xd5: {  	v1 =	vshra.s32 v2, $0x1;
	v3 =	vmul.f32 $5.000000000e-01, v2  }
0xd6: {  	v1 =	vsub.s32 $0x5F3759DF, v1  }
0xd7: {  	v4 =	vmul.f32 v1, v3;
	_ =	sdelay $0x1  }
0xd8: {  	v4 =	vmul.f32 v1, v4;
	_ =	sdelay $0x1  }
0xd9: {  	v4 =	vsub.f32 $1.500000000e+00, v4;
	_ =	sdelay $0x1  }
0xda: {  	v1 =	vmul.f32 v1, v4;
	_ =	sdelay $0x1  }
0xdb: {  	v3 =	vmul.f32 v1, v3;
	_ =	sdelay $0x1  }
0xdc: {  	v3 =	vmul.f32 v3, v1;
	_ =	sdelay $0x1  }
0xdd: {  	s20 =	simm.s32 $0x10;
	v3 =	vsub.f32 $1.500000000e+00, v3  }
0xde: {  	v4 =	vmov s20  }
0xdf: {  	v4 =	vshll.u32 v4, $0x6;
	v3 =	vmul.f32 v3, v1  }
0xe0: {  	v1 =	vor.u32 v0, v4  }
0xe1: {  	v4 =	vor.u32 $0x1, v1;
	v3 =	vmul.f32 $1.999999960e-02, v3  }
0xe2: {  	vm0 =	vgt.f32 v2, $1.000000000e+00  }
0xe3: {  	s15 =	simm.s32 $0x19650;
	v2 =	vor.u32 $0x2, v1;
	v3 =	vnsel vm0, $0x3CA3D70A, v3  }
0xe4: {  	[tilespmem:s15+$0xFFFFFFF0] =	vst v3  }
0xe5: {  	v3 =	vor.u32 $0x3, v1;
	v5 =	vld.idx.msk [tilespmem:v1+s9+$0x0], $0xffff  }
0xe6: {  	v4 =	vld.idx.msk [tilespmem:v4+s9+$0x0], $0xffff  }
0xe7: {  	v6 =	vor.u32 $0x4, v1  }
0xe8: {  	v2 =	vld.idx.msk [tilespmem:v2+s9+$0x0], $0xffff  }
0xe9: {  	v7 =	vor.u32 $0x5, v1  }
0xea: {  	v3 =	vld.idx.msk [tilespmem:v3+s9+$0x0], $0xffff  }
0xeb: {  	v8 =	vor.u32 $0x6, v1;
	v5 =	vmul.f32 v5, v5;
	v4 =	vmul.f32 v4, v4  }
0xec: {  	v6 =	vld.idx.msk [tilespmem:v6+s9+$0x0], $0xffff  }
0xed: {  	v45 =	vor.u32 $0x7, v1;
	v2 =	vmul.f32 v2, v2;
	v4 =	vadd.f32 v4, v5  }
0xee: {  	v5 =	vld.idx.msk [tilespmem:v7+s9+$0x0], $0xffff  }
0xef: {  	v7 =	vor.u32 $0x8, v1;
	v3 =	vmul.f32 v3, v3;
	v2 =	vadd.f32 v2, v4  }
0xf0: {  	v4 =	vld.idx.msk [tilespmem:v8+s9+$0x0], $0xffff  }
0xf1: {  	v6 =	vmul.f32 v6, v6;
	v8 =	vor.u32 $0x9, v1;
	v2 =	vadd.f32 v3, v2  }
0xf2: {  	v3 =	vld.idx.msk [tilespmem:v45+s9+$0x0], $0xffff  }
0xf3: {  	v46 =	vor.u32 $0xA, v1;
	v5 =	vmul.f32 v5, v5;
	v2 =	vadd.f32 v6, v2  }
0xf4: {  	v6 =	vld.idx.msk [tilespmem:v7+s9+$0x0], $0xffff  }
0xf5: {  	v7 =	vor.u32 $0xB, v1;
	v4 =	vmul.f32 v4, v4;
	v2 =	vadd.f32 v5, v2  }
0xf6: {  	v5 =	vld.idx.msk [tilespmem:v8+s9+$0x0], $0xffff  }
0xf7: {  	v8 =	vor.u32 $0xC, v1;
	v3 =	vmul.f32 v3, v3;
	v2 =	vadd.f32 v4, v2  }
0xf8: {  	v4 =	vld.idx.msk [tilespmem:v46+s9+$0x0], $0xffff  }
0xf9: {  	v47 =	vor.u32 $0xD, v1;
	v6 =	vmul.f32 v6, v6;
	v2 =	vadd.f32 v3, v2  }
0xfa: {  	v3 =	vld.idx.msk [tilespmem:v7+s9+$0x0], $0xffff  }
0xfb: {  	v7 =	vor.u32 $0xE, v1;
	v5 =	vmul.f32 v5, v5;
	v2 =	vadd.f32 v6, v2  }
0xfc: {  	v6 =	vld.idx.msk [tilespmem:v8+s9+$0x0], $0xffff  }
0xfd: {  	v8 =	vor.u32 $0xF, v1;
	v4 =	vmul.f32 v4, v4;
	v2 =	vadd.f32 v5, v2  }
0xfe: {  	v5 =	vld.idx.msk [tilespmem:v47+s9+$0x0], $0xffff  }
0xff: {  	v48 =	vor.u32 $0x10, v1;
	v3 =	vmul.f32 v3, v3;
	v2 =	vadd.f32 v4, v2  }
0x100: {  	v4 =	vld.idx.msk [tilespmem:v7+s9+$0x0], $0xffff  }
0x101: {  	v7 =	vor.u32 $0x11, v1;
	v6 =	vmul.f32 v6, v6;
	v2 =	vadd.f32 v3, v2  }
0x102: {  	v3 =	vld.idx.msk [tilespmem:v8+s9+$0x0], $0xffff  }
0x103: {  	v8 =	vor.u32 $0x12, v1;
	v5 =	vmul.f32 v5, v5;
	v2 =	vadd.f32 v6, v2  }
0x104: {  	v6 =	vld.idx.msk [tilespmem:v48+s9+$0x0], $0xffff  }
0x105: {  	v49 =	vor.u32 $0x13, v1;
	v4 =	vmul.f32 v4, v4;
	v2 =	vadd.f32 v5, v2  }
0x106: {  	v5 =	vld.idx.msk [tilespmem:v7+s9+$0x0], $0xffff  }
0x107: {  	v7 =	vor.u32 $0x14, v1;
	v3 =	vmul.f32 v3, v3;
	v2 =	vadd.f32 v4, v2  }
0x108: {  	v4 =	vld.idx.msk [tilespmem:v8+s9+$0x0], $0xffff  }
0x109: {  	v8 =	vor.u32 $0x15, v1;
	v6 =	vmul.f32 v6, v6;
	v2 =	vadd.f32 v3, v2  }
0x10a: {  	v3 =	vld.idx.msk [tilespmem:v49+s9+$0x0], $0xffff  }
0x10b: {  	v50 =	vor.u32 $0x16, v1;
	v5 =	vmul.f32 v5, v5;
	v2 =	vadd.f32 v6, v2  }
0x10c: {  	v6 =	vld.idx.msk [tilespmem:v7+s9+$0x0], $0xffff  }
0x10d: {  	v7 =	vor.u32 $0x17, v1;
	v4 =	vmul.f32 v4, v4;
	v2 =	vadd.f32 v5, v2  }
0x10e: {  	v5 =	vld.idx.msk [tilespmem:v8+s9+$0x0], $0xffff  }
0x10f: {  	v8 =	vor.u32 $0x18, v1;
	v3 =	vmul.f32 v3, v3;
	v2 =	vadd.f32 v4, v2  }
0x110: {  	v4 =	vld.idx.msk [tilespmem:v50+s9+$0x0], $0xffff  }
0x111: {  	v51 =	vor.u32 $0x19, v1;
	v6 =	vmul.f32 v6, v6;
	v2 =	vadd.f32 v3, v2  }
0x112: {  	v3 =	vld.idx.msk [tilespmem:v7+s9+$0x0], $0xffff  }
0x113: {  	v7 =	vor.u32 $0x1A, v1;
	v5 =	vmul.f32 v5, v5;
	v2 =	vadd.f32 v6, v2  }
0x114: {  	v6 =	vld.idx.msk [tilespmem:v8+s9+$0x0], $0xffff  }
0x115: {  	v8 =	vor.u32 $0x1B, v1;
	v4 =	vmul.f32 v4, v4;
	v2 =	vadd.f32 v5, v2  }
0x116: {  	v5 =	vld.idx.msk [tilespmem:v51+s9+$0x0], $0xffff  }
0x117: {  	v52 =	vor.u32 $0x1C, v1;
	v3 =	vmul.f32 v3, v3;
	v2 =	vadd.f32 v4, v2  }
0x118: {  	v4 =	vld.idx.msk [tilespmem:v7+s9+$0x0], $0xffff  }
0x119: {  	v7 =	vor.u32 $0x1D, v1;
	v6 =	vmul.f32 v6, v6;
	v2 =	vadd.f32 v3, v2  }
0x11a: {  	v3 =	vld.idx.msk [tilespmem:v8+s9+$0x0], $0xffff  }
0x11b: {  	v8 =	vor.u32 $0x1E, v1;
	v5 =	vmul.f32 v5, v5;
	v2 =	vadd.f32 v6, v2  }
0x11c: {  	v6 =	vld.idx.msk [tilespmem:v52+s9+$0x0], $0xffff  }
0x11d: {  	v53 =	vor.u32 $0x1F, v1;
	v4 =	vmul.f32 v4, v4;
	v2 =	vadd.f32 v5, v2  }
0x11e: {  	v5 =	vld.idx.msk [tilespmem:v7+s9+$0x0], $0xffff  }
0x11f: {  	v7 =	vor.u32 $0x20, v1;
	v3 =	vmul.f32 v3, v3;
	v2 =	vadd.f32 v4, v2  }
0x120: {  	v4 =	vld.idx.msk [tilespmem:v8+s9+$0x0], $0xffff  }
0x121: {  	v8 =	vor.u32 $0x21, v1;
	v6 =	vmul.f32 v6, v6;
	v2 =	vadd.f32 v3, v2  }
0x122: {  	v3 =	vld.idx.msk [tilespmem:v53+s9+$0x0], $0xffff  }
0x123: {  	v54 =	vor.u32 $0x22, v1;
	v5 =	vmul.f32 v5, v5;
	v2 =	vadd.f32 v6, v2  }
0x124: {  	v6 =	vld.idx.msk [tilespmem:v7+s9+$0x0], $0xffff  }
0x125: {  	v7 =	vor.u32 $0x23, v1;
	v4 =	vmul.f32 v4, v4;
	v2 =	vadd.f32 v5, v2  }
0x126: {  	v5 =	vld.idx.msk [tilespmem:v8+s9+$0x0], $0xffff  }
0x127: {  	v8 =	vor.u32 $0x24, v1;
	v3 =	vmul.f32 v3, v3;
	v2 =	vadd.f32 v4, v2  }
0x128: {  	v4 =	vld.idx.msk [tilespmem:v54+s9+$0x0], $0xffff  }
0x129: {  	v55 =	vor.u32 $0x25, v1;
	v6 =	vmul.f32 v6, v6;
	v2 =	vadd.f32 v3, v2  }
0x12a: {  	v3 =	vld.idx.msk [tilespmem:v7+s9+$0x0], $0xffff  }
0x12b: {  	v7 =	vor.u32 $0x26, v1;
	v5 =	vmul.f32 v5, v5;
	v2 =	vadd.f32 v6, v2  }
0x12c: {  	v6 =	vld.idx.msk [tilespmem:v8+s9+$0x0], $0xffff  }
0x12d: {  	v8 =	vor.u32 $0x27, v1;
	v4 =	vmul.f32 v4, v4;
	v2 =	vadd.f32 v5, v2  }
0x12e: {  	v5 =	vld.idx.msk [tilespmem:v55+s9+$0x0], $0xffff  }
0x12f: {  	v56 =	vor.u32 $0x28, v1;
	v3 =	vmul.f32 v3, v3;
	v2 =	vadd.f32 v4, v2  }
0x130: {  	v4 =	vld.idx.msk [tilespmem:v7+s9+$0x0], $0xffff  }
0x131: {  	v7 =	vor.u32 $0x29, v1;
	v6 =	vmul.f32 v6, v6;
	v2 =	vadd.f32 v3, v2  }
0x132: {  	v3 =	vld.idx.msk [tilespmem:v8+s9+$0x0], $0xffff  }
0x133: {  	v8 =	vor.u32 $0x2A, v1;
	v5 =	vmul.f32 v5, v5;
	v2 =	vadd.f32 v6, v2  }
0x134: {  	v6 =	vld.idx.msk [tilespmem:v56+s9+$0x0], $0xffff  }
0x135: {  	v57 =	vor.u32 $0x2B, v1;
	v4 =	vmul.f32 v4, v4;
	v2 =	vadd.f32 v5, v2  }
0x136: {  	v5 =	vld.idx.msk [tilespmem:v7+s9+$0x0], $0xffff  }
0x137: {  	v7 =	vor.u32 $0x2C, v1;
	v3 =	vmul.f32 v3, v3;
	v2 =	vadd.f32 v4, v2  }
0x138: {  	v4 =	vld.idx.msk [tilespmem:v8+s9+$0x0], $0xffff  }
0x139: {  	v8 =	vor.u32 $0x2D, v1;
	v6 =	vmul.f32 v6, v6;
	v2 =	vadd.f32 v3, v2  }
0x13a: {  	v3 =	vld.idx.msk [tilespmem:v57+s9+$0x0], $0xffff  }
0x13b: {  	v58 =	vor.u32 $0x2E, v1;
	v5 =	vmul.f32 v5, v5;
	v2 =	vadd.f32 v6, v2  }
0x13c: {  	v6 =	vld.idx.msk [tilespmem:v7+s9+$0x0], $0xffff  }
0x13d: {  	v7 =	vor.u32 $0x2F, v1;
	v4 =	vmul.f32 v4, v4;
	v2 =	vadd.f32 v5, v2  }
0x13e: {  	v5 =	vld.idx.msk [tilespmem:v8+s9+$0x0], $0xffff  }
0x13f: {  	v8 =	vor.u32 $0x30, v1;
	v3 =	vmul.f32 v3, v3;
	v2 =	vadd.f32 v4, v2  }
0x140: {  	v4 =	vld.idx.msk [tilespmem:v58+s9+$0x0], $0xffff  }
0x141: {  	v59 =	vor.u32 $0x31, v1;
	v6 =	vmul.f32 v6, v6;
	v2 =	vadd.f32 v3, v2  }
0x142: {  	v3 =	vld.idx.msk [tilespmem:v7+s9+$0x0], $0xffff  }
0x143: {  	v7 =	vor.u32 $0x32, v1;
	v5 =	vmul.f32 v5, v5;
	v2 =	vadd.f32 v6, v2  }
0x144: {  	v6 =	vld.idx.msk [tilespmem:v8+s9+$0x0], $0xffff  }
0x145: {  	v8 =	vor.u32 $0x33, v1;
	v4 =	vmul.f32 v4, v4;
	v2 =	vadd.f32 v5, v2  }
0x146: {  	v5 =	vld.idx.msk [tilespmem:v59+s9+$0x0], $0xffff  }
0x147: {  	v60 =	vor.u32 $0x34, v1;
	v3 =	vmul.f32 v3, v3;
	v2 =	vadd.f32 v4, v2  }
0x148: {  	v4 =	vld.idx.msk [tilespmem:v7+s9+$0x0], $0xffff  }
0x149: {  	v7 =	vor.u32 $0x35, v1;
	v6 =	vmul.f32 v6, v6;
	v2 =	vadd.f32 v3, v2  }
0x14a: {  	v3 =	vld.idx.msk [tilespmem:v8+s9+$0x0], $0xffff  }
0x14b: {  	v8 =	vor.u32 $0x36, v1;
	v5 =	vmul.f32 v5, v5;
	v2 =	vadd.f32 v6, v2  }
0x14c: {  	v6 =	vld.idx.msk [tilespmem:v60+s9+$0x0], $0xffff  }
0x14d: {  	v61 =	vor.u32 $0x37, v1;
	v4 =	vmul.f32 v4, v4;
	v2 =	vadd.f32 v5, v2  }
0x14e: {  	v5 =	vld.idx.msk [tilespmem:v7+s9+$0x0], $0xffff  }
0x14f: {  	v7 =	vor.u32 $0x38, v1;
	v3 =	vmul.f32 v3, v3;
	v2 =	vadd.f32 v4, v2  }
0x150: {  	v4 =	vld.idx.msk [tilespmem:v8+s9+$0x0], $0xffff  }
0x151: {  	v8 =	vor.u32 $0x39, v1;
	v6 =	vmul.f32 v6, v6;
	v2 =	vadd.f32 v3, v2  }
0x152: {  	v3 =	vld.idx.msk [tilespmem:v61+s9+$0x0], $0xffff  }
0x153: {  	v62 =	vor.u32 $0x3A, v1;
	v5 =	vmul.f32 v5, v5;
	v2 =	vadd.f32 v6, v2  }
0x154: {  	v6 =	vld.idx.msk [tilespmem:v7+s9+$0x0], $0xffff  }
0x155: {  	v7 =	vor.u32 $0x3B, v1;
	v4 =	vmul.f32 v4, v4;
	v2 =	vadd.f32 v5, v2  }
0x156: {  	v5 =	vld.idx.msk [tilespmem:v8+s9+$0x0], $0xffff  }
0x157: {  	v8 =	vor.u32 $0x3C, v1;
	v3 =	vmul.f32 v3, v3;
	v2 =	vadd.f32 v4, v2  }
0x158: {  	v4 =	vld.idx.msk [tilespmem:v62+s9+$0x0], $0xffff  }
0x159: {  	v63 =	vor.u32 $0x3D, v1;
	v6 =	vmul.f32 v6, v6;
	v2 =	vadd.f32 v3, v2  }
0x15a: {  	v3 =	vld.idx.msk [tilespmem:v7+s9+$0x0], $0xffff  }
0x15b: {  	v7 =	vor.u32 $0x3E, v1;
	v5 =	vmul.f32 v5, v5;
	v2 =	vadd.f32 v6, v2  }
0x15c: {  	v6 =	vld.idx.msk [tilespmem:v8+s9+$0x0], $0xffff  }
0x15d: {  	v1 =	vor.u32 $0x3F, v1;
	v4 =	vmul.f32 v4, v4;
	v2 =	vadd.f32 v5, v2  }
0x15e: {  	v5 =	vld.idx.msk [tilespmem:v63+s9+$0x0], $0xffff  }
0x15f: {  	v3 =	vmul.f32 v3, v3;
	v2 =	vadd.f32 v4, v2  }
0x160: {  	v4 =	vld.idx.msk [tilespmem:v7+s9+$0x0], $0xffff  }
0x161: {  	v6 =	vmul.f32 v6, v6;
	v2 =	vadd.f32 v3, v2  }
0x162: {  	v1 =	vld.idx.msk [tilespmem:v1+s9+$0x0], $0xffff  }
0x163: {  	v3 =	vmul.f32 v5, v5;
	v2 =	vadd.f32 v6, v2;
	_ =	sdelay $0x1  }
0x164: {  	v4 =	vmul.f32 v4, v4;
	v2 =	vadd.f32 v3, v2;
	_ =	sdelay $0x1  }
0x165: {  	v1 =	vmul.f32 v1, v1;
	v2 =	vadd.f32 v4, v2;
	_ =	sdelay $0x1  }
0x166: {  	v2 =	vadd.f32 v1, v2;
	_ =	sdelay $0x1  }
0x167: {  	v1 =	vshra.s32 v2, $0x1;
	v3 =	vmul.f32 $5.000000000e-01, v2  }
0x168: {  	v1 =	vsub.s32 $0x5F3759DF, v1  }
0x169: {  	v4 =	vmul.f32 v1, v3;
	_ =	sdelay $0x1  }
0x16a: {  	v4 =	vmul.f32 v1, v4;
	_ =	sdelay $0x1  }
0x16b: {  	v4 =	vsub.f32 $1.500000000e+00, v4;
	_ =	sdelay $0x1  }
0x16c: {  	v1 =	vmul.f32 v1, v4;
	_ =	sdelay $0x1  }
0x16d: {  	v3 =	vmul.f32 v1, v3;
	_ =	sdelay $0x1  }
0x16e: {  	v3 =	vmul.f32 v3, v1;
	_ =	sdelay $0x1  }
0x16f: {  	s21 =	simm.s32 $0x20;
	v3 =	vsub.f32 $1.500000000e+00, v3  }
0x170: {  	v4 =	vmov s21  }
0x171: {  	v4 =	vshll.u32 v4, $0x6;
	v3 =	vmul.f32 v3, v1  }
0x172: {  	vm0 =	vgt.f32 v2, $1.000000000e+00;
	v1 =	vor.u32 v0, v4  }
0x173: {  	v6 =	vor.u32 $0x1, v1;
	v5 =	vor.u32 $0x2, v1;
	v7 =	vmul.f32 $1.999999960e-02, v3  }
0x174: {  	s17 =	simm.s32 $0x2;
	s16 =	simm.s32 $0x30;
	s18 =	simm.s32 $0x19650;
	v4 =	vor.u32 $0x3, v1;
	v2 =	vor.u32 $0x5, v1;
	v3 =	vor.u32 $0x4, v1  }
.LBB2_2:
0x175: {  	s17 =	sadd.s32 $0x2, s17;
	v8 =	vor.u32 $0x6, v1;
	v9 =	vor.u32 $0x7, v1;
	v7 =	vnsel vm0, $0x3CA3D70A, v7;
	s15 =	sadd.s32 $0x20, s15  }
0x176: {  	v10 =	vor.u32 $0x8, v1;
	v11 =	vor.u32 $0x9, v1;
	v46 =	vor.u32 $0xA, v1;
	p0 =	slt.u32 s17, $0x62;
	[tilespmem:s18+$0x0] =	vst v7;
	s18 =	smov.u32 s15  }
0x177: {  	v47 =	vor.u32 $0xB, v1;
	v48 =	vor.u32 $0xC, v1;
	v49 =	vor.u32 $0xD, v1;
	v7 =	vld.idx.msk [tilespmem:v1+s9+$0x0], $0xffff  }
0x178: {  	v50 =	vor.u32 $0xE, v1;
	v51 =	vor.u32 $0xF, v1;
	v52 =	vor.u32 $0x10, v1;
	v6 =	vld.idx.msk [tilespmem:v6+s9+$0x0], $0xffff  }
0x179: {  	v53 =	vor.u32 $0x11, v1;
	v54 =	vor.u32 $0x12, v1;
	v45 =	vor.u32 $0x13, v1  }
0x17a: {  	v44 =	vor.u32 $0x14, v1;
	v43 =	vor.u32 $0x15, v1;
	v42 =	vor.u32 $0x16, v1;
	v5 =	vld.idx.msk [tilespmem:v5+s9+$0x0], $0xffff  }
0x17b: {  	v41 =	vor.u32 $0x17, v1;
	v40 =	vor.u32 $0x18, v1;
	v39 =	vor.u32 $0x19, v1  }
0x17c: {  	v38 =	vor.u32 $0x1A, v1;
	v37 =	vor.u32 $0x1B, v1;
	v36 =	vor.u32 $0x1C, v1;
	v4 =	vld.idx.msk [tilespmem:v4+s9+$0x0], $0xffff  }
0x17d: {  	v35 =	vor.u32 $0x1D, v1;
	v34 =	vor.u32 $0x1E, v1;
	v32 =	vor.u32 $0x1F, v1  }
0x17e: {  	v33 =	vor.u32 $0x20, v1;
	v7 =	vmul.f32 v7, v7;
	v6 =	vmul.f32 v6, v6;
	v3 =	vld.idx.msk [tilespmem:v3+s9+$0x0], $0xffff  }
0x17f: {  	v31 =	vor.u32 $0x21, v1;
	v30 =	vor.u32 $0x22, v1;
	v28 =	vor.u32 $0x23, v1  }
0x180: {  	v29 =	vor.u32 $0x24, v1;
	v6 =	vadd.f32 v6, v7;
	v5 =	vmul.f32 v5, v5;
	v2 =	vld.idx.msk [tilespmem:v2+s9+$0x0], $0xffff  }
0x181: {  	v27 =	vor.u32 $0x25, v1;
	v26 =	vor.u32 $0x26, v1;
	v24 =	vor.u32 $0x27, v1  }
0x182: {  	v25 =	vor.u32 $0x28, v1;
	v5 =	vadd.f32 v5, v6;
	v4 =	vmul.f32 v4, v4;
	v6 =	vld.idx.msk [tilespmem:v8+s9+$0x0], $0xffff  }
0x183: {  	v23 =	vor.u32 $0x29, v1;
	v22 =	vor.u32 $0x2A, v1;
	v20 =	vor.u32 $0x2B, v1  }
0x184: {  	v21 =	vor.u32 $0x2C, v1;
	v4 =	vadd.f32 v4, v5;
	v3 =	vmul.f32 v3, v3;
	v5 =	vld.idx.msk [tilespmem:v9+s9+$0x0], $0xffff  }
0x185: {  	v19 =	vor.u32 $0x2D, v1;
	v18 =	vor.u32 $0x2E, v1;
	v16 =	vor.u32 $0x2F, v1  }
0x186: {  	v17 =	vor.u32 $0x30, v1;
	v3 =	vadd.f32 v3, v4;
	v2 =	vmul.f32 v2, v2;
	v55 =	vld.idx.msk [tilespmem:v10+s9+$0x0], $0xffff  }
0x187: {  	v15 =	vor.u32 $0x31, v1;
	v14 =	vor.u32 $0x32, v1;
	v12 =	vor.u32 $0x33, v1  }
0x188: {  	v13 =	vor.u32 $0x34, v1;
	v2 =	vadd.f32 v2, v3;
	v3 =	vmul.f32 v6, v6;
	v56 =	vld.idx.msk [tilespmem:v11+s9+$0x0], $0xffff  }
0x189: {  	v8 =	vor.u32 $0x37, v1;
	v10 =	vor.u32 $0x36, v1;
	v11 =	vor.u32 $0x35, v1  }
0x18a: {  	v9 =	vor.u32 $0x38, v1;
	v2 =	vadd.f32 v3, v2;
	v3 =	vmul.f32 v5, v5;
	v46 =	vld.idx.msk [tilespmem:v46+s9+$0x0], $0xffff  }
0x18b: {  	v7 =	vor.u32 $0x39, v1;
	v4 =	vor.u32 $0x3B, v1;
	v6 =	vor.u32 $0x3A, v1  }
0x18c: {  	v5 =	vor.u32 $0x3C, v1;
	v57 =	vadd.f32 v3, v2;
	v55 =	vmul.f32 v55, v55;
	v47 =	vld.idx.msk [tilespmem:v47+s9+$0x0], $0xffff  }
0x18d: {  	v3 =	vor.u32 $0x3D, v1;
	v2 =	vor.u32 $0x3E, v1;
	v1 =	vor.u32 $0x3F, v1  }
0x18e: {  	v55 =	vadd.f32 v55, v57;
	v56 =	vmul.f32 v56, v56;
	v48 =	vld.idx.msk [tilespmem:v48+s9+$0x0], $0xffff;
	_ =	sdelay $0x1  }
0x18f: {  	v55 =	vadd.f32 v56, v55;
	v46 =	vmul.f32 v46, v46;
	v49 =	vld.idx.msk [tilespmem:v49+s9+$0x0], $0xffff;
	_ =	sdelay $0x1  }
0x190: {  	v46 =	vadd.f32 v46, v55;
	v47 =	vmul.f32 v47, v47;
	v50 =	vld.idx.msk [tilespmem:v50+s9+$0x0], $0xffff;
	_ =	sdelay $0x1  }
0x191: {  	v46 =	vadd.f32 v47, v46;
	v47 =	vmul.f32 v48, v48;
	v48 =	vld.idx.msk [tilespmem:v51+s9+$0x0], $0xffff;
	_ =	sdelay $0x1  }
0x192: {  	v46 =	vadd.f32 v47, v46;
	v47 =	vmul.f32 v49, v49;
	v49 =	vld.idx.msk [tilespmem:v52+s9+$0x0], $0xffff;
	_ =	sdelay $0x1  }
0x193: {  	v46 =	vadd.f32 v47, v46;
	v47 =	vmul.f32 v50, v50;
	v50 =	vld.idx.msk [tilespmem:v53+s9+$0x0], $0xffff;
	_ =	sdelay $0x1  }
0x194: {  	v46 =	vadd.f32 v47, v46;
	v47 =	vmul.f32 v48, v48;
	v48 =	vld.idx.msk [tilespmem:v54+s9+$0x0], $0xffff;
	_ =	sdelay $0x1  }
0x195: {  	v46 =	vadd.f32 v47, v46;
	v47 =	vmul.f32 v49, v49;
	v45 =	vld.idx.msk [tilespmem:v45+s9+$0x0], $0xffff;
	_ =	sdelay $0x1  }
0x196: {  	v46 =	vadd.f32 v47, v46;
	v47 =	vmul.f32 v50, v50;
	v44 =	vld.idx.msk [tilespmem:v44+s9+$0x0], $0xffff;
	_ =	sdelay $0x1  }
0x197: {  	v46 =	vadd.f32 v47, v46;
	v47 =	vmul.f32 v48, v48;
	v43 =	vld.idx.msk [tilespmem:v43+s9+$0x0], $0xffff;
	_ =	sdelay $0x1  }
0x198: {  	v46 =	vadd.f32 v47, v46;
	v45 =	vmul.f32 v45, v45;
	v42 =	vld.idx.msk [tilespmem:v42+s9+$0x0], $0xffff;
	_ =	sdelay $0x1  }
0x199: {  	v45 =	vadd.f32 v45, v46;
	v44 =	vmul.f32 v44, v44;
	v41 =	vld.idx.msk [tilespmem:v41+s9+$0x0], $0xffff;
	_ =	sdelay $0x1  }
0x19a: {  	v44 =	vadd.f32 v44, v45;
	v43 =	vmul.f32 v43, v43;
	v40 =	vld.idx.msk [tilespmem:v40+s9+$0x0], $0xffff;
	_ =	sdelay $0x1  }
0x19b: {  	v43 =	vadd.f32 v43, v44;
	v42 =	vmul.f32 v42, v42;
	v39 =	vld.idx.msk [tilespmem:v39+s9+$0x0], $0xffff;
	_ =	sdelay $0x1  }
0x19c: {  	v42 =	vadd.f32 v42, v43;
	v41 =	vmul.f32 v41, v41;
	v38 =	vld.idx.msk [tilespmem:v38+s9+$0x0], $0xffff;
	_ =	sdelay $0x1  }
0x19d: {  	v41 =	vadd.f32 v41, v42;
	v40 =	vmul.f32 v40, v40;
	v37 =	vld.idx.msk [tilespmem:v37+s9+$0x0], $0xffff;
	_ =	sdelay $0x1  }
0x19e: {  	v40 =	vadd.f32 v40, v41;
	v39 =	vmul.f32 v39, v39;
	v36 =	vld.idx.msk [tilespmem:v36+s9+$0x0], $0xffff;
	_ =	sdelay $0x1  }
0x19f: {  	v39 =	vadd.f32 v39, v40;
	v38 =	vmul.f32 v38, v38;
	v35 =	vld.idx.msk [tilespmem:v35+s9+$0x0], $0xffff;
	_ =	sdelay $0x1  }
0x1a0: {  	v38 =	vadd.f32 v38, v39;
	v37 =	vmul.f32 v37, v37;
	v34 =	vld.idx.msk [tilespmem:v34+s9+$0x0], $0xffff;
	_ =	sdelay $0x1  }
0x1a1: {  	v37 =	vadd.f32 v37, v38;
	v36 =	vmul.f32 v36, v36;
	v32 =	vld.idx.msk [tilespmem:v32+s9+$0x0], $0xffff;
	_ =	sdelay $0x1  }
0x1a2: {  	v36 =	vadd.f32 v36, v37;
	v35 =	vmul.f32 v35, v35;
	v33 =	vld.idx.msk [tilespmem:v33+s9+$0x0], $0xffff;
	_ =	sdelay $0x1  }
0x1a3: {  	v35 =	vadd.f32 v35, v36;
	v34 =	vmul.f32 v34, v34;
	v31 =	vld.idx.msk [tilespmem:v31+s9+$0x0], $0xffff;
	_ =	sdelay $0x1  }
0x1a4: {  	v34 =	vadd.f32 v34, v35;
	v32 =	vmul.f32 v32, v32;
	v30 =	vld.idx.msk [tilespmem:v30+s9+$0x0], $0xffff;
	_ =	sdelay $0x1  }
0x1a5: {  	v32 =	vadd.f32 v32, v34;
	v33 =	vmul.f32 v33, v33;
	v28 =	vld.idx.msk [tilespmem:v28+s9+$0x0], $0xffff;
	_ =	sdelay $0x1  }
0x1a6: {  	v32 =	vadd.f32 v33, v32;
	v31 =	vmul.f32 v31, v31;
	v29 =	vld.idx.msk [tilespmem:v29+s9+$0x0], $0xffff;
	_ =	sdelay $0x1  }
0x1a7: {  	v31 =	vadd.f32 v31, v32;
	v30 =	vmul.f32 v30, v30;
	v27 =	vld.idx.msk [tilespmem:v27+s9+$0x0], $0xffff;
	_ =	sdelay $0x1  }
0x1a8: {  	v30 =	vadd.f32 v30, v31;
	v28 =	vmul.f32 v28, v28;
	v26 =	vld.idx.msk [tilespmem:v26+s9+$0x0], $0xffff;
	_ =	sdelay $0x1  }
0x1a9: {  	v28 =	vadd.f32 v28, v30;
	v29 =	vmul.f32 v29, v29;
	v24 =	vld.idx.msk [tilespmem:v24+s9+$0x0], $0xffff;
	_ =	sdelay $0x1  }
0x1aa: {  	v28 =	vadd.f32 v29, v28;
	v27 =	vmul.f32 v27, v27;
	v25 =	vld.idx.msk [tilespmem:v25+s9+$0x0], $0xffff;
	_ =	sdelay $0x1  }
0x1ab: {  	v27 =	vadd.f32 v27, v28;
	v26 =	vmul.f32 v26, v26;
	v23 =	vld.idx.msk [tilespmem:v23+s9+$0x0], $0xffff;
	_ =	sdelay $0x1  }
0x1ac: {  	v26 =	vadd.f32 v26, v27;
	v24 =	vmul.f32 v24, v24;
	v22 =	vld.idx.msk [tilespmem:v22+s9+$0x0], $0xffff;
	_ =	sdelay $0x1  }
0x1ad: {  	v24 =	vadd.f32 v24, v26;
	v25 =	vmul.f32 v25, v25;
	v20 =	vld.idx.msk [tilespmem:v20+s9+$0x0], $0xffff;
	_ =	sdelay $0x1  }
0x1ae: {  	v24 =	vadd.f32 v25, v24;
	v23 =	vmul.f32 v23, v23;
	v21 =	vld.idx.msk [tilespmem:v21+s9+$0x0], $0xffff;
	_ =	sdelay $0x1  }
0x1af: {  	v23 =	vadd.f32 v23, v24;
	v22 =	vmul.f32 v22, v22;
	v19 =	vld.idx.msk [tilespmem:v19+s9+$0x0], $0xffff;
	_ =	sdelay $0x1  }
0x1b0: {  	v22 =	vadd.f32 v22, v23;
	v20 =	vmul.f32 v20, v20;
	v18 =	vld.idx.msk [tilespmem:v18+s9+$0x0], $0xffff;
	_ =	sdelay $0x1  }
0x1b1: {  	v20 =	vadd.f32 v20, v22;
	v21 =	vmul.f32 v21, v21;
	v16 =	vld.idx.msk [tilespmem:v16+s9+$0x0], $0xffff;
	_ =	sdelay $0x1  }
0x1b2: {  	v20 =	vadd.f32 v21, v20;
	v19 =	vmul.f32 v19, v19;
	v17 =	vld.idx.msk [tilespmem:v17+s9+$0x0], $0xffff;
	_ =	sdelay $0x1  }
0x1b3: {  	v19 =	vadd.f32 v19, v20;
	v18 =	vmul.f32 v18, v18;
	v15 =	vld.idx.msk [tilespmem:v15+s9+$0x0], $0xffff;
	_ =	sdelay $0x1  }
0x1b4: {  	v18 =	vadd.f32 v18, v19;
	v16 =	vmul.f32 v16, v16;
	v14 =	vld.idx.msk [tilespmem:v14+s9+$0x0], $0xffff;
	_ =	sdelay $0x1  }
0x1b5: {  	v16 =	vadd.f32 v16, v18;
	v17 =	vmul.f32 v17, v17;
	v12 =	vld.idx.msk [tilespmem:v12+s9+$0x0], $0xffff;
	_ =	sdelay $0x1  }
0x1b6: {  	v16 =	vadd.f32 v17, v16;
	v15 =	vmul.f32 v15, v15;
	v13 =	vld.idx.msk [tilespmem:v13+s9+$0x0], $0xffff;
	_ =	sdelay $0x1  }
0x1b7: {  	v15 =	vadd.f32 v15, v16;
	v14 =	vmul.f32 v14, v14;
	v11 =	vld.idx.msk [tilespmem:v11+s9+$0x0], $0xffff;
	_ =	sdelay $0x1  }
0x1b8: {  	v14 =	vadd.f32 v14, v15;
	v12 =	vmul.f32 v12, v12;
	v10 =	vld.idx.msk [tilespmem:v10+s9+$0x0], $0xffff;
	_ =	sdelay $0x1  }
0x1b9: {  	v12 =	vadd.f32 v12, v14;
	v13 =	vmul.f32 v13, v13;
	v8 =	vld.idx.msk [tilespmem:v8+s9+$0x0], $0xffff;
	_ =	sdelay $0x1  }
0x1ba: {  	v12 =	vadd.f32 v13, v12;
	v11 =	vmul.f32 v11, v11;
	v9 =	vld.idx.msk [tilespmem:v9+s9+$0x0], $0xffff;
	_ =	sdelay $0x1  }
0x1bb: {  	v11 =	vadd.f32 v11, v12;
	v10 =	vmul.f32 v10, v10;
	v7 =	vld.idx.msk [tilespmem:v7+s9+$0x0], $0xffff;
	_ =	sdelay $0x1  }
0x1bc: {  	v10 =	vadd.f32 v10, v11;
	v8 =	vmul.f32 v8, v8;
	v6 =	vld.idx.msk [tilespmem:v6+s9+$0x0], $0xffff;
	_ =	sdelay $0x1  }
0x1bd: {  	v8 =	vadd.f32 v8, v10;
	v9 =	vmul.f32 v9, v9;
	v4 =	vld.idx.msk [tilespmem:v4+s9+$0x0], $0xffff;
	_ =	sdelay $0x1  }
0x1be: {  	v8 =	vadd.f32 v9, v8;
	v7 =	vmul.f32 v7, v7;
	v5 =	vld.idx.msk [tilespmem:v5+s9+$0x0], $0xffff;
	_ =	sdelay $0x1  }
0x1bf: {  	v7 =	vadd.f32 v7, v8;
	v6 =	vmul.f32 v6, v6;
	v3 =	vld.idx.msk [tilespmem:v3+s9+$0x0], $0xffff;
	_ =	sdelay $0x1  }
0x1c0: {  	v6 =	vadd.f32 v6, v7;
	v4 =	vmul.f32 v4, v4;
	v2 =	vld.idx.msk [tilespmem:v2+s9+$0x0], $0xffff;
	_ =	sdelay $0x1  }
0x1c1: {  	v4 =	vadd.f32 v4, v6;
	v5 =	vmul.f32 v5, v5;
	v1 =	vld.idx.msk [tilespmem:v1+s9+$0x0], $0xffff;
	_ =	sdelay $0x1  }
0x1c2: {  	v4 =	vadd.f32 v5, v4;
	v3 =	vmul.f32 v3, v3;
	_ =	sdelay $0x1  }
0x1c3: {  	v3 =	vadd.f32 v3, v4;
	v2 =	vmul.f32 v2, v2;
	_ =	sdelay $0x1  }
0x1c4: {  	v2 =	vadd.f32 v2, v3;
	v1 =	vmul.f32 v1, v1;
	_ =	sdelay $0x1  }
0x1c5: {  	v2 =	vadd.f32 v1, v2;
	_ =	sdelay $0x1  }
0x1c6: {  	v1 =	vshra.s32 v2, $0x1;
	v3 =	vmul.f32 $5.000000000e-01, v2  }
0x1c7: {  	v1 =	vsub.s32 $0x5F3759DF, v1  }
0x1c8: {  	v4 =	vmul.f32 v1, v3;
	_ =	sdelay $0x1  }
0x1c9: {  	v4 =	vmul.f32 v1, v4;
	_ =	sdelay $0x1  }
0x1ca: {  	v4 =	vsub.f32 $1.500000000e+00, v4;
	_ =	sdelay $0x1  }
0x1cb: {  	v1 =	vmul.f32 v1, v4;
	_ =	sdelay $0x1  }
0x1cc: {  	v3 =	vmul.f32 v1, v3;
	_ =	sdelay $0x1  }
0x1cd: {  	v3 =	vmul.f32 v3, v1;
	_ =	sdelay $0x1  }
0x1ce: {  	v4 =	vmov s16;
	v3 =	vsub.f32 $1.500000000e+00, v3  }
0x1cf: {  	v4 =	vshll.u32 v4, $0x6  }
0x1d0: {  	v3 =	vmul.f32 v3, v1;
	v1 =	vor.u32 v0, v4  }
0x1d1: {  	v4 =	vor.u32 $0x1, v1  }
0x1d2: {  	v3 =	vmul.f32 $1.999999960e-02, v3  }
0x1d3: {  	vm0 =	vgt.f32 v2, $1.000000000e+00;
	v2 =	vor.u32 $0x2, v1  }
0x1d4: {  	v3 =	vnsel vm0, $0x3CA3D70A, v3  }
0x1d5: {  	[tilespmem:s15+$0xFFFFFFF0] =	vst v3;
	v3 =	vor.u32 $0x3, v1  }
0x1d6: {  	v5 =	vld.idx.msk [tilespmem:v1+s9+$0x0], $0xffff  }
0x1d7: {  	v6 =	vor.u32 $0x4, v1;
	v4 =	vld.idx.msk [tilespmem:v4+s9+$0x0], $0xffff  }
0x1d8: {  	v2 =	vld.idx.msk [tilespmem:v2+s9+$0x0], $0xffff  }
0x1d9: {  	v7 =	vor.u32 $0x5, v1  }
0x1da: {  	v3 =	vld.idx.msk [tilespmem:v3+s9+$0x0], $0xffff  }
0x1db: {  	v8 =	vor.u32 $0x6, v1  }
0x1dc: {  	v5 =	vmul.f32 v5, v5;
	v6 =	vld.idx.msk [tilespmem:v6+s9+$0x0], $0xffff  }
0x1dd: {  	v9 =	vor.u32 $0x7, v1;
	v4 =	vmul.f32 v4, v4  }
0x1de: {  	v2 =	vmul.f32 v2, v2;
	v7 =	vld.idx.msk [tilespmem:v7+s9+$0x0], $0xffff  }
0x1df: {  	v4 =	vadd.f32 v4, v5;
	v5 =	vor.u32 $0x8, v1  }
0x1e0: {  	v3 =	vmul.f32 v3, v3;
	v8 =	vld.idx.msk [tilespmem:v8+s9+$0x0], $0xffff  }
0x1e1: {  	v2 =	vadd.f32 v2, v4;
	v4 =	vor.u32 $0x9, v1  }
0x1e2: {  	v6 =	vmul.f32 v6, v6;
	v9 =	vld.idx.msk [tilespmem:v9+s9+$0x0], $0xffff  }
0x1e3: {  	v2 =	vadd.f32 v3, v2;
	v3 =	vor.u32 $0xA, v1  }
0x1e4: {  	v7 =	vmul.f32 v7, v7;
	v5 =	vld.idx.msk [tilespmem:v5+s9+$0x0], $0xffff  }
0x1e5: {  	v2 =	vadd.f32 v6, v2;
	v6 =	vor.u32 $0xB, v1  }
0x1e6: {  	v8 =	vmul.f32 v8, v8;
	v4 =	vld.idx.msk [tilespmem:v4+s9+$0x0], $0xffff  }
0x1e7: {  	v2 =	vadd.f32 v7, v2;
	v7 =	vor.u32 $0xC, v1  }
0x1e8: {  	v9 =	vmul.f32 v9, v9;
	v3 =	vld.idx.msk [tilespmem:v3+s9+$0x0], $0xffff  }
0x1e9: {  	v2 =	vadd.f32 v8, v2;
	v8 =	vor.u32 $0xD, v1  }
0x1ea: {  	v5 =	vmul.f32 v5, v5;
	v6 =	vld.idx.msk [tilespmem:v6+s9+$0x0], $0xffff  }
0x1eb: {  	v2 =	vadd.f32 v9, v2;
	v9 =	vor.u32 $0xE, v1  }
0x1ec: {  	v4 =	vmul.f32 v4, v4;
	v7 =	vld.idx.msk [tilespmem:v7+s9+$0x0], $0xffff  }
0x1ed: {  	v2 =	vadd.f32 v5, v2;
	v5 =	vor.u32 $0xF, v1  }
0x1ee: {  	v3 =	vmul.f32 v3, v3;
	v8 =	vld.idx.msk [tilespmem:v8+s9+$0x0], $0xffff  }
0x1ef: {  	v2 =	vadd.f32 v4, v2;
	v4 =	vor.u32 $0x10, v1  }
0x1f0: {  	v6 =	vmul.f32 v6, v6;
	v9 =	vld.idx.msk [tilespmem:v9+s9+$0x0], $0xffff  }
0x1f1: {  	v2 =	vadd.f32 v3, v2;
	v3 =	vor.u32 $0x11, v1  }
0x1f2: {  	v7 =	vmul.f32 v7, v7;
	v5 =	vld.idx.msk [tilespmem:v5+s9+$0x0], $0xffff  }
0x1f3: {  	v2 =	vadd.f32 v6, v2;
	v6 =	vor.u32 $0x12, v1  }
0x1f4: {  	v8 =	vmul.f32 v8, v8;
	v4 =	vld.idx.msk [tilespmem:v4+s9+$0x0], $0xffff  }
0x1f5: {  	v2 =	vadd.f32 v7, v2;
	v7 =	vor.u32 $0x13, v1  }
0x1f6: {  	v9 =	vmul.f32 v9, v9;
	v3 =	vld.idx.msk [tilespmem:v3+s9+$0x0], $0xffff  }
0x1f7: {  	v2 =	vadd.f32 v8, v2;
	v8 =	vor.u32 $0x14, v1  }
0x1f8: {  	v5 =	vmul.f32 v5, v5;
	v6 =	vld.idx.msk [tilespmem:v6+s9+$0x0], $0xffff  }
0x1f9: {  	v2 =	vadd.f32 v9, v2;
	v9 =	vor.u32 $0x15, v1  }
0x1fa: {  	v4 =	vmul.f32 v4, v4;
	v7 =	vld.idx.msk [tilespmem:v7+s9+$0x0], $0xffff  }
0x1fb: {  	v2 =	vadd.f32 v5, v2;
	v5 =	vor.u32 $0x16, v1  }
0x1fc: {  	v3 =	vmul.f32 v3, v3;
	v8 =	vld.idx.msk [tilespmem:v8+s9+$0x0], $0xffff  }
0x1fd: {  	v2 =	vadd.f32 v4, v2;
	v4 =	vor.u32 $0x17, v1  }
0x1fe: {  	v6 =	vmul.f32 v6, v6;
	v9 =	vld.idx.msk [tilespmem:v9+s9+$0x0], $0xffff  }
0x1ff: {  	v2 =	vadd.f32 v3, v2;
	v3 =	vor.u32 $0x18, v1  }
0x200: {  	v7 =	vmul.f32 v7, v7;
	v5 =	vld.idx.msk [tilespmem:v5+s9+$0x0], $0xffff  }
0x201: {  	v2 =	vadd.f32 v6, v2;
	v6 =	vor.u32 $0x19, v1  }
0x202: {  	v8 =	vmul.f32 v8, v8;
	v4 =	vld.idx.msk [tilespmem:v4+s9+$0x0], $0xffff  }
0x203: {  	v2 =	vadd.f32 v7, v2;
	v7 =	vor.u32 $0x1A, v1  }
0x204: {  	v9 =	vmul.f32 v9, v9;
	v3 =	vld.idx.msk [tilespmem:v3+s9+$0x0], $0xffff  }
0x205: {  	v2 =	vadd.f32 v8, v2;
	v8 =	vor.u32 $0x1B, v1  }
0x206: {  	v5 =	vmul.f32 v5, v5;
	v6 =	vld.idx.msk [tilespmem:v6+s9+$0x0], $0xffff  }
0x207: {  	v2 =	vadd.f32 v9, v2;
	v9 =	vor.u32 $0x1C, v1  }
0x208: {  	v4 =	vmul.f32 v4, v4;
	v7 =	vld.idx.msk [tilespmem:v7+s9+$0x0], $0xffff  }
0x209: {  	v2 =	vadd.f32 v5, v2;
	v5 =	vor.u32 $0x1D, v1  }
0x20a: {  	v3 =	vmul.f32 v3, v3;
	v8 =	vld.idx.msk [tilespmem:v8+s9+$0x0], $0xffff  }
0x20b: {  	v2 =	vadd.f32 v4, v2;
	v4 =	vor.u32 $0x1E, v1  }
0x20c: {  	v6 =	vmul.f32 v6, v6;
	v9 =	vld.idx.msk [tilespmem:v9+s9+$0x0], $0xffff  }
0x20d: {  	v2 =	vadd.f32 v3, v2;
	v3 =	vor.u32 $0x1F, v1  }
0x20e: {  	v7 =	vmul.f32 v7, v7;
	v5 =	vld.idx.msk [tilespmem:v5+s9+$0x0], $0xffff  }
0x20f: {  	v2 =	vadd.f32 v6, v2;
	v6 =	vor.u32 $0x20, v1  }
0x210: {  	v8 =	vmul.f32 v8, v8;
	v4 =	vld.idx.msk [tilespmem:v4+s9+$0x0], $0xffff  }
0x211: {  	v2 =	vadd.f32 v7, v2;
	v7 =	vor.u32 $0x21, v1  }
0x212: {  	v9 =	vmul.f32 v9, v9;
	v3 =	vld.idx.msk [tilespmem:v3+s9+$0x0], $0xffff  }
0x213: {  	v2 =	vadd.f32 v8, v2;
	v8 =	vor.u32 $0x22, v1  }
0x214: {  	v5 =	vmul.f32 v5, v5;
	v6 =	vld.idx.msk [tilespmem:v6+s9+$0x0], $0xffff  }
0x215: {  	v2 =	vadd.f32 v9, v2;
	v9 =	vor.u32 $0x23, v1  }
0x216: {  	v4 =	vmul.f32 v4, v4;
	v7 =	vld.idx.msk [tilespmem:v7+s9+$0x0], $0xffff  }
0x217: {  	v2 =	vadd.f32 v5, v2;
	v5 =	vor.u32 $0x24, v1  }
0x218: {  	v3 =	vmul.f32 v3, v3;
	v8 =	vld.idx.msk [tilespmem:v8+s9+$0x0], $0xffff  }
0x219: {  	v2 =	vadd.f32 v4, v2;
	v4 =	vor.u32 $0x25, v1  }
0x21a: {  	v6 =	vmul.f32 v6, v6;
	v9 =	vld.idx.msk [tilespmem:v9+s9+$0x0], $0xffff  }
0x21b: {  	v2 =	vadd.f32 v3, v2;
	v3 =	vor.u32 $0x26, v1  }
0x21c: {  	v7 =	vmul.f32 v7, v7;
	v5 =	vld.idx.msk [tilespmem:v5+s9+$0x0], $0xffff  }
0x21d: {  	v2 =	vadd.f32 v6, v2;
	v6 =	vor.u32 $0x27, v1  }
0x21e: {  	v8 =	vmul.f32 v8, v8;
	v4 =	vld.idx.msk [tilespmem:v4+s9+$0x0], $0xffff  }
0x21f: {  	v2 =	vadd.f32 v7, v2;
	v7 =	vor.u32 $0x28, v1  }
0x220: {  	v9 =	vmul.f32 v9, v9;
	v3 =	vld.idx.msk [tilespmem:v3+s9+$0x0], $0xffff  }
0x221: {  	v2 =	vadd.f32 v8, v2;
	v8 =	vor.u32 $0x29, v1  }
0x222: {  	v5 =	vmul.f32 v5, v5;
	v6 =	vld.idx.msk [tilespmem:v6+s9+$0x0], $0xffff  }
0x223: {  	v2 =	vadd.f32 v9, v2;
	v9 =	vor.u32 $0x2A, v1  }
0x224: {  	v4 =	vmul.f32 v4, v4;
	v7 =	vld.idx.msk [tilespmem:v7+s9+$0x0], $0xffff  }
0x225: {  	v2 =	vadd.f32 v5, v2;
	v5 =	vor.u32 $0x2B, v1  }
0x226: {  	v3 =	vmul.f32 v3, v3;
	v8 =	vld.idx.msk [tilespmem:v8+s9+$0x0], $0xffff  }
0x227: {  	v2 =	vadd.f32 v4, v2;
	v4 =	vor.u32 $0x2C, v1  }
0x228: {  	v6 =	vmul.f32 v6, v6;
	v9 =	vld.idx.msk [tilespmem:v9+s9+$0x0], $0xffff  }
0x229: {  	v2 =	vadd.f32 v3, v2;
	v3 =	vor.u32 $0x2D, v1  }
0x22a: {  	v7 =	vmul.f32 v7, v7;
	v5 =	vld.idx.msk [tilespmem:v5+s9+$0x0], $0xffff  }
0x22b: {  	v2 =	vadd.f32 v6, v2;
	v6 =	vor.u32 $0x2E, v1  }
0x22c: {  	v8 =	vmul.f32 v8, v8;
	v4 =	vld.idx.msk [tilespmem:v4+s9+$0x0], $0xffff  }
0x22d: {  	v2 =	vadd.f32 v7, v2;
	v7 =	vor.u32 $0x2F, v1  }
0x22e: {  	v9 =	vmul.f32 v9, v9;
	v3 =	vld.idx.msk [tilespmem:v3+s9+$0x0], $0xffff  }
0x22f: {  	v2 =	vadd.f32 v8, v2;
	v8 =	vor.u32 $0x30, v1  }
0x230: {  	v5 =	vmul.f32 v5, v5;
	v6 =	vld.idx.msk [tilespmem:v6+s9+$0x0], $0xffff  }
0x231: {  	v2 =	vadd.f32 v9, v2;
	v9 =	vor.u32 $0x31, v1  }
0x232: {  	v4 =	vmul.f32 v4, v4;
	v7 =	vld.idx.msk [tilespmem:v7+s9+$0x0], $0xffff  }
0x233: {  	v2 =	vadd.f32 v5, v2;
	v5 =	vor.u32 $0x32, v1  }
0x234: {  	v3 =	vmul.f32 v3, v3;
	v8 =	vld.idx.msk [tilespmem:v8+s9+$0x0], $0xffff  }
0x235: {  	v2 =	vadd.f32 v4, v2;
	v4 =	vor.u32 $0x33, v1  }
0x236: {  	v6 =	vmul.f32 v6, v6;
	v9 =	vld.idx.msk [tilespmem:v9+s9+$0x0], $0xffff  }
0x237: {  	v2 =	vadd.f32 v3, v2;
	v3 =	vor.u32 $0x34, v1  }
0x238: {  	v7 =	vmul.f32 v7, v7;
	v5 =	vld.idx.msk [tilespmem:v5+s9+$0x0], $0xffff  }
0x239: {  	v2 =	vadd.f32 v6, v2;
	v6 =	vor.u32 $0x35, v1  }
0x23a: {  	v8 =	vmul.f32 v8, v8;
	v4 =	vld.idx.msk [tilespmem:v4+s9+$0x0], $0xffff  }
0x23b: {  	v2 =	vadd.f32 v7, v2;
	v7 =	vor.u32 $0x36, v1  }
0x23c: {  	v9 =	vmul.f32 v9, v9;
	v3 =	vld.idx.msk [tilespmem:v3+s9+$0x0], $0xffff  }
0x23d: {  	v2 =	vadd.f32 v8, v2;
	v8 =	vor.u32 $0x37, v1  }
0x23e: {  	v5 =	vmul.f32 v5, v5;
	v6 =	vld.idx.msk [tilespmem:v6+s9+$0x0], $0xffff  }
0x23f: {  	v2 =	vadd.f32 v9, v2;
	v9 =	vor.u32 $0x38, v1  }
0x240: {  	v4 =	vmul.f32 v4, v4;
	v7 =	vld.idx.msk [tilespmem:v7+s9+$0x0], $0xffff  }
0x241: {  	v2 =	vadd.f32 v5, v2;
	v5 =	vor.u32 $0x39, v1  }
0x242: {  	v3 =	vmul.f32 v3, v3;
	v8 =	vld.idx.msk [tilespmem:v8+s9+$0x0], $0xffff  }
0x243: {  	v2 =	vadd.f32 v4, v2;
	v4 =	vor.u32 $0x3A, v1  }
0x244: {  	v6 =	vmul.f32 v6, v6;
	v9 =	vld.idx.msk [tilespmem:v9+s9+$0x0], $0xffff  }
0x245: {  	v2 =	vadd.f32 v3, v2;
	v3 =	vor.u32 $0x3B, v1  }
0x246: {  	v7 =	vmul.f32 v7, v7;
	v5 =	vld.idx.msk [tilespmem:v5+s9+$0x0], $0xffff  }
0x247: {  	v2 =	vadd.f32 v6, v2;
	v6 =	vor.u32 $0x3C, v1  }
0x248: {  	v8 =	vmul.f32 v8, v8;
	v4 =	vld.idx.msk [tilespmem:v4+s9+$0x0], $0xffff  }
0x249: {  	v2 =	vadd.f32 v7, v2;
	v7 =	vor.u32 $0x3D, v1  }
0x24a: {  	v9 =	vmul.f32 v9, v9;
	v3 =	vld.idx.msk [tilespmem:v3+s9+$0x0], $0xffff  }
0x24b: {  	v2 =	vadd.f32 v8, v2;
	v8 =	vor.u32 $0x3E, v1  }
0x24c: {  	v5 =	vmul.f32 v5, v5;
	v6 =	vld.idx.msk [tilespmem:v6+s9+$0x0], $0xffff  }
0x24d: {  	v1 =	vor.u32 $0x3F, v1;
	v2 =	vadd.f32 v9, v2  }
0x24e: {  	v4 =	vmul.f32 v4, v4;
	v7 =	vld.idx.msk [tilespmem:v7+s9+$0x0], $0xffff  }
0x24f: {  	v2 =	vadd.f32 v5, v2  }
0x250: {  	v3 =	vmul.f32 v3, v3;
	v5 =	vld.idx.msk [tilespmem:v8+s9+$0x0], $0xffff  }
0x251: {  	v2 =	vadd.f32 v4, v2  }
0x252: {  	v4 =	vmul.f32 v6, v6;
	v1 =	vld.idx.msk [tilespmem:v1+s9+$0x0], $0xffff  }
0x253: {  	v2 =	vadd.f32 v3, v2  }
0x254: {  	v3 =	vmul.f32 v7, v7  }
0x255: {  	v2 =	vadd.f32 v4, v2  }
0x256: {  	v4 =	vmul.f32 v5, v5  }
0x257: {  	v2 =	vadd.f32 v3, v2  }
0x258: {  	v1 =	vmul.f32 v1, v1  }
0x259: {  	v2 =	vadd.f32 v4, v2;
	_ =	sdelay $0x1  }
0x25a: {  	v2 =	vadd.f32 v1, v2;
	_ =	sdelay $0x1  }
0x25b: {  	v1 =	vshra.s32 v2, $0x1;
	v3 =	vmul.f32 $5.000000000e-01, v2  }
0x25c: {  	v1 =	vsub.s32 $0x5F3759DF, v1  }
0x25d: {  	v4 =	vmul.f32 v1, v3;
	_ =	sdelay $0x1  }
0x25e: {  	v4 =	vmul.f32 v1, v4;
	_ =	sdelay $0x1  }
0x25f: {  	v4 =	vsub.f32 $1.500000000e+00, v4;
	_ =	sdelay $0x1  }
0x260: {  	v1 =	vmul.f32 v1, v4;
	_ =	sdelay $0x1  }
0x261: {  	v3 =	vmul.f32 v1, v3;
	_ =	sdelay $0x1  }
0x262: {  	v3 =	vmul.f32 v3, v1  }
0x263: {  	s16 =	sadd.s32 $0x20, s16  }
0x264: {  	s19 =	sadd.s32 $0xFFFFFFF0, s16;
	v3 =	vsub.f32 $1.500000000e+00, v3  }
.Ltmp0:
0x265: {  	v4 =	vmov s19;
	(pc) =	sbr.rel @p0 .LBB2_2-.Ltmp0, $4  }
0x266: {  	v4 =	vshll.u32 v4, $0x6;
	v3 =	vmul.f32 v3, v1  }
0x267: {  	vm0 =	vgt.f32 v2, $1.000000000e+00;
	v1 =	vor.u32 v0, v4  }
0x268: {  	v6 =	vor.u32 $0x1, v1;
	v5 =	vor.u32 $0x2, v1;
	v7 =	vmul.f32 $1.999999960e-02, v3  }
0x269: {  	v4 =	vor.u32 $0x3, v1;
	v2 =	vor.u32 $0x5, v1;
	v3 =	vor.u32 $0x4, v1  }
0x26a: {  	_ =	sdelay $0x1  }
0x26b: {  	v7 =	vnsel vm0, $0x3CA3D70A, v7  }
0x26c: {  	[tilespmem:s18+$0x0] =	vst v7  }
0x26d: {  	v7 =	vld.idx.msk [tilespmem:v1+s9+$0x0], $0xffff  }
0x26e: {  	v6 =	vld.idx.msk [tilespmem:v6+s9+$0x0], $0xffff;
	_ =	sdelay $0x1  }
0x26f: {  	v5 =	vld.idx.msk [tilespmem:v5+s9+$0x0], $0xffff;
	_ =	sdelay $0x1  }
0x270: {  	v4 =	vld.idx.msk [tilespmem:v4+s9+$0x0], $0xffff  }
0x271: {  	v8 =	vor.u32 $0x6, v1;
	v7 =	vmul.f32 v7, v7;
	v6 =	vmul.f32 v6, v6  }
0x272: {  	v3 =	vld.idx.msk [tilespmem:v3+s9+$0x0], $0xffff  }
0x273: {  	v9 =	vor.u32 $0x7, v1;
	v5 =	vmul.f32 v5, v5;
	v6 =	vadd.f32 v6, v7  }
0x274: {  	v2 =	vld.idx.msk [tilespmem:v2+s9+$0x0], $0xffff  }
0x275: {  	v53 =	vor.u32 $0x8, v1;
	v4 =	vmul.f32 v4, v4;
	v5 =	vadd.f32 v5, v6  }
0x276: {  	v54 =	vld.idx.msk [tilespmem:v8+s9+$0x0], $0xffff  }
0x277: {  	v55 =	vor.u32 $0x9, v1;
	v3 =	vmul.f32 v3, v3;
	v4 =	vadd.f32 v4, v5  }
0x278: {  	v56 =	vld.idx.msk [tilespmem:v9+s9+$0x0], $0xffff  }
0x279: {  	v57 =	vor.u32 $0xA, v1;
	v2 =	vmul.f32 v2, v2;
	v3 =	vadd.f32 v3, v4  }
0x27a: {  	v58 =	vld.idx.msk [tilespmem:v53+s9+$0x0], $0xffff  }
0x27b: {  	v59 =	vor.u32 $0xB, v1;
	v2 =	vadd.f32 v2, v3;
	v3 =	vmul.f32 v54, v54  }
0x27c: {  	v60 =	vld.idx.msk [tilespmem:v55+s9+$0x0], $0xffff  }
0x27d: {  	v61 =	vor.u32 $0xC, v1;
	v2 =	vadd.f32 v3, v2;
	v3 =	vmul.f32 v56, v56  }
0x27e: {  	v62 =	vld.idx.msk [tilespmem:v57+s9+$0x0], $0xffff  }
0x27f: {  	v63 =	vor.u32 $0xD, v1;
	v2 =	vadd.f32 v3, v2;
	v3 =	vmul.f32 v58, v58  }
0x280: {  	v12 =	vld.idx.msk [tilespmem:v59+s9+$0x0], $0xffff  }
0x281: {  	v13 =	vor.u32 $0xE, v1;
	v2 =	vadd.f32 v3, v2;
	v3 =	vmul.f32 v60, v60  }
0x282: {  	v14 =	vld.idx.msk [tilespmem:v61+s9+$0x0], $0xffff  }
0x283: {  	v15 =	vor.u32 $0xF, v1;
	v2 =	vadd.f32 v3, v2;
	v3 =	vmul.f32 v62, v62  }
0x284: {  	v16 =	vld.idx.msk [tilespmem:v63+s9+$0x0], $0xffff  }
0x285: {  	v17 =	vor.u32 $0x10, v1;
	v2 =	vadd.f32 v3, v2;
	v3 =	vmul.f32 v12, v12  }
0x286: {  	v18 =	vld.idx.msk [tilespmem:v13+s9+$0x0], $0xffff  }
0x287: {  	v19 =	vor.u32 $0x11, v1;
	v2 =	vadd.f32 v3, v2;
	v3 =	vmul.f32 v14, v14  }
0x288: {  	v20 =	vld.idx.msk [tilespmem:v15+s9+$0x0], $0xffff  }
0x289: {  	v21 =	vor.u32 $0x12, v1;
	v2 =	vadd.f32 v3, v2;
	v3 =	vmul.f32 v16, v16  }
0x28a: {  	v22 =	vld.idx.msk [tilespmem:v17+s9+$0x0], $0xffff  }
0x28b: {  	v23 =	vor.u32 $0x13, v1;
	v2 =	vadd.f32 v3, v2;
	v3 =	vmul.f32 v18, v18  }
0x28c: {  	v24 =	vld.idx.msk [tilespmem:v19+s9+$0x0], $0xffff  }
0x28d: {  	v25 =	vor.u32 $0x14, v1;
	v2 =	vadd.f32 v3, v2;
	v3 =	vmul.f32 v20, v20  }
0x28e: {  	v26 =	vld.idx.msk [tilespmem:v21+s9+$0x0], $0xffff  }
0x28f: {  	v27 =	vor.u32 $0x15, v1;
	v2 =	vadd.f32 v3, v2;
	v3 =	vmul.f32 v22, v22  }
0x290: {  	v28 =	vld.idx.msk [tilespmem:v23+s9+$0x0], $0xffff  }
0x291: {  	v29 =	vor.u32 $0x16, v1;
	v2 =	vadd.f32 v3, v2;
	v3 =	vmul.f32 v24, v24  }
0x292: {  	v30 =	vld.idx.msk [tilespmem:v25+s9+$0x0], $0xffff  }
0x293: {  	v31 =	vor.u32 $0x17, v1;
	v2 =	vadd.f32 v3, v2;
	v3 =	vmul.f32 v26, v26  }
0x294: {  	v32 =	vld.idx.msk [tilespmem:v27+s9+$0x0], $0xffff  }
0x295: {  	v33 =	vor.u32 $0x18, v1;
	v2 =	vadd.f32 v3, v2;
	v3 =	vmul.f32 v28, v28  }
0x296: {  	v34 =	vld.idx.msk [tilespmem:v29+s9+$0x0], $0xffff  }
0x297: {  	v35 =	vor.u32 $0x19, v1;
	v2 =	vadd.f32 v3, v2;
	v3 =	vmul.f32 v30, v30  }
0x298: {  	v36 =	vld.idx.msk [tilespmem:v31+s9+$0x0], $0xffff  }
0x299: {  	v37 =	vor.u32 $0x1A, v1;
	v2 =	vadd.f32 v3, v2;
	v3 =	vmul.f32 v32, v32  }
0x29a: {  	v38 =	vld.idx.msk [tilespmem:v33+s9+$0x0], $0xffff  }
0x29b: {  	v39 =	vor.u32 $0x1B, v1;
	v2 =	vadd.f32 v3, v2;
	v3 =	vmul.f32 v34, v34  }
0x29c: {  	v40 =	vld.idx.msk [tilespmem:v35+s9+$0x0], $0xffff  }
0x29d: {  	v41 =	vor.u32 $0x1C, v1;
	v2 =	vadd.f32 v3, v2;
	v3 =	vmul.f32 v36, v36  }
0x29e: {  	v42 =	vld.idx.msk [tilespmem:v37+s9+$0x0], $0xffff  }
0x29f: {  	v43 =	vor.u32 $0x1D, v1;
	v2 =	vadd.f32 v3, v2;
	v3 =	vmul.f32 v38, v38  }
0x2a0: {  	v44 =	vld.idx.msk [tilespmem:v39+s9+$0x0], $0xffff  }
0x2a1: {  	v45 =	vor.u32 $0x1E, v1;
	v2 =	vadd.f32 v3, v2;
	v3 =	vmul.f32 v40, v40  }
0x2a2: {  	v46 =	vld.idx.msk [tilespmem:v41+s9+$0x0], $0xffff  }
0x2a3: {  	v47 =	vor.u32 $0x1F, v1;
	v2 =	vadd.f32 v3, v2;
	v3 =	vmul.f32 v42, v42  }
0x2a4: {  	v48 =	vld.idx.msk [tilespmem:v43+s9+$0x0], $0xffff  }
0x2a5: {  	v49 =	vor.u32 $0x20, v1;
	v2 =	vadd.f32 v3, v2;
	v3 =	vmul.f32 v44, v44  }
0x2a6: {  	v50 =	vld.idx.msk [tilespmem:v45+s9+$0x0], $0xffff  }
0x2a7: {  	v51 =	vor.u32 $0x21, v1;
	v2 =	vadd.f32 v3, v2;
	v3 =	vmul.f32 v46, v46  }
0x2a8: {  	v52 =	vld.idx.msk [tilespmem:v47+s9+$0x0], $0xffff  }
0x2a9: {  	v53 =	vor.u32 $0x22, v1;
	v2 =	vadd.f32 v3, v2;
	v3 =	vmul.f32 v48, v48  }
0x2aa: {  	v54 =	vld.idx.msk [tilespmem:v49+s9+$0x0], $0xffff  }
0x2ab: {  	v55 =	vor.u32 $0x23, v1;
	v2 =	vadd.f32 v3, v2;
	v3 =	vmul.f32 v50, v50  }
0x2ac: {  	v56 =	vld.idx.msk [tilespmem:v51+s9+$0x0], $0xffff  }
0x2ad: {  	v57 =	vor.u32 $0x24, v1;
	v2 =	vadd.f32 v3, v2;
	v3 =	vmul.f32 v52, v52  }
0x2ae: {  	v58 =	vld.idx.msk [tilespmem:v53+s9+$0x0], $0xffff  }
0x2af: {  	v59 =	vor.u32 $0x25, v1;
	v2 =	vadd.f32 v3, v2;
	v3 =	vmul.f32 v54, v54  }
0x2b0: {  	v60 =	vld.idx.msk [tilespmem:v55+s9+$0x0], $0xffff  }
0x2b1: {  	v61 =	vor.u32 $0x26, v1;
	v2 =	vadd.f32 v3, v2;
	v3 =	vmul.f32 v56, v56  }
0x2b2: {  	v62 =	vld.idx.msk [tilespmem:v57+s9+$0x0], $0xffff  }
0x2b3: {  	v63 =	vor.u32 $0x27, v1;
	v2 =	vadd.f32 v3, v2;
	v3 =	vmul.f32 v58, v58  }
0x2b4: {  	v12 =	vld.idx.msk [tilespmem:v59+s9+$0x0], $0xffff  }
0x2b5: {  	v13 =	vor.u32 $0x28, v1;
	v2 =	vadd.f32 v3, v2;
	v3 =	vmul.f32 v60, v60  }
0x2b6: {  	v14 =	vld.idx.msk [tilespmem:v61+s9+$0x0], $0xffff  }
0x2b7: {  	v15 =	vor.u32 $0x29, v1;
	v2 =	vadd.f32 v3, v2;
	v3 =	vmul.f32 v62, v62  }
0x2b8: {  	v16 =	vld.idx.msk [tilespmem:v63+s9+$0x0], $0xffff  }
0x2b9: {  	v17 =	vor.u32 $0x2A, v1;
	v2 =	vadd.f32 v3, v2;
	v3 =	vmul.f32 v12, v12  }
0x2ba: {  	v18 =	vld.idx.msk [tilespmem:v13+s9+$0x0], $0xffff  }
0x2bb: {  	v19 =	vor.u32 $0x2B, v1;
	v2 =	vadd.f32 v3, v2;
	v3 =	vmul.f32 v14, v14  }
0x2bc: {  	v20 =	vld.idx.msk [tilespmem:v15+s9+$0x0], $0xffff  }
0x2bd: {  	v21 =	vor.u32 $0x2C, v1;
	v2 =	vadd.f32 v3, v2;
	v3 =	vmul.f32 v16, v16  }
0x2be: {  	v22 =	vld.idx.msk [tilespmem:v17+s9+$0x0], $0xffff  }
0x2bf: {  	v23 =	vor.u32 $0x2D, v1;
	v2 =	vadd.f32 v3, v2;
	v3 =	vmul.f32 v18, v18  }
0x2c0: {  	v24 =	vld.idx.msk [tilespmem:v19+s9+$0x0], $0xffff  }
0x2c1: {  	v25 =	vor.u32 $0x2E, v1;
	v2 =	vadd.f32 v3, v2;
	v3 =	vmul.f32 v20, v20  }
0x2c2: {  	v26 =	vld.idx.msk [tilespmem:v21+s9+$0x0], $0xffff  }
0x2c3: {  	v27 =	vor.u32 $0x2F, v1;
	v2 =	vadd.f32 v3, v2;
	v3 =	vmul.f32 v22, v22  }
0x2c4: {  	v28 =	vld.idx.msk [tilespmem:v23+s9+$0x0], $0xffff  }
0x2c5: {  	v29 =	vor.u32 $0x30, v1;
	v2 =	vadd.f32 v3, v2;
	v3 =	vmul.f32 v24, v24  }
0x2c6: {  	v30 =	vld.idx.msk [tilespmem:v25+s9+$0x0], $0xffff  }
0x2c7: {  	v31 =	vor.u32 $0x31, v1;
	v2 =	vadd.f32 v3, v2;
	v3 =	vmul.f32 v26, v26  }
0x2c8: {  	v32 =	vld.idx.msk [tilespmem:v27+s9+$0x0], $0xffff  }
0x2c9: {  	v33 =	vor.u32 $0x32, v1;
	v2 =	vadd.f32 v3, v2;
	v3 =	vmul.f32 v28, v28  }
0x2ca: {  	v34 =	vld.idx.msk [tilespmem:v29+s9+$0x0], $0xffff  }
0x2cb: {  	v35 =	vor.u32 $0x33, v1;
	v2 =	vadd.f32 v3, v2;
	v3 =	vmul.f32 v30, v30  }
0x2cc: {  	v36 =	vld.idx.msk [tilespmem:v31+s9+$0x0], $0xffff  }
0x2cd: {  	v37 =	vor.u32 $0x34, v1;
	v2 =	vadd.f32 v3, v2;
	v3 =	vmul.f32 v32, v32  }
0x2ce: {  	v38 =	vld.idx.msk [tilespmem:v33+s9+$0x0], $0xffff  }
0x2cf: {  	v39 =	vor.u32 $0x35, v1;
	v2 =	vadd.f32 v3, v2;
	v3 =	vmul.f32 v34, v34  }
0x2d0: {  	v40 =	vld.idx.msk [tilespmem:v35+s9+$0x0], $0xffff  }
0x2d1: {  	v41 =	vor.u32 $0x36, v1;
	v2 =	vadd.f32 v3, v2;
	v3 =	vmul.f32 v36, v36  }
0x2d2: {  	v42 =	vld.idx.msk [tilespmem:v37+s9+$0x0], $0xffff  }
0x2d3: {  	v43 =	vor.u32 $0x37, v1;
	v2 =	vadd.f32 v3, v2;
	v3 =	vmul.f32 v38, v38  }
0x2d4: {  	v44 =	vld.idx.msk [tilespmem:v39+s9+$0x0], $0xffff  }
0x2d5: {  	v45 =	vor.u32 $0x38, v1;
	v2 =	vadd.f32 v3, v2;
	v3 =	vmul.f32 v40, v40  }
0x2d6: {  	v46 =	vld.idx.msk [tilespmem:v41+s9+$0x0], $0xffff  }
0x2d7: {  	v47 =	vor.u32 $0x39, v1;
	v2 =	vadd.f32 v3, v2;
	v3 =	vmul.f32 v42, v42  }
0x2d8: {  	v48 =	vld.idx.msk [tilespmem:v43+s9+$0x0], $0xffff  }
0x2d9: {  	v49 =	vor.u32 $0x3A, v1;
	v2 =	vadd.f32 v3, v2;
	v3 =	vmul.f32 v44, v44  }
0x2da: {  	v50 =	vld.idx.msk [tilespmem:v45+s9+$0x0], $0xffff  }
0x2db: {  	v51 =	vor.u32 $0x3B, v1;
	v2 =	vadd.f32 v3, v2;
	v3 =	vmul.f32 v46, v46  }
0x2dc: {  	v52 =	vld.idx.msk [tilespmem:v47+s9+$0x0], $0xffff  }
0x2dd: {  	v53 =	vor.u32 $0x3C, v1;
	v2 =	vadd.f32 v3, v2;
	v3 =	vmul.f32 v48, v48  }
0x2de: {  	v54 =	vld.idx.msk [tilespmem:v49+s9+$0x0], $0xffff  }
0x2df: {  	v55 =	vor.u32 $0x3D, v1;
	v2 =	vadd.f32 v3, v2;
	v3 =	vmul.f32 v50, v50  }
0x2e0: {  	v56 =	vld.idx.msk [tilespmem:v51+s9+$0x0], $0xffff  }
0x2e1: {  	v57 =	vor.u32 $0x3E, v1;
	v2 =	vadd.f32 v3, v2;
	v3 =	vmul.f32 v52, v52  }
0x2e2: {  	v58 =	vld.idx.msk [tilespmem:v53+s9+$0x0], $0xffff  }
0x2e3: {  	v1 =	vor.u32 $0x3F, v1;
	v2 =	vadd.f32 v3, v2;
	v3 =	vmul.f32 v54, v54  }
0x2e4: {  	v59 =	vld.idx.msk [tilespmem:v55+s9+$0x0], $0xffff  }
0x2e5: {  	v2 =	vadd.f32 v3, v2;
	v3 =	vmul.f32 v56, v56  }
0x2e6: {  	v60 =	vld.idx.msk [tilespmem:v57+s9+$0x0], $0xffff  }
0x2e7: {  	v2 =	vadd.f32 v3, v2;
	v3 =	vmul.f32 v58, v58  }
0x2e8: {  	v1 =	vld.idx.msk [tilespmem:v1+s9+$0x0], $0xffff  }
0x2e9: {  	v2 =	vadd.f32 v3, v2;
	v3 =	vmul.f32 v59, v59;
	_ =	sdelay $0x1  }
0x2ea: {  	v2 =	vadd.f32 v3, v2;
	v3 =	vmul.f32 v60, v60;
	_ =	sdelay $0x1  }
0x2eb: {  	v1 =	vmul.f32 v1, v1;
	v2 =	vadd.f32 v3, v2;
	_ =	sdelay $0x1  }
0x2ec: {  	v2 =	vadd.f32 v1, v2;
	_ =	sdelay $0x1  }
0x2ed: {  	v1 =	vshra.s32 v2, $0x1;
	v3 =	vmul.f32 $5.000000000e-01, v2  }
0x2ee: {  	v1 =	vsub.s32 $0x5F3759DF, v1  }
0x2ef: {  	v61 =	vmul.f32 v1, v3;
	_ =	sdelay $0x1  }
0x2f0: {  	v4 =	vmul.f32 v1, v61;
	_ =	sdelay $0x1  }
0x2f1: {  	v4 =	vsub.f32 $1.500000000e+00, v4;
	_ =	sdelay $0x1  }
0x2f2: {  	v1 =	vmul.f32 v1, v4;
	_ =	sdelay $0x1  }
0x2f3: {  	v3 =	vmul.f32 v1, v3;
	_ =	sdelay $0x1  }
0x2f4: {  	v3 =	vmul.f32 v3, v1;
	_ =	sdelay $0x1  }
0x2f5: {  	v3 =	vsub.f32 $1.500000000e+00, v3  }
0x2f6: {  	v62 =	vmov s16  }
0x2f7: {  	v4 =	vshll.u32 v62, $0x6;
	v3 =	vmul.f32 v3, v1  }
0x2f8: {  	v1 =	vor.u32 v0, v4  }
0x2f9: {  	v4 =	vor.u32 $0x1, v1;
	v3 =	vmul.f32 $1.999999960e-02, v3  }
0x2fa: {  	vm14 =	vgt.f32 v2, $1.000000000e+00  }
0x2fb: {  	s15 =	sadd.s32 $0x20, s15;
	v2 =	vor.u32 $0x2, v1;
	v3 =	vnsel vm14, $0x3CA3D70A, v3  }
0x2fc: {  	[tilespmem:s15+$0xFFFFFFF0] =	vst v3  }
0x2fd: {  	v3 =	vor.u32 $0x3, v1;
	v63 =	vld.idx.msk [tilespmem:v1+s9+$0x0], $0xffff  }
0x2fe: {  	v4 =	vld.idx.msk [tilespmem:v4+s9+$0x0], $0xffff  }
0x2ff: {  	v12 =	vor.u32 $0x4, v1  }
0x300: {  	v2 =	vld.idx.msk [tilespmem:v2+s9+$0x0], $0xffff  }
0x301: {  	v13 =	vor.u32 $0x5, v1  }
0x302: {  	v3 =	vld.idx.msk [tilespmem:v3+s9+$0x0], $0xffff  }
0x303: {  	v14 =	vor.u32 $0x6, v1;
	v5 =	vmul.f32 v63, v63;
	v4 =	vmul.f32 v4, v4  }
0x304: {  	v6 =	vld.idx.msk [tilespmem:v12+s9+$0x0], $0xffff  }
0x305: {  	v15 =	vor.u32 $0x7, v1;
	v2 =	vmul.f32 v2, v2;
	v4 =	vadd.f32 v4, v5  }
0x306: {  	v16 =	vld.idx.msk [tilespmem:v13+s9+$0x0], $0xffff  }
0x307: {  	v17 =	vor.u32 $0x8, v1;
	v3 =	vmul.f32 v3, v3;
	v2 =	vadd.f32 v2, v4  }
0x308: {  	v18 =	vld.idx.msk [tilespmem:v14+s9+$0x0], $0xffff  }
0x309: {  	v19 =	vor.u32 $0x9, v1;
	v6 =	vmul.f32 v6, v6;
	v2 =	vadd.f32 v3, v2  }
0x30a: {  	v3 =	vld.idx.msk [tilespmem:v15+s9+$0x0], $0xffff  }
0x30b: {  	v20 =	vor.u32 $0xA, v1;
	v5 =	vmul.f32 v16, v16;
	v2 =	vadd.f32 v6, v2  }
0x30c: {  	v21 =	vld.idx.msk [tilespmem:v17+s9+$0x0], $0xffff  }
0x30d: {  	v22 =	vor.u32 $0xB, v1;
	v4 =	vmul.f32 v18, v18;
	v2 =	vadd.f32 v5, v2  }
0x30e: {  	v23 =	vld.idx.msk [tilespmem:v19+s9+$0x0], $0xffff  }
0x30f: {  	v24 =	vor.u32 $0xC, v1;
	v3 =	vmul.f32 v3, v3;
	v2 =	vadd.f32 v4, v2  }
0x310: {  	v25 =	vld.idx.msk [tilespmem:v20+s9+$0x0], $0xffff  }
0x311: {  	v26 =	vor.u32 $0xD, v1;
	v6 =	vmul.f32 v21, v21;
	v2 =	vadd.f32 v3, v2  }
0x312: {  	v3 =	vld.idx.msk [tilespmem:v22+s9+$0x0], $0xffff  }
0x313: {  	v27 =	vor.u32 $0xE, v1;
	v5 =	vmul.f32 v23, v23;
	v2 =	vadd.f32 v6, v2  }
0x314: {  	v28 =	vld.idx.msk [tilespmem:v24+s9+$0x0], $0xffff  }
0x315: {  	v29 =	vor.u32 $0xF, v1;
	v4 =	vmul.f32 v25, v25;
	v2 =	vadd.f32 v5, v2  }
0x316: {  	v30 =	vld.idx.msk [tilespmem:v26+s9+$0x0], $0xffff  }
0x317: {  	v31 =	vor.u32 $0x10, v1;
	v3 =	vmul.f32 v3, v3;
	v2 =	vadd.f32 v4, v2  }
0x318: {  	v32 =	vld.idx.msk [tilespmem:v27+s9+$0x0], $0xffff  }
0x319: {  	v33 =	vor.u32 $0x11, v1;
	v6 =	vmul.f32 v28, v28;
	v2 =	vadd.f32 v3, v2  }
0x31a: {  	v3 =	vld.idx.msk [tilespmem:v29+s9+$0x0], $0xffff  }
0x31b: {  	v34 =	vor.u32 $0x12, v1;
	v5 =	vmul.f32 v30, v30;
	v2 =	vadd.f32 v6, v2  }
0x31c: {  	v35 =	vld.idx.msk [tilespmem:v31+s9+$0x0], $0xffff  }
0x31d: {  	v36 =	vor.u32 $0x13, v1;
	v4 =	vmul.f32 v32, v32;
	v2 =	vadd.f32 v5, v2  }
0x31e: {  	v37 =	vld.idx.msk [tilespmem:v33+s9+$0x0], $0xffff  }
0x31f: {  	v38 =	vor.u32 $0x14, v1;
	v3 =	vmul.f32 v3, v3;
	v2 =	vadd.f32 v4, v2  }
0x320: {  	v39 =	vld.idx.msk [tilespmem:v34+s9+$0x0], $0xffff  }
0x321: {  	v40 =	vor.u32 $0x15, v1;
	v6 =	vmul.f32 v35, v35;
	v2 =	vadd.f32 v3, v2  }
0x322: {  	v3 =	vld.idx.msk [tilespmem:v36+s9+$0x0], $0xffff  }
0x323: {  	v41 =	vor.u32 $0x16, v1;
	v5 =	vmul.f32 v37, v37;
	v2 =	vadd.f32 v6, v2  }
0x324: {  	v42 =	vld.idx.msk [tilespmem:v38+s9+$0x0], $0xffff  }
0x325: {  	v43 =	vor.u32 $0x17, v1;
	v4 =	vmul.f32 v39, v39;
	v2 =	vadd.f32 v5, v2  }
0x326: {  	v44 =	vld.idx.msk [tilespmem:v40+s9+$0x0], $0xffff  }
0x327: {  	v45 =	vor.u32 $0x18, v1;
	v3 =	vmul.f32 v3, v3;
	v2 =	vadd.f32 v4, v2  }
0x328: {  	v46 =	vld.idx.msk [tilespmem:v41+s9+$0x0], $0xffff  }
0x329: {  	v47 =	vor.u32 $0x19, v1;
	v6 =	vmul.f32 v42, v42;
	v2 =	vadd.f32 v3, v2  }
0x32a: {  	v3 =	vld.idx.msk [tilespmem:v43+s9+$0x0], $0xffff  }
0x32b: {  	v48 =	vor.u32 $0x1A, v1;
	v5 =	vmul.f32 v44, v44;
	v2 =	vadd.f32 v6, v2  }
0x32c: {  	v49 =	vld.idx.msk [tilespmem:v45+s9+$0x0], $0xffff  }
0x32d: {  	v50 =	vor.u32 $0x1B, v1;
	v4 =	vmul.f32 v46, v46;
	v2 =	vadd.f32 v5, v2  }
0x32e: {  	v51 =	vld.idx.msk [tilespmem:v47+s9+$0x0], $0xffff  }
0x32f: {  	v52 =	vor.u32 $0x1C, v1;
	v3 =	vmul.f32 v3, v3;
	v2 =	vadd.f32 v4, v2  }
0x330: {  	v53 =	vld.idx.msk [tilespmem:v48+s9+$0x0], $0xffff  }
0x331: {  	v54 =	vor.u32 $0x1D, v1;
	v6 =	vmul.f32 v49, v49;
	v2 =	vadd.f32 v3, v2  }
0x332: {  	v3 =	vld.idx.msk [tilespmem:v50+s9+$0x0], $0xffff  }
0x333: {  	v55 =	vor.u32 $0x1E, v1;
	v5 =	vmul.f32 v51, v51;
	v2 =	vadd.f32 v6, v2  }
0x334: {  	v56 =	vld.idx.msk [tilespmem:v52+s9+$0x0], $0xffff  }
0x335: {  	v57 =	vor.u32 $0x1F, v1;
	v4 =	vmul.f32 v53, v53;
	v2 =	vadd.f32 v5, v2  }
0x336: {  	v58 =	vld.idx.msk [tilespmem:v54+s9+$0x0], $0xffff  }
0x337: {  	v59 =	vor.u32 $0x20, v1;
	v3 =	vmul.f32 v3, v3;
	v2 =	vadd.f32 v4, v2  }
0x338: {  	v60 =	vld.idx.msk [tilespmem:v55+s9+$0x0], $0xffff  }
0x339: {  	v61 =	vor.u32 $0x21, v1;
	v6 =	vmul.f32 v56, v56;
	v2 =	vadd.f32 v3, v2  }
0x33a: {  	v3 =	vld.idx.msk [tilespmem:v57+s9+$0x0], $0xffff  }
0x33b: {  	v62 =	vor.u32 $0x22, v1;
	v5 =	vmul.f32 v58, v58;
	v2 =	vadd.f32 v6, v2  }
0x33c: {  	v63 =	vld.idx.msk [tilespmem:v59+s9+$0x0], $0xffff  }
0x33d: {  	v12 =	vor.u32 $0x23, v1;
	v4 =	vmul.f32 v60, v60;
	v2 =	vadd.f32 v5, v2  }
0x33e: {  	v13 =	vld.idx.msk [tilespmem:v61+s9+$0x0], $0xffff  }
0x33f: {  	v14 =	vor.u32 $0x24, v1;
	v3 =	vmul.f32 v3, v3;
	v2 =	vadd.f32 v4, v2  }
0x340: {  	v15 =	vld.idx.msk [tilespmem:v62+s9+$0x0], $0xffff  }
0x341: {  	v16 =	vor.u32 $0x25, v1;
	v6 =	vmul.f32 v63, v63;
	v2 =	vadd.f32 v3, v2  }
0x342: {  	v3 =	vld.idx.msk [tilespmem:v12+s9+$0x0], $0xffff  }
0x343: {  	v17 =	vor.u32 $0x26, v1;
	v5 =	vmul.f32 v13, v13;
	v2 =	vadd.f32 v6, v2  }
0x344: {  	v18 =	vld.idx.msk [tilespmem:v14+s9+$0x0], $0xffff  }
0x345: {  	v19 =	vor.u32 $0x27, v1;
	v4 =	vmul.f32 v15, v15;
	v2 =	vadd.f32 v5, v2  }
0x346: {  	v20 =	vld.idx.msk [tilespmem:v16+s9+$0x0], $0xffff  }
0x347: {  	v21 =	vor.u32 $0x28, v1;
	v3 =	vmul.f32 v3, v3;
	v2 =	vadd.f32 v4, v2  }
0x348: {  	v22 =	vld.idx.msk [tilespmem:v17+s9+$0x0], $0xffff  }
0x349: {  	v23 =	vor.u32 $0x29, v1;
	v6 =	vmul.f32 v18, v18;
	v2 =	vadd.f32 v3, v2  }
0x34a: {  	v3 =	vld.idx.msk [tilespmem:v19+s9+$0x0], $0xffff  }
0x34b: {  	v24 =	vor.u32 $0x2A, v1;
	v5 =	vmul.f32 v20, v20;
	v2 =	vadd.f32 v6, v2  }
0x34c: {  	v25 =	vld.idx.msk [tilespmem:v21+s9+$0x0], $0xffff  }
0x34d: {  	v26 =	vor.u32 $0x2B, v1;
	v4 =	vmul.f32 v22, v22;
	v2 =	vadd.f32 v5, v2  }
0x34e: {  	v27 =	vld.idx.msk [tilespmem:v23+s9+$0x0], $0xffff  }
0x34f: {  	v28 =	vor.u32 $0x2C, v1;
	v3 =	vmul.f32 v3, v3;
	v2 =	vadd.f32 v4, v2  }
0x350: {  	v29 =	vld.idx.msk [tilespmem:v24+s9+$0x0], $0xffff  }
0x351: {  	v30 =	vor.u32 $0x2D, v1;
	v6 =	vmul.f32 v25, v25;
	v2 =	vadd.f32 v3, v2  }
0x352: {  	v3 =	vld.idx.msk [tilespmem:v26+s9+$0x0], $0xffff  }
0x353: {  	v31 =	vor.u32 $0x2E, v1;
	v5 =	vmul.f32 v27, v27;
	v2 =	vadd.f32 v6, v2  }
0x354: {  	v32 =	vld.idx.msk [tilespmem:v28+s9+$0x0], $0xffff  }
0x355: {  	v33 =	vor.u32 $0x2F, v1;
	v4 =	vmul.f32 v29, v29;
	v2 =	vadd.f32 v5, v2  }
0x356: {  	v34 =	vld.idx.msk [tilespmem:v30+s9+$0x0], $0xffff  }
0x357: {  	v35 =	vor.u32 $0x30, v1;
	v3 =	vmul.f32 v3, v3;
	v2 =	vadd.f32 v4, v2  }
0x358: {  	v36 =	vld.idx.msk [tilespmem:v31+s9+$0x0], $0xffff  }
0x359: {  	v37 =	vor.u32 $0x31, v1;
	v6 =	vmul.f32 v32, v32;
	v2 =	vadd.f32 v3, v2  }
0x35a: {  	v3 =	vld.idx.msk [tilespmem:v33+s9+$0x0], $0xffff  }
0x35b: {  	v38 =	vor.u32 $0x32, v1;
	v5 =	vmul.f32 v34, v34;
	v2 =	vadd.f32 v6, v2  }
0x35c: {  	v39 =	vld.idx.msk [tilespmem:v35+s9+$0x0], $0xffff  }
0x35d: {  	v40 =	vor.u32 $0x33, v1;
	v4 =	vmul.f32 v36, v36;
	v2 =	vadd.f32 v5, v2  }
0x35e: {  	v41 =	vld.idx.msk [tilespmem:v37+s9+$0x0], $0xffff  }
0x35f: {  	v42 =	vor.u32 $0x34, v1;
	v3 =	vmul.f32 v3, v3;
	v2 =	vadd.f32 v4, v2  }
0x360: {  	v43 =	vld.idx.msk [tilespmem:v38+s9+$0x0], $0xffff  }
0x361: {  	v44 =	vor.u32 $0x35, v1;
	v6 =	vmul.f32 v39, v39;
	v2 =	vadd.f32 v3, v2  }
0x362: {  	v3 =	vld.idx.msk [tilespmem:v40+s9+$0x0], $0xffff  }
0x363: {  	v45 =	vor.u32 $0x36, v1;
	v5 =	vmul.f32 v41, v41;
	v2 =	vadd.f32 v6, v2  }
0x364: {  	v46 =	vld.idx.msk [tilespmem:v42+s9+$0x0], $0xffff  }
0x365: {  	v47 =	vor.u32 $0x37, v1;
	v4 =	vmul.f32 v43, v43;
	v2 =	vadd.f32 v5, v2  }
0x366: {  	v48 =	vld.idx.msk [tilespmem:v44+s9+$0x0], $0xffff  }
0x367: {  	v49 =	vor.u32 $0x38, v1;
	v3 =	vmul.f32 v3, v3;
	v2 =	vadd.f32 v4, v2  }
0x368: {  	v50 =	vld.idx.msk [tilespmem:v45+s9+$0x0], $0xffff  }
0x369: {  	v51 =	vor.u32 $0x39, v1;
	v6 =	vmul.f32 v46, v46;
	v2 =	vadd.f32 v3, v2  }
0x36a: {  	v3 =	vld.idx.msk [tilespmem:v47+s9+$0x0], $0xffff  }
0x36b: {  	v52 =	vor.u32 $0x3A, v1;
	v5 =	vmul.f32 v48, v48;
	v2 =	vadd.f32 v6, v2  }
0x36c: {  	v53 =	vld.idx.msk [tilespmem:v49+s9+$0x0], $0xffff  }
0x36d: {  	v54 =	vor.u32 $0x3B, v1;
	v4 =	vmul.f32 v50, v50;
	v2 =	vadd.f32 v5, v2  }
0x36e: {  	v55 =	vld.idx.msk [tilespmem:v51+s9+$0x0], $0xffff  }
0x36f: {  	v56 =	vor.u32 $0x3C, v1;
	v3 =	vmul.f32 v3, v3;
	v2 =	vadd.f32 v4, v2  }
0x370: {  	v57 =	vld.idx.msk [tilespmem:v52+s9+$0x0], $0xffff  }
0x371: {  	v58 =	vor.u32 $0x3D, v1;
	v6 =	vmul.f32 v53, v53;
	v2 =	vadd.f32 v3, v2  }
0x372: {  	v3 =	vld.idx.msk [tilespmem:v54+s9+$0x0], $0xffff  }
0x373: {  	v59 =	vor.u32 $0x3E, v1;
	v5 =	vmul.f32 v55, v55;
	v2 =	vadd.f32 v6, v2  }
0x374: {  	v60 =	vld.idx.msk [tilespmem:v56+s9+$0x0], $0xffff  }
0x375: {  	v1 =	vor.u32 $0x3F, v1;
	v4 =	vmul.f32 v57, v57;
	v2 =	vadd.f32 v5, v2  }
0x376: {  	v61 =	vld.idx.msk [tilespmem:v58+s9+$0x0], $0xffff  }
0x377: {  	v3 =	vmul.f32 v3, v3;
	v2 =	vadd.f32 v4, v2  }
0x378: {  	v62 =	vld.idx.msk [tilespmem:v59+s9+$0x0], $0xffff  }
0x379: {  	v6 =	vmul.f32 v60, v60;
	v2 =	vadd.f32 v3, v2  }
0x37a: {  	v1 =	vld.idx.msk [tilespmem:v1+s9+$0x0], $0xffff  }
0x37b: {  	v3 =	vmul.f32 v61, v61;
	v2 =	vadd.f32 v6, v2;
	_ =	sdelay $0x1  }
0x37c: {  	v4 =	vmul.f32 v62, v62;
	v2 =	vadd.f32 v3, v2;
	_ =	sdelay $0x1  }
0x37d: {  	v1 =	vmul.f32 v1, v1;
	v2 =	vadd.f32 v4, v2;
	_ =	sdelay $0x1  }
0x37e: {  	v1 =	vadd.f32 v1, v2;
	_ =	sdelay $0x1  }
0x37f: {  	v2 =	vshra.s32 v1, $0x1;
	v3 =	vmul.f32 $5.000000000e-01, v1  }
0x380: {  	v2 =	vsub.s32 $0x5F3759DF, v2  }
0x381: {  	v63 =	vmul.f32 v2, v3;
	_ =	sdelay $0x1  }
0x382: {  	v4 =	vmul.f32 v2, v63;
	_ =	sdelay $0x1  }
0x383: {  	v4 =	vsub.f32 $1.500000000e+00, v4;
	_ =	sdelay $0x1  }
0x384: {  	v2 =	vmul.f32 v2, v4;
	_ =	sdelay $0x1  }
0x385: {  	v3 =	vmul.f32 v2, v3;
	_ =	sdelay $0x1  }
0x386: {  	v3 =	vmul.f32 v3, v2;
	_ =	sdelay $0x1  }
0x387: {  	v3 =	vsub.f32 $1.500000000e+00, v3;
	_ =	sdelay $0x1  }
0x388: {  	v2 =	vmul.f32 v3, v2;
	_ =	sdelay $0x1  }
0x389: {  	v2 =	vmul.f32 $1.999999960e-02, v2  }
0x38a: {  	vm15 =	vgt.f32 v1, $1.000000000e+00  }
0x38b: {  	v1 =	vnsel vm15, $0x3CA3D70A, v2  }
0x38c: {  	s17 =	simm.s32 $0x0;
	s16 =	simm.s32 $0x680;
	[tilespmem:s15+$0x0] =	vst v1;
	s15 =	simm.s32 $0x0  }
.LBB2_4:
0x38d: {  	s18 =	sadd.s32 $0xFFFFFFFE, s17  }
0x38e: {  	s19 =	sadd.s32 $0x2, s18  }
0x38f: {  	v1 =	vmov s19  }
0x390: {  	s18 =	sadd.s32 $0x3, s18;
	v1 =	vand.u32 $0xFFFFFFFE, v1  }
0x391: {  	v3 =	vld [tilespmem:s16+$0x0];
	v2 =	vmov s18;
	v1 =	vbroadcast v1, $0x0  }
0x392: {  	v4 =	vld [tilespmem:s16+$0x10]  }
0x393: {  	v5 =	vld [tilespmem:s16+$0xFFFFFFC0]  }
0x394: {  	v9 =	vld [tilespmem:s16+$0xFFFFFFD0]  }
0x395: {  	v11 =	vld [tilespmem:s16+$0xFFFFFFE0]  }
0x396: {  	s20 =	sadd.s32 $0x0, s17;
	v14 =	vld.idx.msk [tilespmem:v2+s12+$0x0], $0xffff  }
0x397: {  	s21 =	sadd.s32 $0x2, s20;
	v10 =	vld.idx.msk [tilespmem:v1+s12+$0x0], $0xffff  }
0x398: {  	v12 =	vld [tilespmem:s16+$0xFFFFFFF0];
	v1 =	vmov s21  }
0x399: {  	v15 =	vld [tilespmem:s16+$0x20];
	s18 =	sadd.s32 $0x3, s20;
	v1 =	vand.u32 $0xFFFFFFFE, v1  }
0x39a: {  	v17 =	vld [tilespmem:s16+$0x30];
	v16 =	vmov s18;
	s18 =	sadd.s32 $0x80, s16;
	v6 =	vbroadcast v1, $0x0  }
0x39b: {  	v2 =	vld [tilespmem:s18+$0x10];
	v7 =	vmul.f32 v3, v14;
	v8 =	vmul.f32 v4, v14  }
0x39c: {  	v1 =	vld [tilespmem:s18+$0x0];
	v3 =	vmul.f32 v5, v10;
	v9 =	vmul.f32 v9, v10  }
0x39d: {  	v18 =	vimm.f32 $0.0e+00;
	v4 =	vld [tilespmem:s18+$0xFFFFFFC0];
	v11 =	vmul.f32 v11, v10;
	v19 =	vmul.f32 v12, v10  }
0x39e: {  	v5 =	vld [tilespmem:s18+$0xFFFFFFD0];
	v12 =	vadd.f32 v3, v18;
	v13 =	vadd.f32 v9, v18;
	v9 =	vmul.f32 v15, v14  }
0x39f: {  	s19 =	simm.s32 $0x2;
	v3 =	vld.idx.msk [tilespmem:v16+s12+$0x0], $0xffff;
	v10 =	vadd.f32 v11, v18;
	v11 =	vadd.f32 v19, v18;
	v14 =	vmul.f32 v17, v14  }
.LBB2_5:
0x3a0: {  	s20 =	sadd.s32 s19, s17;
	v15 =	vld.idx.msk [tilespmem:v6+s12+$0x0], $0xffff;
	v12 =	vadd.f32 v7, v12;
	v13 =	vadd.f32 v8, v13  }
0x3a1: {  	s19 =	sadd.s32 $0x2, s19;
	s21 =	sadd.s32 $0x2, s20;
	v16 =	vld [tilespmem:s18+$0xFFFFFFE0];
	v10 =	vadd.f32 v9, v10;
	v11 =	vadd.f32 v14, v11  }
0x3a2: {  	p0 =	slt.u32 s19, $0x30;
	v6 =	vmov s21;
	v9 =	vld [tilespmem:s18+$0xFFFFFFF0]  }
0x3a3: {  	s20 =	sadd.s32 $0x3, s20;
	v6 =	vand.u32 $0xFFFFFFFE, v6;
	v14 =	vld [tilespmem:s18+$0x20]  }
0x3a4: {  	v17 =	vmov s20;
	v6 =	vbroadcast v6, $0x0;
	v18 =	vld [tilespmem:s18+$0x30];
	s18 =	sadd.s32 $0x80, s18  }
.Ltmp1:
0x3a5: {  	v7 =	vmul.f32 v1, v3;
	v8 =	vmul.f32 v2, v3;
	v1 =	vld [tilespmem:s18+$0x0];
	(pc) =	sbr.rel @p0 .LBB2_5-.Ltmp1, $4  }
0x3a6: {  	v19 =	vmul.f32 v4, v15;
	v20 =	vmul.f32 v5, v15;
	v2 =	vld [tilespmem:s18+$0x10]  }
0x3a7: {  	v16 =	vmul.f32 v16, v15;
	v4 =	vld [tilespmem:s18+$0xFFFFFFC0];
	v15 =	vmul.f32 v9, v15  }
0x3a8: {  	v12 =	vadd.f32 v19, v12;
	v13 =	vadd.f32 v20, v13;
	v5 =	vld [tilespmem:s18+$0xFFFFFFD0];
	v9 =	vmul.f32 v14, v3  }
0x3a9: {  	v10 =	vadd.f32 v16, v10;
	v11 =	vadd.f32 v15, v11;
	v14 =	vmul.f32 v18, v3;
	v3 =	vld.idx.msk [tilespmem:v17+s12+$0x0], $0xffff  }
0x3aa: {  	_ =	sdelay $0x3  }
0x3ab: {  	v6 =	vld.idx.msk [tilespmem:v6+s12+$0x0], $0xffff;
	_ =	sdelay $0x1  }
0x3ac: {  	v15 =	vld [tilespmem:s18+$0xFFFFFFE0]  }
0x3ad: {  	v16 =	vld [tilespmem:s18+$0xFFFFFFF0]  }
0x3ae: {  	v17 =	vld [tilespmem:s18+$0x20]  }
0x3af: {  	v7 =	vadd.f32 v7, v12;
	v8 =	vadd.f32 v8, v13;
	v57 =	vld [tilespmem:s18+$0x30];
	v4 =	vmul.f32 v4, v6  }
0x3b0: {  	v9 =	vadd.f32 v9, v10;
	v58 =	vadd.f32 v14, v11;
	v5 =	vmul.f32 v5, v6  }
0x3b1: {  	v1 =	vmul.f32 v1, v3;
	v59 =	vmul.f32 v15, v6;
	v4 =	vadd.f32 v4, v7  }
0x3b2: {  	s21 =	sshll.u32 s15, $0x6;
	s15 =	sadd.s32 $0x1, s15;
	v2 =	vmul.f32 v2, v3;
	v6 =	vmul.f32 v16, v6;
	v5 =	vadd.f32 v5, v8  }
0x3b3: {  	p0 =	sne.s32 s15, $0x20;
	v60 =	vmul.f32 v17, v3;
	v61 =	vadd.f32 v59, v9;
	v1 =	vadd.f32 v1, v4  }
.Ltmp2:
0x3b4: {  	s18 =	sand.u32 $0x3FFFFFC0, s21;
	v3 =	vmul.f32 v57, v3;
	v62 =	vadd.f32 v6, v58;
	v2 =	vadd.f32 v2, v5;
	(pc) =	sbr.rel @p0 .LBB2_4-.Ltmp2, $4  }
0x3b5: {  	v63 =	vadd.f32 v60, v61;
	[tilespmem:s18+$0x19C80] =	vst v1  }
0x3b6: {  	v1 =	vadd.f32 v3, v62;
	[tilespmem:s18+$0x19C90] =	vst v2  }
0x3b7: {  	[tilespmem:s18+$0x19CA0] =	vst v63  }
0x3b8: {  	s17 =	sadd.s32 $0x32, s17;
	s16 =	sadd.s32 $0xC80, s16;
	[tilespmem:s18+$0x19CB0] =	vst v1  }
0x3b9: {  	s14 =	sadd.s32 $0x1, s14  }
0x3ba: {  	p0 =	sne.s32 s14, s6  }
.Ltmp3:
0x3bb: {  	_ = 	snop;
	(pc) =	sbr.rel @p0 .LBB2_1-.Ltmp3, $4  }
0x3bc: {  	[hbm4b:s5+s2] =	stream.linear.scatter [tilespmem:s13], [sflag:$0x2], $0x800, $0x38;
	[tilespmem:$0x1A480] =	vst v63  }
0x3bd: {  	_ =	swait.ge [sflag:s7], $0x800  }
0x3be: {  	[sflag:s7] =	ssyncset.done $0x0  }
0x3bf: {  	[sflag:s7] =	ssyncadd.s32 $0xFFFFF800  }
0x3c0: {  	_ =	sfence.sel $0x180000  }
0x3c1: {  	[bflag:$0x0] =	sbarrier.arrive $0xFFFF  }
0x3c2: {  	_ =	strace $0x90000047  }
0x3c3: {  	s0 =	stileid.u32;
	[bflag:$0x2] =	sbarrier.arrive $0xFFFF  }
0x3c4: {  	p0 =	sne.s32 s0, $0x0;
	s0 =	rddreg [dreg:$0x2]  }
0x3c5: {  	s0 =	sadd.s32 @!p0 $0x100000, s0  }
0x3c6: {  	[sflag:s0] =	ssyncadd.tile.s32 @!p0 $0x1;
	_ =	shalt  }
.Lfunc_end2:
_tile_overlayer_lowered:
.L_overlay_start_2:
0x3c7: {  	(tag) =	ssettag $0x2  }
0x3c8: {  	s0 =	rddreg [dreg:$0x0];
	s2 =	stileid.u32  }
0x3c9: {  	s1 =	rddreg [dreg:$0x1];
	p0 =	sne.s32 s2, $0x0  }
0x3ca: {  	s3 =	rddreg [dreg:$0x2];
	[bflag:$0x3] =	sbarrier.arrive $0xFFFF;
	s2 =	simm.s32 @!p0 $0x1C02  }
0x3cb: {  	[timem:s3], [sflag:s2] =	dma.local @!p0 [hbm:s0], s1  }
0x3cc: {  	s0 =	simm.s32 @!p0 $0x2  }
0x3cd: {  	_ =	swait.ge @!p0 [sflag:s0], s1  }
0x3ce: {  	s1 =	ssub.s32 @!p0 $0x0, s1;
	[sflag:s0] =	ssyncset.done @!p0 $0x0  }
0x3cf: {  	[sflag:s0] =	ssyncadd.s32 @!p0 s1  }
0x3d0: {  	[bflag:$0x3] =	sbarrier.arrive $0xFFFF  }
0x3d1: {  	_ =	shalt  }

</sc_bundles>
